<compile_context>
chip_gen: v7x
topology: tpu7x:2x2x1
jax: 0.10.2.dev20260603
libtpu: 0.0.44.dev20260713+nightly
codegen_flags: <defaults>
</compile_context>

<pallas_src>
import functools

import jax
import jax.numpy as jnp
from jax import lax
from jax.experimental import pallas as pl
from jax.experimental.pallas import tpu as pltpu
from jax.experimental.pallas import tpu_sc as plsc

N_ROWS = 16384
N_IN = 1278
N_OUT = 2048
L = 16

NC = 2
NS = 16
NW = NC * NS
ROWS_PER_W = N_ROWS // NW
R = 16
CHUNKS = ROWS_PER_W // R
G = N_OUT // L
NBUF = 2


def kernel(x, routing_indices, valid_mask):
    mesh = plsc.VectorSubcoreMesh(core_axis_name="c", subcore_axis_name="s")

    @functools.partial(
        pl.kernel,
        mesh=mesh,
        out_type=jax.ShapeDtypeStruct((N_ROWS, N_OUT), jnp.float32),
        compiler_params=pltpu.CompilerParams(needs_layout_passes=False),
        scratch_types=[
            pltpu.VMEM((N_OUT,), jnp.int32),
            pltpu.VMEM((N_OUT,), jnp.float32),
            pltpu.VMEM((R, N_IN), jnp.float32),
            pltpu.VMEM((R, N_IN), jnp.float32),
            pltpu.VMEM((R, N_OUT), jnp.float32),
            pltpu.VMEM((R, N_OUT), jnp.float32),
            pltpu.SemaphoreType.DMA((NBUF,)),
            pltpu.SemaphoreType.DMA((NBUF,)),
        ],
    )
    def k(x_hbm, ri_hbm, vm_hbm, out_hbm, idx_v, vm_v, xbuf0, xbuf1,
          obuf0, obuf1, isem, osem):
        xbufs = [xbuf0, xbuf1]
        obufs = [obuf0, obuf1]
        wid = lax.axis_index("s") * NC + lax.axis_index("c")
        pltpu.sync_copy(ri_hbm, idx_v)
        pltpu.sync_copy(vm_hbm, vm_v)
        base = wid * ROWS_PER_W

        def in_copy(ci, b):
            row0 = base + ci * R
            return pltpu.make_async_copy(
                x_hbm.at[pl.ds(row0, R), :], xbufs[b], isem.at[b]
            )

        def out_copy(ci, b):
            row0 = base + ci * R
            return pltpu.make_async_copy(
                obufs[b], out_hbm.at[pl.ds(row0, R), :], osem.at[b]
            )

        for b in range(NBUF):
            in_copy(b, b).start()

        row_vecs = [jnp.full((L,), r, jnp.int32) for r in range(R)]

        def step_body(ci2, carry):
            for b in range(NBUF):
                ci = ci2 * NBUF + b
                in_copy(ci, b).wait()
                @pl.when(ci >= NBUF)
                def _():
                    out_copy(ci, b).wait()

                @plsc.parallel_loop(0, G, unroll=4)
                def _(g):
                    goff = g * L
                    idx16 = idx_v[pl.ds(goff, L)]
                    m16 = vm_v[pl.ds(goff, L)]
                    for r in range(R):
                        vals = plsc.load_gather(xbufs[b], [row_vecs[r], idx16])
                        obufs[b][r, pl.ds(goff, L)] = vals * m16
                out_copy(ci, b).start()

                @pl.when(ci + NBUF < CHUNKS)
                def _():
                    in_copy(ci + NBUF, b).start()

            return carry

        lax.fori_loop(0, CHUNKS // NBUF, step_body, 0, unroll=1)

        for b in range(NBUF):
            out_copy(CHUNKS - NBUF + b, b).wait()

    return k(x, routing_indices, valid_mask)

# --- scband reference (transcript-rebuilt; emitter-appended) ---
"""Pipeline reference for scband-neuron-iorouting-8048768712795 (READ-ONLY COPY).

The authoritative reference and input builder live on the scoring server;
editing this copy changes nothing except your own understanding.
"""

import jax, jax.numpy as jnp
import numpy as np
import math

NUM_INPUT = 1278
NUM_BRANCH = 64
NUM_SPB = 32


def _build_routing(num_input, num_branch, num_spb):
    # interlocking indices (excitatory/inhibitory interleave)
    half = num_input // 2
    ar = np.arange(num_input)
    interlocking = (ar % 2) * half + ar // 2
    # overlapping window indices
    stride = math.ceil(num_input / num_branch)
    overlapping = np.arange(num_branch)[:, None] * stride + np.arange(num_spb)[None, :]
    valid = overlapping < num_input
    overlapping = np.clip(overlapping, None, num_input - 1)
    overlapping = overlapping.reshape(-1)
    valid = valid.reshape(-1)
    routing_indices = interlocking[overlapping]
    return routing_indices.astype(np.int32), valid.astype(np.float32)


def setup_inputs(seed: int = 0) -> dict:
    key = jax.random.key(seed)
    x = jax.random.normal(key, (16384, NUM_INPUT), dtype=jnp.float32)
    ri, vm = _build_routing(NUM_INPUT, NUM_BRANCH, NUM_SPB)
    return {
        "x": x,
        "routing_indices": jnp.asarray(ri),
        "valid_mask": jnp.asarray(vm),
    }


def reference(x, routing_indices, valid_mask):
    # torch.index_select(x, -1, routing_indices)
    routed = jnp.take(x, routing_indices, axis=-1)
    routed = routed * valid_mask
    return routed

if __name__ == "__main__":
    import jax
    _d = setup_inputs()
    print(jax.jit(kernel)(*tuple(_d.values())))

</pallas_src>

<mosaic_0001>
#map = affine_map<(d0, d1) -> (0, 0)>
#map1 = affine_map<(d0, d1) -> (0)>
module attributes {stable_mosaic.version = 14 : i64} {
  func.func @k(%arg0: i32, %arg1: i32, %arg2: memref<16384x1278xf32, #tpu.memory_space<hbm>>, %arg3: memref<2048xi32, #tpu.memory_space<hbm>>, %arg4: memref<2048xf32, #tpu.memory_space<hbm>>, %arg5: memref<16384x2048xf32, #tpu.memory_space<hbm>>, %arg6: memref<2048xi32, #tpu.memory_space<vmem>>, %arg7: memref<2048xf32, #tpu.memory_space<vmem>>, %arg8: memref<16x1278xf32, #tpu.memory_space<vmem>>, %arg9: memref<16x1278xf32, #tpu.memory_space<vmem>>, %arg10: memref<16x2048xf32, #tpu.memory_space<vmem>>, %arg11: memref<16x2048xf32, #tpu.memory_space<vmem>>, %arg12: memref<2x!tpu.dma_semaphore, #tpu.memory_space<semaphore_mem>>, %arg13: memref<2x!tpu.dma_semaphore, #tpu.memory_space<semaphore_mem>>) attributes {dimension_semantics = [#tpu.dimension_semantics<core_parallel>, #tpu.dimension_semantics<subcore_parallel>], iteration_bounds = array<i64: 2, 16>, scalar_prefetch = 0 : i64, scratch_operands = 8 : i64, tpu.core_type = #tpu.core_type<sc_vector_subcore>, window_params = [{transform_indices = #map}, {transform_indices = #map1}, {transform_indices = #map1}, {transform_indices = #map}]} {
    %mul3A = arith.constant 2 : i32
    %mul3A_0 = arith.muli %arg1, %mul3A : i32
    %add3A = arith.addi %mul3A_0, %arg0 : i32
    "tpu.region"() ({
      %run_scoped3A = tpu.sem_alloc : memref<!tpu.dma_semaphore, #tpu.memory_space<semaphore_mem>>
      tpu.enqueue_dma source(%arg3 : memref<2048xi32, #tpu.memory_space<hbm>>) target(%arg6 : memref<2048xi32, #tpu.memory_space<vmem>>) target_semaphore(%run_scoped3A : memref<!tpu.dma_semaphore, #tpu.memory_space<semaphore_mem>>)
      tpu.wait_dma2 semaphore(%run_scoped3A : memref<!tpu.dma_semaphore, #tpu.memory_space<semaphore_mem>>) src(%arg3 : memref<2048xi32, #tpu.memory_space<hbm>>) dst(%arg6 : memref<2048xi32, #tpu.memory_space<vmem>>)
      tpu.yield
    }) : () -> ()
    "tpu.region"() ({
      %run_scoped3A = tpu.sem_alloc : memref<!tpu.dma_semaphore, #tpu.memory_space<semaphore_mem>>
      tpu.enqueue_dma source(%arg4 : memref<2048xf32, #tpu.memory_space<hbm>>) target(%arg7 : memref<2048xf32, #tpu.memory_space<vmem>>) target_semaphore(%run_scoped3A : memref<!tpu.dma_semaphore, #tpu.memory_space<semaphore_mem>>)
      tpu.wait_dma2 semaphore(%run_scoped3A : memref<!tpu.dma_semaphore, #tpu.memory_space<semaphore_mem>>) src(%arg4 : memref<2048xf32, #tpu.memory_space<hbm>>) dst(%arg7 : memref<2048xf32, #tpu.memory_space<vmem>>)
      tpu.yield
    }) : () -> ()
    %mul3A_1 = arith.constant 512 : i32
    %mul3A_2 = arith.muli %add3A, %mul3A_1 : i32
    %add3A_3 = arith.constant 0 : i32
    %add3A_4 = arith.addi %mul3A_2, %add3A_3 : i32
    %dma_start3A = arith.constant 0 : i32
    %dma_start3A_5 = arith.constant 0 : i32
    %dma_start3A_6 = tpu.memref_slice %arg2[%add3A_4, %dma_start3A_5] : memref<16384x1278xf32, #tpu.memory_space<hbm>> -> memref<16x1278xf32, #tpu.memory_space<hbm>>
    %dma_start3A_7 = tpu.memref_slice %arg12[%dma_start3A] : memref<2x!tpu.dma_semaphore, #tpu.memory_space<semaphore_mem>> -> memref<1x!tpu.dma_semaphore, #tpu.memory_space<semaphore_mem>>
    %dma_start3A_8 = tpu.memref_squeeze %dma_start3A_7 : memref<1x!tpu.dma_semaphore, #tpu.memory_space<semaphore_mem>> -> memref<!tpu.dma_semaphore, #tpu.memory_space<semaphore_mem>>
    %dma_start3A_9 = arith.constant 0 : i32
    %dma_start3A_10 = tpu.memref_slice %arg2[%add3A_4, %dma_start3A_9] : memref<16384x1278xf32, #tpu.memory_space<hbm>> -> memref<16x1278xf32, #tpu.memory_space<hbm>>
    tpu.enqueue_dma source(%dma_start3A_10 : memref<16x1278xf32, #tpu.memory_space<hbm>>) target(%arg8 : memref<16x1278xf32, #tpu.memory_space<vmem>>) target_semaphore(%dma_start3A_8 : memref<!tpu.dma_semaphore, #tpu.memory_space<semaphore_mem>>)
    %add3A_11 = arith.constant 16 : i32
    %add3A_12 = arith.addi %mul3A_2, %add3A_11 : i32
    %dma_start3A_13 = arith.constant 1 : i32
    %dma_start3A_14 = arith.constant 0 : i32
    %dma_start3A_15 = tpu.memref_slice %arg2[%add3A_12, %dma_start3A_14] : memref<16384x1278xf32, #tpu.memory_space<hbm>> -> memref<16x1278xf32, #tpu.memory_space<hbm>>
    %dma_start3A_16 = tpu.memref_slice %arg12[%dma_start3A_13] : memref<2x!tpu.dma_semaphore, #tpu.memory_space<semaphore_mem>> -> memref<1x!tpu.dma_semaphore, #tpu.memory_space<semaphore_mem>>
    %dma_start3A_17 = tpu.memref_squeeze %dma_start3A_16 : memref<1x!tpu.dma_semaphore, #tpu.memory_space<semaphore_mem>> -> memref<!tpu.dma_semaphore, #tpu.memory_space<semaphore_mem>>
    %dma_start3A_18 = arith.constant 0 : i32
    %dma_start3A_19 = tpu.memref_slice %arg2[%add3A_12, %dma_start3A_18] : memref<16384x1278xf32, #tpu.memory_space<hbm>> -> memref<16x1278xf32, #tpu.memory_space<hbm>>
    tpu.enqueue_dma source(%dma_start3A_19 : memref<16x1278xf32, #tpu.memory_space<hbm>>) target(%arg9 : memref<16x1278xf32, #tpu.memory_space<vmem>>) target_semaphore(%dma_start3A_17 : memref<!tpu.dma_semaphore, #tpu.memory_space<semaphore_mem>>)
    %broadcast_in_dim3A = arith.constant 0 : i32
    %broadcast_in_dim3A_20 = vector.broadcast %broadcast_in_dim3A : i32 to vector<16xi32>
    %broadcast_in_dim3A_21 = arith.constant 1 : i32
    %broadcast_in_dim3A_22 = vector.broadcast %broadcast_in_dim3A_21 : i32 to vector<16xi32>
    %broadcast_in_dim3A_23 = arith.constant 2 : i32
    %broadcast_in_dim3A_24 = vector.broadcast %broadcast_in_dim3A_23 : i32 to vector<16xi32>
    %broadcast_in_dim3A_25 = arith.constant 3 : i32
    %broadcast_in_dim3A_26 = vector.broadcast %broadcast_in_dim3A_25 : i32 to vector<16xi32>
    %broadcast_in_dim3A_27 = arith.constant 4 : i32
    %broadcast_in_dim3A_28 = vector.broadcast %broadcast_in_dim3A_27 : i32 to vector<16xi32>
    %broadcast_in_dim3A_29 = arith.constant 5 : i32
    %broadcast_in_dim3A_30 = vector.broadcast %broadcast_in_dim3A_29 : i32 to vector<16xi32>
    %broadcast_in_dim3A_31 = arith.constant 6 : i32
    %broadcast_in_dim3A_32 = vector.broadcast %broadcast_in_dim3A_31 : i32 to vector<16xi32>
    %broadcast_in_dim3A_33 = arith.constant 7 : i32
    %broadcast_in_dim3A_34 = vector.broadcast %broadcast_in_dim3A_33 : i32 to vector<16xi32>
    %broadcast_in_dim3A_35 = arith.constant 8 : i32
    %broadcast_in_dim3A_36 = vector.broadcast %broadcast_in_dim3A_35 : i32 to vector<16xi32>
    %broadcast_in_dim3A_37 = arith.constant 9 : i32
    %broadcast_in_dim3A_38 = vector.broadcast %broadcast_in_dim3A_37 : i32 to vector<16xi32>
    %broadcast_in_dim3A_39 = arith.constant 10 : i32
    %broadcast_in_dim3A_40 = vector.broadcast %broadcast_in_dim3A_39 : i32 to vector<16xi32>
    %broadcast_in_dim3A_41 = arith.constant 11 : i32
    %broadcast_in_dim3A_42 = vector.broadcast %broadcast_in_dim3A_41 : i32 to vector<16xi32>
    %broadcast_in_dim3A_43 = arith.constant 12 : i32
    %broadcast_in_dim3A_44 = vector.broadcast %broadcast_in_dim3A_43 : i32 to vector<16xi32>
    %broadcast_in_dim3A_45 = arith.constant 13 : i32
    %broadcast_in_dim3A_46 = vector.broadcast %broadcast_in_dim3A_45 : i32 to vector<16xi32>
    %broadcast_in_dim3A_47 = arith.constant 14 : i32
    %broadcast_in_dim3A_48 = vector.broadcast %broadcast_in_dim3A_47 : i32 to vector<16xi32>
    %broadcast_in_dim3A_49 = arith.constant 15 : i32
    %broadcast_in_dim3A_50 = vector.broadcast %broadcast_in_dim3A_49 : i32 to vector<16xi32>
    %scan3A = arith.constant 0 : i32
    %scan3A_51 = arith.constant 0 : i32
    %scan3A_52 = arith.constant 16 : i32
    %scan3A_53 = arith.addi %scan3A_51, %scan3A_52 : i32
    %scan3A_54 = arith.constant 1 : i32
    scf.for %scan3A_73 = %scan3A_51 to %scan3A_53 step %scan3A_54  : i32 {
      %mul3A_74 = arith.constant 2 : i32
      %mul3A_75 = arith.muli %scan3A_73, %mul3A_74 : i32
      %add3A_76 = arith.constant 0 : i32
      %add3A_77 = arith.addi %mul3A_75, %add3A_76 : i32
      %mul3A_78 = arith.constant 16 : i32
      %mul3A_79 = arith.muli %add3A_77, %mul3A_78 : i32
      %add3A_80 = arith.addi %mul3A_2, %mul3A_79 : i32
      %dma_wait3A_81 = arith.constant 0 : i32
      %dma_wait3A_82 = arith.constant 0 : i32
      %dma_wait3A_83 = tpu.memref_slice %arg2[%add3A_80, %dma_wait3A_82] : memref<16384x1278xf32, #tpu.memory_space<hbm>> -> memref<16x1278xf32, #tpu.memory_space<hbm>>
      %dma_wait3A_84 = tpu.memref_slice %arg12[%dma_wait3A_81] : memref<2x!tpu.dma_semaphore, #tpu.memory_space<semaphore_mem>> -> memref<1x!tpu.dma_semaphore, #tpu.memory_space<semaphore_mem>>
      %dma_wait3A_85 = tpu.memref_squeeze %dma_wait3A_84 : memref<1x!tpu.dma_semaphore, #tpu.memory_space<semaphore_mem>> -> memref<!tpu.dma_semaphore, #tpu.memory_space<semaphore_mem>>
      %dma_wait3A_86 = arith.constant 0 : i32
      %dma_wait3A_87 = tpu.memref_slice %arg2[%add3A_80, %dma_wait3A_86] : memref<16384x1278xf32, #tpu.memory_space<hbm>> -> memref<16x1278xf32, #tpu.memory_space<hbm>>
      tpu.wait_dma2 semaphore(%dma_wait3A_85 : memref<!tpu.dma_semaphore, #tpu.memory_space<semaphore_mem>>) src(%dma_wait3A_87 : memref<16x1278xf32, #tpu.memory_space<hbm>>) dst(%arg8 : memref<16x1278xf32, #tpu.memory_space<vmem>>)
      %ge3A = arith.constant 2 : i32
      %ge3A_88 = arith.cmpi sge, %add3A_77, %ge3A : i32
      %convert_element_type3A = arith.extui %ge3A_88 : i1 to i32
      %cond3A = arith.constant 0 : i32
      %cond3A_89 = arith.cmpi ne, %convert_element_type3A, %cond3A : i32
      scf.if %cond3A_89 {
        %mul3A_147 = arith.constant 16 : i32
        %mul3A_148 = arith.muli %add3A_77, %mul3A_147 : i32
        %add3A_149 = arith.addi %mul3A_2, %mul3A_148 : i32
        %dma_wait3A_150 = arith.constant 0 : i32
        %dma_wait3A_151 = arith.constant 0 : i32
        %dma_wait3A_152 = tpu.memref_slice %arg5[%add3A_149, %dma_wait3A_151] : memref<16384x2048xf32, #tpu.memory_space<hbm>> -> memref<16x2048xf32, #tpu.memory_space<hbm>>
        %dma_wait3A_153 = tpu.memref_slice %arg13[%dma_wait3A_150] : memref<2x!tpu.dma_semaphore, #tpu.memory_space<semaphore_mem>> -> memref<1x!tpu.dma_semaphore, #tpu.memory_space<semaphore_mem>>
        %dma_wait3A_154 = tpu.memref_squeeze %dma_wait3A_153 : memref<1x!tpu.dma_semaphore, #tpu.memory_space<semaphore_mem>> -> memref<!tpu.dma_semaphore, #tpu.memory_space<semaphore_mem>>
        %dma_wait3A_155 = arith.constant 0 : i32
        %dma_wait3A_156 = tpu.memref_slice %arg5[%add3A_149, %dma_wait3A_155] : memref<16384x2048xf32, #tpu.memory_space<hbm>> -> memref<16x2048xf32, #tpu.memory_space<hbm>>
        tpu.wait_dma2 semaphore(%dma_wait3A_154 : memref<!tpu.dma_semaphore, #tpu.memory_space<semaphore_mem>>) src(%arg10 : memref<16x2048xf32, #tpu.memory_space<vmem>>) dst(%dma_wait3A_156 : memref<16x2048xf32, #tpu.memory_space<hbm>>)
      } else {
      }
      %parallel_loop3A = arith.constant 0 : i32
      %parallel_loop3A_90 = arith.constant 128 : i32
      %parallel_loop3A_91 = arith.constant 1 : i32
      scf.for %parallel_loop3A_147 = %parallel_loop3A to %parallel_loop3A_90 step %parallel_loop3A_91  : i32 {
        %parallel_loop3A_148 = arith.constant 16 : i32
        %parallel_loop3A_149 = arith.muli %parallel_loop3A_147, %parallel_loop3A_148 : i32
        %parallel_loop3A_150 = arith.index_cast %parallel_loop3A_149 : i32 to index
        %parallel_loop3A_151 = tpu.vector_load %arg6[%parallel_loop3A_150] {strides = array<i32>} : memref<2048xi32, #tpu.memory_space<vmem>>, vector<16xi32>,
        %parallel_loop3A_152 = arith.index_cast %parallel_loop3A_149 : i32 to index
        %parallel_loop3A_153 = tpu.vector_load %arg7[%parallel_loop3A_152] {strides = array<i32>} : memref<2048xf32, #tpu.memory_space<vmem>>, vector<16xf32>,
        %parallel_loop3A_154 = tpu.vector_load_idx %arg8[%broadcast_in_dim3A_20, %parallel_loop3A_151] : memref<16x1278xf32, #tpu.memory_space<vmem>>[vector<16xi32>, vector<16xi32>], vector<16xf32>,
        %parallel_loop3A_155 = arith.mulf %parallel_loop3A_154, %parallel_loop3A_153 : vector<16xf32>
        %parallel_loop3A_156 = arith.constant 0 : i32
        %parallel_loop3A_157 = arith.index_cast %parallel_loop3A_156 : i32 to index
        %parallel_loop3A_158 = arith.index_cast %parallel_loop3A_149 : i32 to index
        %parallel_loop3A_159 = tpu.vector_load %arg10[%parallel_loop3A_157, %parallel_loop3A_158] {strides = array<i32>} : memref<16x2048xf32, #tpu.memory_space<vmem>>, vector<16xf32>,
        tpu.vector_store %arg10[%parallel_loop3A_157, %parallel_loop3A_158], %parallel_loop3A_155 {strides = array<i32>} : memref<16x2048xf32, #tpu.memory_space<vmem>>, vector<16xf32>,
        %parallel_loop3A_160 = tpu.vector_load_idx %arg8[%broadcast_in_dim3A_22, %parallel_loop3A_151] : memref<16x1278xf32, #tpu.memory_space<vmem>>[vector<16xi32>, vector<16xi32>], vector<16xf32>,
        %parallel_loop3A_161 = arith.mulf %parallel_loop3A_160, %parallel_loop3A_153 : vector<16xf32>
        %parallel_loop3A_162 = arith.constant 1 : i32
        %parallel_loop3A_163 = arith.index_cast %parallel_loop3A_162 : i32 to index
        %parallel_loop3A_164 = arith.index_cast %parallel_loop3A_149 : i32 to index
        %parallel_loop3A_165 = tpu.vector_load %arg10[%parallel_loop3A_163, %parallel_loop3A_164] {strides = array<i32>} : memref<16x2048xf32, #tpu.memory_space<vmem>>, vector<16xf32>,
        tpu.vector_store %arg10[%parallel_loop3A_163, %parallel_loop3A_164], %parallel_loop3A_161 {strides = array<i32>} : memref<16x2048xf32, #tpu.memory_space<vmem>>, vector<16xf32>,
        %parallel_loop3A_166 = tpu.vector_load_idx %arg8[%broadcast_in_dim3A_24, %parallel_loop3A_151] : memref<16x1278xf32, #tpu.memory_space<vmem>>[vector<16xi32>, vector<16xi32>], vector<16xf32>,
        %parallel_loop3A_167 = arith.mulf %parallel_loop3A_166, %parallel_loop3A_153 : vector<16xf32>
        %parallel_loop3A_168 = arith.constant 2 : i32
        %parallel_loop3A_169 = arith.index_cast %parallel_loop3A_168 : i32 to index
        %parallel_loop3A_170 = arith.index_cast %parallel_loop3A_149 : i32 to index
        %parallel_loop3A_171 = tpu.vector_load %arg10[%parallel_loop3A_169, %parallel_loop3A_170] {strides = array<i32>} : memref<16x2048xf32, #tpu.memory_space<vmem>>, vector<16xf32>,
        tpu.vector_store %arg10[%parallel_loop3A_169, %parallel_loop3A_170], %parallel_loop3A_167 {strides = array<i32>} : memref<16x2048xf32, #tpu.memory_space<vmem>>, vector<16xf32>,
        %parallel_loop3A_172 = tpu.vector_load_idx %arg8[%broadcast_in_dim3A_26, %parallel_loop3A_151] : memref<16x1278xf32, #tpu.memory_space<vmem>>[vector<16xi32>, vector<16xi32>], vector<16xf32>,
        %parallel_loop3A_173 = arith.mulf %parallel_loop3A_172, %parallel_loop3A_153 : vector<16xf32>
        %parallel_loop3A_174 = arith.constant 3 : i32
        %parallel_loop3A_175 = arith.index_cast %parallel_loop3A_174 : i32 to index
        %parallel_loop3A_176 = arith.index_cast %parallel_loop3A_149 : i32 to index
        %parallel_loop3A_177 = tpu.vector_load %arg10[%parallel_loop3A_175, %parallel_loop3A_176] {strides = array<i32>} : memref<16x2048xf32, #tpu.memory_space<vmem>>, vector<16xf32>,
        tpu.vector_store %arg10[%parallel_loop3A_175, %parallel_loop3A_176], %parallel_loop3A_173 {strides = array<i32>} : memref<16x2048xf32, #tpu.memory_space<vmem>>, vector<16xf32>,
        %parallel_loop3A_178 = tpu.vector_load_idx %arg8[%broadcast_in_dim3A_28, %parallel_loop3A_151] : memref<16x1278xf32, #tpu.memory_space<vmem>>[vector<16xi32>, vector<16xi32>], vector<16xf32>,
        %parallel_loop3A_179 = arith.mulf %parallel_loop3A_178, %parallel_loop3A_153 : vector<16xf32>
        %parallel_loop3A_180 = arith.constant 4 : i32
        %parallel_loop3A_181 = arith.index_cast %parallel_loop3A_180 : i32 to index
        %parallel_loop3A_182 = arith.index_cast %parallel_loop3A_149 : i32 to index
        %parallel_loop3A_183 = tpu.vector_load %arg10[%parallel_loop3A_181, %parallel_loop3A_182] {strides = array<i32>} : memref<16x2048xf32, #tpu.memory_space<vmem>>, vector<16xf32>,
        tpu.vector_store %arg10[%parallel_loop3A_181, %parallel_loop3A_182], %parallel_loop3A_179 {strides = array<i32>} : memref<16x2048xf32, #tpu.memory_space<vmem>>, vector<16xf32>,
        %parallel_loop3A_184 = tpu.vector_load_idx %arg8[%broadcast_in_dim3A_30, %parallel_loop3A_151] : memref<16x1278xf32, #tpu.memory_space<vmem>>[vector<16xi32>, vector<16xi32>], vector<16xf32>,
        %parallel_loop3A_185 = arith.mulf %parallel_loop3A_184, %parallel_loop3A_153 : vector<16xf32>
        %parallel_loop3A_186 = arith.constant 5 : i32
        %parallel_loop3A_187 = arith.index_cast %parallel_loop3A_186 : i32 to index
        %parallel_loop3A_188 = arith.index_cast %parallel_loop3A_149 : i32 to index
        %parallel_loop3A_189 = tpu.vector_load %arg10[%parallel_loop3A_187, %parallel_loop3A_188] {strides = array<i32>} : memref<16x2048xf32, #tpu.memory_space<vmem>>, vector<16xf32>,
        tpu.vector_store %arg10[%parallel_loop3A_187, %parallel_loop3A_188], %parallel_loop3A_185 {strides = array<i32>} : memref<16x2048xf32, #tpu.memory_space<vmem>>, vector<16xf32>,
        %parallel_loop3A_190 = tpu.vector_load_idx %arg8[%broadcast_in_dim3A_32, %parallel_loop3A_151] : memref<16x1278xf32, #tpu.memory_space<vmem>>[vector<16xi32>, vector<16xi32>], vector<16xf32>,
        %parallel_loop3A_191 = arith.mulf %parallel_loop3A_190, %parallel_loop3A_153 : vector<16xf32>
        %parallel_loop3A_192 = arith.constant 6 : i32
        %parallel_loop3A_193 = arith.index_cast %parallel_loop3A_192 : i32 to index
        %parallel_loop3A_194 = arith.index_cast %parallel_loop3A_149 : i32 to index
        %parallel_loop3A_195 = tpu.vector_load %arg10[%parallel_loop3A_193, %parallel_loop3A_194] {strides = array<i32>} : memref<16x2048xf32, #tpu.memory_space<vmem>>, vector<16xf32>,
        tpu.vector_store %arg10[%parallel_loop3A_193, %parallel_loop3A_194], %parallel_loop3A_191 {strides = array<i32>} : memref<16x2048xf32, #tpu.memory_space<vmem>>, vector<16xf32>,
        %parallel_loop3A_196 = tpu.vector_load_idx %arg8[%broadcast_in_dim3A_34, %parallel_loop3A_151] : memref<16x1278xf32, #tpu.memory_space<vmem>>[vector<16xi32>, vector<16xi32>], vector<16xf32>,
        %parallel_loop3A_197 = arith.mulf %parallel_loop3A_196, %parallel_loop3A_153 : vector<16xf32>
        %parallel_loop3A_198 = arith.constant 7 : i32
        %parallel_loop3A_199 = arith.index_cast %parallel_loop3A_198 : i32 to index
        %parallel_loop3A_200 = arith.index_cast %parallel_loop3A_149 : i32 to index
        %parallel_loop3A_201 = tpu.vector_load %arg10[%parallel_loop3A_199, %parallel_loop3A_200] {strides = array<i32>} : memref<16x2048xf32, #tpu.memory_space<vmem>>, vector<16xf32>,
        tpu.vector_store %arg10[%parallel_loop3A_199, %parallel_loop3A_200], %parallel_loop3A_197 {strides = array<i32>} : memref<16x2048xf32, #tpu.memory_space<vmem>>, vector<16xf32>,
        %parallel_loop3A_202 = tpu.vector_load_idx %arg8[%broadcast_in_dim3A_36, %parallel_loop3A_151] : memref<16x1278xf32, #tpu.memory_space<vmem>>[vector<16xi32>, vector<16xi32>], vector<16xf32>,
        %parallel_loop3A_203 = arith.mulf %parallel_loop3A_202, %parallel_loop3A_153 : vector<16xf32>
        %parallel_loop3A_204 = arith.constant 8 : i32
        %parallel_loop3A_205 = arith.index_cast %parallel_loop3A_204 : i32 to index
        %parallel_loop3A_206 = arith.index_cast %parallel_loop3A_149 : i32 to index
        %parallel_loop3A_207 = tpu.vector_load %arg10[%parallel_loop3A_205, %parallel_loop3A_206] {strides = array<i32>} : memref<16x2048xf32, #tpu.memory_space<vmem>>, vector<16xf32>,
        tpu.vector_store %arg10[%parallel_loop3A_205, %parallel_loop3A_206], %parallel_loop3A_203 {strides = array<i32>} : memref<16x2048xf32, #tpu.memory_space<vmem>>, vector<16xf32>,
        %parallel_loop3A_208 = tpu.vector_load_idx %arg8[%broadcast_in_dim3A_38, %parallel_loop3A_151] : memref<16x1278xf32, #tpu.memory_space<vmem>>[vector<16xi32>, vector<16xi32>], vector<16xf32>,
        %parallel_loop3A_209 = arith.mulf %parallel_loop3A_208, %parallel_loop3A_153 : vector<16xf32>
        %parallel_loop3A_210 = arith.constant 9 : i32
        %parallel_loop3A_211 = arith.index_cast %parallel_loop3A_210 : i32 to index
        %parallel_loop3A_212 = arith.index_cast %parallel_loop3A_149 : i32 to index
        %parallel_loop3A_213 = tpu.vector_load %arg10[%parallel_loop3A_211, %parallel_loop3A_212] {strides = array<i32>} : memref<16x2048xf32, #tpu.memory_space<vmem>>, vector<16xf32>,
        tpu.vector_store %arg10[%parallel_loop3A_211, %parallel_loop3A_212], %parallel_loop3A_209 {strides = array<i32>} : memref<16x2048xf32, #tpu.memory_space<vmem>>, vector<16xf32>,
        %parallel_loop3A_214 = tpu.vector_load_idx %arg8[%broadcast_in_dim3A_40, %parallel_loop3A_151] : memref<16x1278xf32, #tpu.memory_space<vmem>>[vector<16xi32>, vector<16xi32>], vector<16xf32>,
        %parallel_loop3A_215 = arith.mulf %parallel_loop3A_214, %parallel_loop3A_153 : vector<16xf32>
        %parallel_loop3A_216 = arith.constant 10 : i32
        %parallel_loop3A_217 = arith.index_cast %parallel_loop3A_216 : i32 to index
        %parallel_loop3A_218 = arith.index_cast %parallel_loop3A_149 : i32 to index
        %parallel_loop3A_219 = tpu.vector_load %arg10[%parallel_loop3A_217, %parallel_loop3A_218] {strides = array<i32>} : memref<16x2048xf32, #tpu.memory_space<vmem>>, vector<16xf32>,
        tpu.vector_store %arg10[%parallel_loop3A_217, %parallel_loop3A_218], %parallel_loop3A_215 {strides = array<i32>} : memref<16x2048xf32, #tpu.memory_space<vmem>>, vector<16xf32>,
        %parallel_loop3A_220 = tpu.vector_load_idx %arg8[%broadcast_in_dim3A_42, %parallel_loop3A_151] : memref<16x1278xf32, #tpu.memory_space<vmem>>[vector<16xi32>, vector<16xi32>], vector<16xf32>,
        %parallel_loop3A_221 = arith.mulf %parallel_loop3A_220, %parallel_loop3A_153 : vector<16xf32>
        %parallel_loop3A_222 = arith.constant 11 : i32
        %parallel_loop3A_223 = arith.index_cast %parallel_loop3A_222 : i32 to index
        %parallel_loop3A_224 = arith.index_cast %parallel_loop3A_149 : i32 to index
        %parallel_loop3A_225 = tpu.vector_load %arg10[%parallel_loop3A_223, %parallel_loop3A_224] {strides = array<i32>} : memref<16x2048xf32, #tpu.memory_space<vmem>>, vector<16xf32>,
        tpu.vector_store %arg10[%parallel_loop3A_223, %parallel_loop3A_224], %parallel_loop3A_221 {strides = array<i32>} : memref<16x2048xf32, #tpu.memory_space<vmem>>, vector<16xf32>,
        %parallel_loop3A_226 = tpu.vector_load_idx %arg8[%broadcast_in_dim3A_44, %parallel_loop3A_151] : memref<16x1278xf32, #tpu.memory_space<vmem>>[vector<16xi32>, vector<16xi32>], vector<16xf32>,
        %parallel_loop3A_227 = arith.mulf %parallel_loop3A_226, %parallel_loop3A_153 : vector<16xf32>
        %parallel_loop3A_228 = arith.constant 12 : i32
        %parallel_loop3A_229 = arith.index_cast %parallel_loop3A_228 : i32 to index
        %parallel_loop3A_230 = arith.index_cast %parallel_loop3A_149 : i32 to index
        %parallel_loop3A_231 = tpu.vector_load %arg10[%parallel_loop3A_229, %parallel_loop3A_230] {strides = array<i32>} : memref<16x2048xf32, #tpu.memory_space<vmem>>, vector<16xf32>,
        tpu.vector_store %arg10[%parallel_loop3A_229, %parallel_loop3A_230], %parallel_loop3A_227 {strides = array<i32>} : memref<16x2048xf32, #tpu.memory_space<vmem>>, vector<16xf32>,
        %parallel_loop3A_232 = tpu.vector_load_idx %arg8[%broadcast_in_dim3A_46, %parallel_loop3A_151] : memref<16x1278xf32, #tpu.memory_space<vmem>>[vector<16xi32>, vector<16xi32>], vector<16xf32>,
        %parallel_loop3A_233 = arith.mulf %parallel_loop3A_232, %parallel_loop3A_153 : vector<16xf32>
        %parallel_loop3A_234 = arith.constant 13 : i32
        %parallel_loop3A_235 = arith.index_cast %parallel_loop3A_234 : i32 to index
        %parallel_loop3A_236 = arith.index_cast %parallel_loop3A_149 : i32 to index
        %parallel_loop3A_237 = tpu.vector_load %arg10[%parallel_loop3A_235, %parallel_loop3A_236] {strides = array<i32>} : memref<16x2048xf32, #tpu.memory_space<vmem>>, vector<16xf32>,
        tpu.vector_store %arg10[%parallel_loop3A_235, %parallel_loop3A_236], %parallel_loop3A_233 {strides = array<i32>} : memref<16x2048xf32, #tpu.memory_space<vmem>>, vector<16xf32>,
        %parallel_loop3A_238 = tpu.vector_load_idx %arg8[%broadcast_in_dim3A_48, %parallel_loop3A_151] : memref<16x1278xf32, #tpu.memory_space<vmem>>[vector<16xi32>, vector<16xi32>], vector<16xf32>,
        %parallel_loop3A_239 = arith.mulf %parallel_loop3A_238, %parallel_loop3A_153 : vector<16xf32>
        %parallel_loop3A_240 = arith.constant 14 : i32
        %parallel_loop3A_241 = arith.index_cast %parallel_loop3A_240 : i32 to index
        %parallel_loop3A_242 = arith.index_cast %parallel_loop3A_149 : i32 to index
        %parallel_loop3A_243 = tpu.vector_load %arg10[%parallel_loop3A_241, %parallel_loop3A_242] {strides = array<i32>} : memref<16x2048xf32, #tpu.memory_space<vmem>>, vector<16xf32>,
        tpu.vector_store %arg10[%parallel_loop3A_241, %parallel_loop3A_242], %parallel_loop3A_239 {strides = array<i32>} : memref<16x2048xf32, #tpu.memory_space<vmem>>, vector<16xf32>,
        %parallel_loop3A_244 = tpu.vector_load_idx %arg8[%broadcast_in_dim3A_50, %parallel_loop3A_151] : memref<16x1278xf32, #tpu.memory_space<vmem>>[vector<16xi32>, vector<16xi32>], vector<16xf32>,
        %parallel_loop3A_245 = arith.mulf %parallel_loop3A_244, %parallel_loop3A_153 : vector<16xf32>
        %parallel_loop3A_246 = arith.constant 15 : i32
        %parallel_loop3A_247 = arith.index_cast %parallel_loop3A_246 : i32 to index
        %parallel_loop3A_248 = arith.index_cast %parallel_loop3A_149 : i32 to index
        %parallel_loop3A_249 = tpu.vector_load %arg10[%parallel_loop3A_247, %parallel_loop3A_248] {strides = array<i32>} : memref<16x2048xf32, #tpu.memory_space<vmem>>, vector<16xf32>,
        tpu.vector_store %arg10[%parallel_loop3A_247, %parallel_loop3A_248], %parallel_loop3A_245 {strides = array<i32>} : memref<16x2048xf32, #tpu.memory_space<vmem>>, vector<16xf32>,
      } {sc.loop_unroll_factor = 4 : i64, sc.parallel_access}
      %mul3A_92 = arith.constant 16 : i32
      %mul3A_93 = arith.muli %add3A_77, %mul3A_92 : i32
      %add3A_94 = arith.addi %mul3A_2, %mul3A_93 : i32
      %dma_start3A_95 = arith.constant 0 : i32
      %dma_start3A_96 = arith.constant 0 : i32
      %dma_start3A_97 = tpu.memref_slice %arg5[%add3A_94, %dma_start3A_96] : memref<16384x2048xf32, #tpu.memory_space<hbm>> -> memref<16x2048xf32, #tpu.memory_space<hbm>>
      %dma_start3A_98 = tpu.memref_slice %arg13[%dma_start3A_95] : memref<2x!tpu.dma_semaphore, #tpu.memory_space<semaphore_mem>> -> memref<1x!tpu.dma_semaphore, #tpu.memory_space<semaphore_mem>>
      %dma_start3A_99 = tpu.memref_squeeze %dma_start3A_98 : memref<1x!tpu.dma_semaphore, #tpu.memory_space<semaphore_mem>> -> memref<!tpu.dma_semaphore, #tpu.memory_space<semaphore_mem>>
      %dma_start3A_100 = arith.constant 0 : i32
      %dma_start3A_101 = tpu.memref_slice %arg5[%add3A_94, %dma_start3A_100] : memref<16384x2048xf32, #tpu.memory_space<hbm>> -> memref<16x2048xf32, #tpu.memory_space<hbm>>
      tpu.enqueue_dma source(%arg10 : memref<16x2048xf32, #tpu.memory_space<vmem>>) target(%dma_start3A_101 : memref<16x2048xf32, #tpu.memory_space<hbm>>) target_semaphore(%dma_start3A_99 : memref<!tpu.dma_semaphore, #tpu.memory_space<semaphore_mem>>)
      %add3A_102 = arith.constant 2 : i32
      %add3A_103 = arith.addi %add3A_77, %add3A_102 : i32
      %lt3A = arith.constant 32 : i32
      %lt3A_104 = arith.cmpi slt, %add3A_103, %lt3A : i32
      %convert_element_type3A_105 = arith.extui %lt3A_104 : i1 to i32
      %cond3A_106 = arith.constant 0 : i32
      %cond3A_107 = arith.cmpi ne, %convert_element_type3A_105, %cond3A_106 : i32
      scf.if %cond3A_107 {
        %add3A_147 = arith.constant 2 : i32
        %add3A_148 = arith.addi %add3A_77, %add3A_147 : i32
        %mul3A_149 = arith.constant 16 : i32
        %mul3A_150 = arith.muli %add3A_148, %mul3A_149 : i32
        %add3A_151 = arith.addi %mul3A_2, %mul3A_150 : i32
        %dma_start3A_152 = arith.constant 0 : i32
        %dma_start3A_153 = arith.constant 0 : i32
        %dma_start3A_154 = tpu.memref_slice %arg2[%add3A_151, %dma_start3A_153] : memref<16384x1278xf32, #tpu.memory_space<hbm>> -> memref<16x1278xf32, #tpu.memory_space<hbm>>
        %dma_start3A_155 = tpu.memref_slice %arg12[%dma_start3A_152] : memref<2x!tpu.dma_semaphore, #tpu.memory_space<semaphore_mem>> -> memref<1x!tpu.dma_semaphore, #tpu.memory_space<semaphore_mem>>
        %dma_start3A_156 = tpu.memref_squeeze %dma_start3A_155 : memref<1x!tpu.dma_semaphore, #tpu.memory_space<semaphore_mem>> -> memref<!tpu.dma_semaphore, #tpu.memory_space<semaphore_mem>>
        %dma_start3A_157 = arith.constant 0 : i32
        %dma_start3A_158 = tpu.memref_slice %arg2[%add3A_151, %dma_start3A_157] : memref<16384x1278xf32, #tpu.memory_space<hbm>> -> memref<16x1278xf32, #tpu.memory_space<hbm>>
        tpu.enqueue_dma source(%dma_start3A_158 : memref<16x1278xf32, #tpu.memory_space<hbm>>) target(%arg8 : memref<16x1278xf32, #tpu.memory_space<vmem>>) target_semaphore(%dma_start3A_156 : memref<!tpu.dma_semaphore, #tpu.memory_space<semaphore_mem>>)
      } else {
      }
      %mul3A_108 = arith.constant 2 : i32
      %mul3A_109 = arith.muli %scan3A_73, %mul3A_108 : i32
      %add3A_110 = arith.constant 1 : i32
      %add3A_111 = arith.addi %mul3A_109, %add3A_110 : i32
      %mul3A_112 = arith.constant 16 : i32
      %mul3A_113 = arith.muli %add3A_111, %mul3A_112 : i32
      %add3A_114 = arith.addi %mul3A_2, %mul3A_113 : i32
      %dma_wait3A_115 = arith.constant 1 : i32
      %dma_wait3A_116 = arith.constant 0 : i32
      %dma_wait3A_117 = tpu.memref_slice %arg2[%add3A_114, %dma_wait3A_116] : memref<16384x1278xf32, #tpu.memory_space<hbm>> -> memref<16x1278xf32, #tpu.memory_space<hbm>>
      %dma_wait3A_118 = tpu.memref_slice %arg12[%dma_wait3A_115] : memref<2x!tpu.dma_semaphore, #tpu.memory_space<semaphore_mem>> -> memref<1x!tpu.dma_semaphore, #tpu.memory_space<semaphore_mem>>
      %dma_wait3A_119 = tpu.memref_squeeze %dma_wait3A_118 : memref<1x!tpu.dma_semaphore, #tpu.memory_space<semaphore_mem>> -> memref<!tpu.dma_semaphore, #tpu.memory_space<semaphore_mem>>
      %dma_wait3A_120 = arith.constant 0 : i32
      %dma_wait3A_121 = tpu.memref_slice %arg2[%add3A_114, %dma_wait3A_120] : memref<16384x1278xf32, #tpu.memory_space<hbm>> -> memref<16x1278xf32, #tpu.memory_space<hbm>>
      tpu.wait_dma2 semaphore(%dma_wait3A_119 : memref<!tpu.dma_semaphore, #tpu.memory_space<semaphore_mem>>) src(%dma_wait3A_121 : memref<16x1278xf32, #tpu.memory_space<hbm>>) dst(%arg9 : memref<16x1278xf32, #tpu.memory_space<vmem>>)
      %ge3A_122 = arith.constant 2 : i32
      %ge3A_123 = arith.cmpi sge, %add3A_111, %ge3A_122 : i32
      %convert_element_type3A_124 = arith.extui %ge3A_123 : i1 to i32
      %cond3A_125 = arith.constant 0 : i32
      %cond3A_126 = arith.cmpi ne, %convert_element_type3A_124, %cond3A_125 : i32
      scf.if %cond3A_126 {
        %mul3A_147 = arith.constant 16 : i32
        %mul3A_148 = arith.muli %add3A_111, %mul3A_147 : i32
        %add3A_149 = arith.addi %mul3A_2, %mul3A_148 : i32
        %dma_wait3A_150 = arith.constant 1 : i32
        %dma_wait3A_151 = arith.constant 0 : i32
        %dma_wait3A_152 = tpu.memref_slice %arg5[%add3A_149, %dma_wait3A_151] : memref<16384x2048xf32, #tpu.memory_space<hbm>> -> memref<16x2048xf32, #tpu.memory_space<hbm>>
        %dma_wait3A_153 = tpu.memref_slice %arg13[%dma_wait3A_150] : memref<2x!tpu.dma_semaphore, #tpu.memory_space<semaphore_mem>> -> memref<1x!tpu.dma_semaphore, #tpu.memory_space<semaphore_mem>>
        %dma_wait3A_154 = tpu.memref_squeeze %dma_wait3A_153 : memref<1x!tpu.dma_semaphore, #tpu.memory_space<semaphore_mem>> -> memref<!tpu.dma_semaphore, #tpu.memory_space<semaphore_mem>>
        %dma_wait3A_155 = arith.constant 0 : i32
        %dma_wait3A_156 = tpu.memref_slice %arg5[%add3A_149, %dma_wait3A_155] : memref<16384x2048xf32, #tpu.memory_space<hbm>> -> memref<16x2048xf32, #tpu.memory_space<hbm>>
        tpu.wait_dma2 semaphore(%dma_wait3A_154 : memref<!tpu.dma_semaphore, #tpu.memory_space<semaphore_mem>>) src(%arg11 : memref<16x2048xf32, #tpu.memory_space<vmem>>) dst(%dma_wait3A_156 : memref<16x2048xf32, #tpu.memory_space<hbm>>)
      } else {
      }
      %parallel_loop3A_127 = arith.constant 0 : i32
      %parallel_loop3A_128 = arith.constant 128 : i32
      %parallel_loop3A_129 = arith.constant 1 : i32
      scf.for %parallel_loop3A_147 = %parallel_loop3A_127 to %parallel_loop3A_128 step %parallel_loop3A_129  : i32 {
        %parallel_loop3A_148 = arith.constant 16 : i32
        %parallel_loop3A_149 = arith.muli %parallel_loop3A_147, %parallel_loop3A_148 : i32
        %parallel_loop3A_150 = arith.index_cast %parallel_loop3A_149 : i32 to index
        %parallel_loop3A_151 = tpu.vector_load %arg6[%parallel_loop3A_150] {strides = array<i32>} : memref<2048xi32, #tpu.memory_space<vmem>>, vector<16xi32>,
        %parallel_loop3A_152 = arith.index_cast %parallel_loop3A_149 : i32 to index
        %parallel_loop3A_153 = tpu.vector_load %arg7[%parallel_loop3A_152] {strides = array<i32>} : memref<2048xf32, #tpu.memory_space<vmem>>, vector<16xf32>,
        %parallel_loop3A_154 = tpu.vector_load_idx %arg9[%broadcast_in_dim3A_20, %parallel_loop3A_151] : memref<16x1278xf32, #tpu.memory_space<vmem>>[vector<16xi32>, vector<16xi32>], vector<16xf32>,
        %parallel_loop3A_155 = arith.mulf %parallel_loop3A_154, %parallel_loop3A_153 : vector<16xf32>
        %parallel_loop3A_156 = arith.constant 0 : i32
        %parallel_loop3A_157 = arith.index_cast %parallel_loop3A_156 : i32 to index
        %parallel_loop3A_158 = arith.index_cast %parallel_loop3A_149 : i32 to index
        %parallel_loop3A_159 = tpu.vector_load %arg11[%parallel_loop3A_157, %parallel_loop3A_158] {strides = array<i32>} : memref<16x2048xf32, #tpu.memory_space<vmem>>, vector<16xf32>,
        tpu.vector_store %arg11[%parallel_loop3A_157, %parallel_loop3A_158], %parallel_loop3A_155 {strides = array<i32>} : memref<16x2048xf32, #tpu.memory_space<vmem>>, vector<16xf32>,
        %parallel_loop3A_160 = tpu.vector_load_idx %arg9[%broadcast_in_dim3A_22, %parallel_loop3A_151] : memref<16x1278xf32, #tpu.memory_space<vmem>>[vector<16xi32>, vector<16xi32>], vector<16xf32>,
        %parallel_loop3A_161 = arith.mulf %parallel_loop3A_160, %parallel_loop3A_153 : vector<16xf32>
        %parallel_loop3A_162 = arith.constant 1 : i32
        %parallel_loop3A_163 = arith.index_cast %parallel_loop3A_162 : i32 to index
        %parallel_loop3A_164 = arith.index_cast %parallel_loop3A_149 : i32 to index
        %parallel_loop3A_165 = tpu.vector_load %arg11[%parallel_loop3A_163, %parallel_loop3A_164] {strides = array<i32>} : memref<16x2048xf32, #tpu.memory_space<vmem>>, vector<16xf32>,
        tpu.vector_store %arg11[%parallel_loop3A_163, %parallel_loop3A_164], %parallel_loop3A_161 {strides = array<i32>} : memref<16x2048xf32, #tpu.memory_space<vmem>>, vector<16xf32>,
        %parallel_loop3A_166 = tpu.vector_load_idx %arg9[%broadcast_in_dim3A_24, %parallel_loop3A_151] : memref<16x1278xf32, #tpu.memory_space<vmem>>[vector<16xi32>, vector<16xi32>], vector<16xf32>,
        %parallel_loop3A_167 = arith.mulf %parallel_loop3A_166, %parallel_loop3A_153 : vector<16xf32>
        %parallel_loop3A_168 = arith.constant 2 : i32
        %parallel_loop3A_169 = arith.index_cast %parallel_loop3A_168 : i32 to index
        %parallel_loop3A_170 = arith.index_cast %parallel_loop3A_149 : i32 to index
        %parallel_loop3A_171 = tpu.vector_load %arg11[%parallel_loop3A_169, %parallel_loop3A_170] {strides = array<i32>} : memref<16x2048xf32, #tpu.memory_space<vmem>>, vector<16xf32>,
        tpu.vector_store %arg11[%parallel_loop3A_169, %parallel_loop3A_170], %parallel_loop3A_167 {strides = array<i32>} : memref<16x2048xf32, #tpu.memory_space<vmem>>, vector<16xf32>,
        %parallel_loop3A_172 = tpu.vector_load_idx %arg9[%broadcast_in_dim3A_26, %parallel_loop3A_151] : memref<16x1278xf32, #tpu.memory_space<vmem>>[vector<16xi32>, vector<16xi32>], vector<16xf32>,
        %parallel_loop3A_173 = arith.mulf %parallel_loop3A_172, %parallel_loop3A_153 : vector<16xf32>
        %parallel_loop3A_174 = arith.constant 3 : i32
        %parallel_loop3A_175 = arith.index_cast %parallel_loop3A_174 : i32 to index
        %parallel_loop3A_176 = arith.index_cast %parallel_loop3A_149 : i32 to index
        %parallel_loop3A_177 = tpu.vector_load %arg11[%parallel_loop3A_175, %parallel_loop3A_176] {strides = array<i32>} : memref<16x2048xf32, #tpu.memory_space<vmem>>, vector<16xf32>,
        tpu.vector_store %arg11[%parallel_loop3A_175, %parallel_loop3A_176], %parallel_loop3A_173 {strides = array<i32>} : memref<16x2048xf32, #tpu.memory_space<vmem>>, vector<16xf32>,
        %parallel_loop3A_178 = tpu.vector_load_idx %arg9[%broadcast_in_dim3A_28, %parallel_loop3A_151] : memref<16x1278xf32, #tpu.memory_space<vmem>>[vector<16xi32>, vector<16xi32>], vector<16xf32>,
        %parallel_loop3A_179 = arith.mulf %parallel_loop3A_178, %parallel_loop3A_153 : vector<16xf32>
        %parallel_loop3A_180 = arith.constant 4 : i32
        %parallel_loop3A_181 = arith.index_cast %parallel_loop3A_180 : i32 to index
        %parallel_loop3A_182 = arith.index_cast %parallel_loop3A_149 : i32 to index
        %parallel_loop3A_183 = tpu.vector_load %arg11[%parallel_loop3A_181, %parallel_loop3A_182] {strides = array<i32>} : memref<16x2048xf32, #tpu.memory_space<vmem>>, vector<16xf32>,
        tpu.vector_store %arg11[%parallel_loop3A_181, %parallel_loop3A_182], %parallel_loop3A_179 {strides = array<i32>} : memref<16x2048xf32, #tpu.memory_space<vmem>>, vector<16xf32>,
        %parallel_loop3A_184 = tpu.vector_load_idx %arg9[%broadcast_in_dim3A_30, %parallel_loop3A_151] : memref<16x1278xf32, #tpu.memory_space<vmem>>[vector<16xi32>, vector<16xi32>], vector<16xf32>,
        %parallel_loop3A_185 = arith.mulf %parallel_loop3A_184, %parallel_loop3A_153 : vector<16xf32>
        %parallel_loop3A_186 = arith.constant 5 : i32
        %parallel_loop3A_187 = arith.index_cast %parallel_loop3A_186 : i32 to index
        %parallel_loop3A_188 = arith.index_cast %parallel_loop3A_149 : i32 to index
        %parallel_loop3A_189 = tpu.vector_load %arg11[%parallel_loop3A_187, %parallel_loop3A_188] {strides = array<i32>} : memref<16x2048xf32, #tpu.memory_space<vmem>>, vector<16xf32>,
        tpu.vector_store %arg11[%parallel_loop3A_187, %parallel_loop3A_188], %parallel_loop3A_185 {strides = array<i32>} : memref<16x2048xf32, #tpu.memory_space<vmem>>, vector<16xf32>,
        %parallel_loop3A_190 = tpu.vector_load_idx %arg9[%broadcast_in_dim3A_32, %parallel_loop3A_151] : memref<16x1278xf32, #tpu.memory_space<vmem>>[vector<16xi32>, vector<16xi32>], vector<16xf32>,
        %parallel_loop3A_191 = arith.mulf %parallel_loop3A_190, %parallel_loop3A_153 : vector<16xf32>
        %parallel_loop3A_192 = arith.constant 6 : i32
        %parallel_loop3A_193 = arith.index_cast %parallel_loop3A_192 : i32 to index
        %parallel_loop3A_194 = arith.index_cast %parallel_loop3A_149 : i32 to index
        %parallel_loop3A_195 = tpu.vector_load %arg11[%parallel_loop3A_193, %parallel_loop3A_194] {strides = array<i32>} : memref<16x2048xf32, #tpu.memory_space<vmem>>, vector<16xf32>,
        tpu.vector_store %arg11[%parallel_loop3A_193, %parallel_loop3A_194], %parallel_loop3A_191 {strides = array<i32>} : memref<16x2048xf32, #tpu.memory_space<vmem>>, vector<16xf32>,
        %parallel_loop3A_196 = tpu.vector_load_idx %arg9[%broadcast_in_dim3A_34, %parallel_loop3A_151] : memref<16x1278xf32, #tpu.memory_space<vmem>>[vector<16xi32>, vector<16xi32>], vector<16xf32>,
        %parallel_loop3A_197 = arith.mulf %parallel_loop3A_196, %parallel_loop3A_153 : vector<16xf32>
        %parallel_loop3A_198 = arith.constant 7 : i32
        %parallel_loop3A_199 = arith.index_cast %parallel_loop3A_198 : i32 to index
        %parallel_loop3A_200 = arith.index_cast %parallel_loop3A_149 : i32 to index
        %parallel_loop3A_201 = tpu.vector_load %arg11[%parallel_loop3A_199, %parallel_loop3A_200] {strides = array<i32>} : memref<16x2048xf32, #tpu.memory_space<vmem>>, vector<16xf32>,
        tpu.vector_store %arg11[%parallel_loop3A_199, %parallel_loop3A_200], %parallel_loop3A_197 {strides = array<i32>} : memref<16x2048xf32, #tpu.memory_space<vmem>>, vector<16xf32>,
        %parallel_loop3A_202 = tpu.vector_load_idx %arg9[%broadcast_in_dim3A_36, %parallel_loop3A_151] : memref<16x1278xf32, #tpu.memory_space<vmem>>[vector<16xi32>, vector<16xi32>], vector<16xf32>,
        %parallel_loop3A_203 = arith.mulf %parallel_loop3A_202, %parallel_loop3A_153 : vector<16xf32>
        %parallel_loop3A_204 = arith.constant 8 : i32
        %parallel_loop3A_205 = arith.index_cast %parallel_loop3A_204 : i32 to index
        %parallel_loop3A_206 = arith.index_cast %parallel_loop3A_149 : i32 to index
        %parallel_loop3A_207 = tpu.vector_load %arg11[%parallel_loop3A_205, %parallel_loop3A_206] {strides = array<i32>} : memref<16x2048xf32, #tpu.memory_space<vmem>>, vector<16xf32>,
        tpu.vector_store %arg11[%parallel_loop3A_205, %parallel_loop3A_206], %parallel_loop3A_203 {strides = array<i32>} : memref<16x2048xf32, #tpu.memory_space<vmem>>, vector<16xf32>,
        %parallel_loop3A_208 = tpu.vector_load_idx %arg9[%broadcast_in_dim3A_38, %parallel_loop3A_151] : memref<16x1278xf32, #tpu.memory_space<vmem>>[vector<16xi32>, vector<16xi32>], vector<16xf32>,
        %parallel_loop3A_209 = arith.mulf %parallel_loop3A_208, %parallel_loop3A_153 : vector<16xf32>
        %parallel_loop3A_210 = arith.constant 9 : i32
        %parallel_loop3A_211 = arith.index_cast %parallel_loop3A_210 : i32 to index
        %parallel_loop3A_212 = arith.index_cast %parallel_loop3A_149 : i32 to index
        %parallel_loop3A_213 = tpu.vector_load %arg11[%parallel_loop3A_211, %parallel_loop3A_212] {strides = array<i32>} : memref<16x2048xf32, #tpu.memory_space<vmem>>, vector<16xf32>,
        tpu.vector_store %arg11[%parallel_loop3A_211, %parallel_loop3A_212], %parallel_loop3A_209 {strides = array<i32>} : memref<16x2048xf32, #tpu.memory_space<vmem>>, vector<16xf32>,
        %parallel_loop3A_214 = tpu.vector_load_idx %arg9[%broadcast_in_dim3A_40, %parallel_loop3A_151] : memref<16x1278xf32, #tpu.memory_space<vmem>>[vector<16xi32>, vector<16xi32>], vector<16xf32>,
        %parallel_loop3A_215 = arith.mulf %parallel_loop3A_214, %parallel_loop3A_153 : vector<16xf32>
        %parallel_loop3A_216 = arith.constant 10 : i32
        %parallel_loop3A_217 = arith.index_cast %parallel_loop3A_216 : i32 to index
        %parallel_loop3A_218 = arith.index_cast %parallel_loop3A_149 : i32 to index
        %parallel_loop3A_219 = tpu.vector_load %arg11[%parallel_loop3A_217, %parallel_loop3A_218] {strides = array<i32>} : memref<16x2048xf32, #tpu.memory_space<vmem>>, vector<16xf32>,
        tpu.vector_store %arg11[%parallel_loop3A_217, %parallel_loop3A_218], %parallel_loop3A_215 {strides = array<i32>} : memref<16x2048xf32, #tpu.memory_space<vmem>>, vector<16xf32>,
        %parallel_loop3A_220 = tpu.vector_load_idx %arg9[%broadcast_in_dim3A_42, %parallel_loop3A_151] : memref<16x1278xf32, #tpu.memory_space<vmem>>[vector<16xi32>, vector<16xi32>], vector<16xf32>,
        %parallel_loop3A_221 = arith.mulf %parallel_loop3A_220, %parallel_loop3A_153 : vector<16xf32>
        %parallel_loop3A_222 = arith.constant 11 : i32
        %parallel_loop3A_223 = arith.index_cast %parallel_loop3A_222 : i32 to index
        %parallel_loop3A_224 = arith.index_cast %parallel_loop3A_149 : i32 to index
        %parallel_loop3A_225 = tpu.vector_load %arg11[%parallel_loop3A_223, %parallel_loop3A_224] {strides = array<i32>} : memref<16x2048xf32, #tpu.memory_space<vmem>>, vector<16xf32>,
        tpu.vector_store %arg11[%parallel_loop3A_223, %parallel_loop3A_224], %parallel_loop3A_221 {strides = array<i32>} : memref<16x2048xf32, #tpu.memory_space<vmem>>, vector<16xf32>,
        %parallel_loop3A_226 = tpu.vector_load_idx %arg9[%broadcast_in_dim3A_44, %parallel_loop3A_151] : memref<16x1278xf32, #tpu.memory_space<vmem>>[vector<16xi32>, vector<16xi32>], vector<16xf32>,
        %parallel_loop3A_227 = arith.mulf %parallel_loop3A_226, %parallel_loop3A_153 : vector<16xf32>
        %parallel_loop3A_228 = arith.constant 12 : i32
        %parallel_loop3A_229 = arith.index_cast %parallel_loop3A_228 : i32 to index
        %parallel_loop3A_230 = arith.index_cast %parallel_loop3A_149 : i32 to index
        %parallel_loop3A_231 = tpu.vector_load %arg11[%parallel_loop3A_229, %parallel_loop3A_230] {strides = array<i32>} : memref<16x2048xf32, #tpu.memory_space<vmem>>, vector<16xf32>,
        tpu.vector_store %arg11[%parallel_loop3A_229, %parallel_loop3A_230], %parallel_loop3A_227 {strides = array<i32>} : memref<16x2048xf32, #tpu.memory_space<vmem>>, vector<16xf32>,
        %parallel_loop3A_232 = tpu.vector_load_idx %arg9[%broadcast_in_dim3A_46, %parallel_loop3A_151] : memref<16x1278xf32, #tpu.memory_space<vmem>>[vector<16xi32>, vector<16xi32>], vector<16xf32>,
        %parallel_loop3A_233 = arith.mulf %parallel_loop3A_232, %parallel_loop3A_153 : vector<16xf32>
        %parallel_loop3A_234 = arith.constant 13 : i32
        %parallel_loop3A_235 = arith.index_cast %parallel_loop3A_234 : i32 to index
        %parallel_loop3A_236 = arith.index_cast %parallel_loop3A_149 : i32 to index
        %parallel_loop3A_237 = tpu.vector_load %arg11[%parallel_loop3A_235, %parallel_loop3A_236] {strides = array<i32>} : memref<16x2048xf32, #tpu.memory_space<vmem>>, vector<16xf32>,
        tpu.vector_store %arg11[%parallel_loop3A_235, %parallel_loop3A_236], %parallel_loop3A_233 {strides = array<i32>} : memref<16x2048xf32, #tpu.memory_space<vmem>>, vector<16xf32>,
        %parallel_loop3A_238 = tpu.vector_load_idx %arg9[%broadcast_in_dim3A_48, %parallel_loop3A_151] : memref<16x1278xf32, #tpu.memory_space<vmem>>[vector<16xi32>, vector<16xi32>], vector<16xf32>,
        %parallel_loop3A_239 = arith.mulf %parallel_loop3A_238, %parallel_loop3A_153 : vector<16xf32>
        %parallel_loop3A_240 = arith.constant 14 : i32
        %parallel_loop3A_241 = arith.index_cast %parallel_loop3A_240 : i32 to index
        %parallel_loop3A_242 = arith.index_cast %parallel_loop3A_149 : i32 to index
        %parallel_loop3A_243 = tpu.vector_load %arg11[%parallel_loop3A_241, %parallel_loop3A_242] {strides = array<i32>} : memref<16x2048xf32, #tpu.memory_space<vmem>>, vector<16xf32>,
        tpu.vector_store %arg11[%parallel_loop3A_241, %parallel_loop3A_242], %parallel_loop3A_239 {strides = array<i32>} : memref<16x2048xf32, #tpu.memory_space<vmem>>, vector<16xf32>,
        %parallel_loop3A_244 = tpu.vector_load_idx %arg9[%broadcast_in_dim3A_50, %parallel_loop3A_151] : memref<16x1278xf32, #tpu.memory_space<vmem>>[vector<16xi32>, vector<16xi32>], vector<16xf32>,
        %parallel_loop3A_245 = arith.mulf %parallel_loop3A_244, %parallel_loop3A_153 : vector<16xf32>
        %parallel_loop3A_246 = arith.constant 15 : i32
        %parallel_loop3A_247 = arith.index_cast %parallel_loop3A_246 : i32 to index
        %parallel_loop3A_248 = arith.index_cast %parallel_loop3A_149 : i32 to index
        %parallel_loop3A_249 = tpu.vector_load %arg11[%parallel_loop3A_247, %parallel_loop3A_248] {strides = array<i32>} : memref<16x2048xf32, #tpu.memory_space<vmem>>, vector<16xf32>,
        tpu.vector_store %arg11[%parallel_loop3A_247, %parallel_loop3A_248], %parallel_loop3A_245 {strides = array<i32>} : memref<16x2048xf32, #tpu.memory_space<vmem>>, vector<16xf32>,
      } {sc.loop_unroll_factor = 4 : i64, sc.parallel_access}
      %mul3A_130 = arith.constant 16 : i32
      %mul3A_131 = arith.muli %add3A_111, %mul3A_130 : i32
      %add3A_132 = arith.addi %mul3A_2, %mul3A_131 : i32
      %dma_start3A_133 = arith.constant 1 : i32
      %dma_start3A_134 = arith.constant 0 : i32
      %dma_start3A_135 = tpu.memref_slice %arg5[%add3A_132, %dma_start3A_134] : memref<16384x2048xf32, #tpu.memory_space<hbm>> -> memref<16x2048xf32, #tpu.memory_space<hbm>>
      %dma_start3A_136 = tpu.memref_slice %arg13[%dma_start3A_133] : memref<2x!tpu.dma_semaphore, #tpu.memory_space<semaphore_mem>> -> memref<1x!tpu.dma_semaphore, #tpu.memory_space<semaphore_mem>>
      %dma_start3A_137 = tpu.memref_squeeze %dma_start3A_136 : memref<1x!tpu.dma_semaphore, #tpu.memory_space<semaphore_mem>> -> memref<!tpu.dma_semaphore, #tpu.memory_space<semaphore_mem>>
      %dma_start3A_138 = arith.constant 0 : i32
      %dma_start3A_139 = tpu.memref_slice %arg5[%add3A_132, %dma_start3A_138] : memref<16384x2048xf32, #tpu.memory_space<hbm>> -> memref<16x2048xf32, #tpu.memory_space<hbm>>
      tpu.enqueue_dma source(%arg11 : memref<16x2048xf32, #tpu.memory_space<vmem>>) target(%dma_start3A_139 : memref<16x2048xf32, #tpu.memory_space<hbm>>) target_semaphore(%dma_start3A_137 : memref<!tpu.dma_semaphore, #tpu.memory_space<semaphore_mem>>)
      %add3A_140 = arith.constant 2 : i32
      %add3A_141 = arith.addi %add3A_111, %add3A_140 : i32
      %lt3A_142 = arith.constant 32 : i32
      %lt3A_143 = arith.cmpi slt, %add3A_141, %lt3A_142 : i32
      %convert_element_type3A_144 = arith.extui %lt3A_143 : i1 to i32
      %cond3A_145 = arith.constant 0 : i32
      %cond3A_146 = arith.cmpi ne, %convert_element_type3A_144, %cond3A_145 : i32
      scf.if %cond3A_146 {
        %add3A_147 = arith.constant 2 : i32
        %add3A_148 = arith.addi %add3A_111, %add3A_147 : i32
        %mul3A_149 = arith.constant 16 : i32
        %mul3A_150 = arith.muli %add3A_148, %mul3A_149 : i32
        %add3A_151 = arith.addi %mul3A_2, %mul3A_150 : i32
        %dma_start3A_152 = arith.constant 1 : i32
        %dma_start3A_153 = arith.constant 0 : i32
        %dma_start3A_154 = tpu.memref_slice %arg2[%add3A_151, %dma_start3A_153] : memref<16384x1278xf32, #tpu.memory_space<hbm>> -> memref<16x1278xf32, #tpu.memory_space<hbm>>
        %dma_start3A_155 = tpu.memref_slice %arg12[%dma_start3A_152] : memref<2x!tpu.dma_semaphore, #tpu.memory_space<semaphore_mem>> -> memref<1x!tpu.dma_semaphore, #tpu.memory_space<semaphore_mem>>
        %dma_start3A_156 = tpu.memref_squeeze %dma_start3A_155 : memref<1x!tpu.dma_semaphore, #tpu.memory_space<semaphore_mem>> -> memref<!tpu.dma_semaphore, #tpu.memory_space<semaphore_mem>>
        %dma_start3A_157 = arith.constant 0 : i32
        %dma_start3A_158 = tpu.memref_slice %arg2[%add3A_151, %dma_start3A_157] : memref<16384x1278xf32, #tpu.memory_space<hbm>> -> memref<16x1278xf32, #tpu.memory_space<hbm>>
        tpu.enqueue_dma source(%dma_start3A_158 : memref<16x1278xf32, #tpu.memory_space<hbm>>) target(%arg9 : memref<16x1278xf32, #tpu.memory_space<vmem>>) target_semaphore(%dma_start3A_156 : memref<!tpu.dma_semaphore, #tpu.memory_space<semaphore_mem>>)
      } else {
      }
    }
    %scan3A_55 = arith.constant 16 : i32
    %add3A_56 = arith.constant 480 : i32
    %add3A_57 = arith.addi %mul3A_2, %add3A_56 : i32
    %dma_wait3A = arith.constant 0 : i32
    %dma_wait3A_58 = arith.constant 0 : i32
    %dma_wait3A_59 = tpu.memref_slice %arg5[%add3A_57, %dma_wait3A_58] : memref<16384x2048xf32, #tpu.memory_space<hbm>> -> memref<16x2048xf32, #tpu.memory_space<hbm>>
    %dma_wait3A_60 = tpu.memref_slice %arg13[%dma_wait3A] : memref<2x!tpu.dma_semaphore, #tpu.memory_space<semaphore_mem>> -> memref<1x!tpu.dma_semaphore, #tpu.memory_space<semaphore_mem>>
    %dma_wait3A_61 = tpu.memref_squeeze %dma_wait3A_60 : memref<1x!tpu.dma_semaphore, #tpu.memory_space<semaphore_mem>> -> memref<!tpu.dma_semaphore, #tpu.memory_space<semaphore_mem>>
    %dma_wait3A_62 = arith.constant 0 : i32
    %dma_wait3A_63 = tpu.memref_slice %arg5[%add3A_57, %dma_wait3A_62] : memref<16384x2048xf32, #tpu.memory_space<hbm>> -> memref<16x2048xf32, #tpu.memory_space<hbm>>
    tpu.wait_dma2 semaphore(%dma_wait3A_61 : memref<!tpu.dma_semaphore, #tpu.memory_space<semaphore_mem>>) src(%arg10 : memref<16x2048xf32, #tpu.memory_space<vmem>>) dst(%dma_wait3A_63 : memref<16x2048xf32, #tpu.memory_space<hbm>>)
    %add3A_64 = arith.constant 496 : i32
    %add3A_65 = arith.addi %mul3A_2, %add3A_64 : i32
    %dma_wait3A_66 = arith.constant 1 : i32
    %dma_wait3A_67 = arith.constant 0 : i32
    %dma_wait3A_68 = tpu.memref_slice %arg5[%add3A_65, %dma_wait3A_67] : memref<16384x2048xf32, #tpu.memory_space<hbm>> -> memref<16x2048xf32, #tpu.memory_space<hbm>>
    %dma_wait3A_69 = tpu.memref_slice %arg13[%dma_wait3A_66] : memref<2x!tpu.dma_semaphore, #tpu.memory_space<semaphore_mem>> -> memref<1x!tpu.dma_semaphore, #tpu.memory_space<semaphore_mem>>
    %dma_wait3A_70 = tpu.memref_squeeze %dma_wait3A_69 : memref<1x!tpu.dma_semaphore, #tpu.memory_space<semaphore_mem>> -> memref<!tpu.dma_semaphore, #tpu.memory_space<semaphore_mem>>
    %dma_wait3A_71 = arith.constant 0 : i32
    %dma_wait3A_72 = tpu.memref_slice %arg5[%add3A_65, %dma_wait3A_71] : memref<16384x2048xf32, #tpu.memory_space<hbm>> -> memref<16x2048xf32, #tpu.memory_space<hbm>>
    tpu.wait_dma2 semaphore(%dma_wait3A_70 : memref<!tpu.dma_semaphore, #tpu.memory_space<semaphore_mem>>) src(%arg11 : memref<16x2048xf32, #tpu.memory_space<vmem>>) dst(%dma_wait3A_72 : memref<16x2048xf32, #tpu.memory_space<hbm>>)
    return
  }
}

</mosaic_0001>

<sc_bundles>
// kernel: kernel.3.cloned.1.call-start
scs
__scs_entry_jumppad:
0x0: {  	(pc) =	sbr.rel $0x88, $3  }
0x1: {  	(tag) =	ssettag $0x0;
	lr =	simm.s32 $0x1  }
0x2: {  	[smem:$0x3F9E] =	sst lr;
	_ =	strace $0xD0000000  }
0x3: {  	_ = 	snop  }
0x4: {  	_ = 	snop  }
0x5: {  	_ = 	snop  }
0x6: {  	_ = 	snop  }
0x7: {  	_ = 	snop  }
__scs_overlays_trampoline_lowered:
0x8: {  	[smem:$0x3FAD] =	sst s0  }
0x9: {  	[smem:$0x3FAE] =	sst s1  }
0xa: {  	[smem:$0x3FAF] =	sst s2  }
0xb: {  	[smem:$0x3FB0] =	sst s3  }
0xc: {  	[smem:$0x3FB1] =	sst s4  }
0xd: {  	[smem:$0x3FB2] =	sst s5  }
0xe: {  	[smem:$0x3FB3] =	sst s6  }
0xf: {  	[smem:$0x3FB4] =	sst s7  }
0x10: {  	[smem:$0x3FB5] =	sst s8  }
0x11: {  	[smem:$0x3FB6] =	sst s9;
	s0 =	simm.s32 @!p0 $0x0  }
0x12: {  	s1 =	sld [smem:$0x3F9C];
	s0 =	simm.s32 @p0 $0x1  }
0x13: {  	[smem:$0x3FB7] =	sst s0;
	s0 =	simm.s32 @!p1 $0x0  }
0x14: {  	s2 =	sld [smem:$0x3F9B];
	s0 =	simm.s32 @p1 $0x1  }
0x15: {  	[smem:$0x3FB8] =	sst s0;
	s0 =	simm.s32 @!p2 $0x0  }
0x16: {  	s3 =	sld [smem:$0x3FDB];
	s0 =	simm.s32 @p2 $0x1  }
0x17: {  	s4 =	simm.s32 $0x1BF5;
	[smem:$0x3FBA] =	sst s0  }
0x18: {  	s0 =	sld [smem:$0x3F9D];
	_ =	swait.ge [sflag:s4], $0x0  }
0x19: {  	s7 =	sld [smem:$0x3F9E]  }
0x1a: {  	s8 =	sadd.s32 $0xFFFFE003, lr  }
0x1b: {  	s9 =	sadd.s32 $0xFFFFFEF7, lr;
	s5 =	simm.s32 $0xFFFFFFFF;
	p2 =	slt.u32 s8, $0xFFFFF086  }
0x1c: {  	p1 =	slt.u32 s9, $0xF7A;
	s5 =	simm.s32 @!p2 $0x0  }
0x1d: {  	s5 =	simm.s32 @p1 $0x1;
	p0 =	seq.s32 s7, s2  }
0x1e: {  	s7 =	smul.u32 @!p0 $0xF7A, s2;
	p2 =	seq.s32 @!p0 s5, $0x0  }
0x1f: {  	s9 =	smul.u32 $0xF7A, s1;
	s8 =	simm.s32 @!p0 $0x1BF5;
	p2 =	por !p2, p0  }
0x20: {  	[sflag:s8] =	ssyncset.s32 @!p0 $0xFFFFF086;
	s6 =	sadd.s32 @!p0 s3, s7;
	s7 =	simm.s32 @!p0 $0x108  }
0x21: {  	s3 =	sadd.s32 s3, s9;
	s6 =	sadd.s32 @!p0 $0x88, s6;
	s7 =	simm.s32 @p2 $0x1082  }
0x22: {  	[simem:s7], [sflag:s8] =	dma.local @!p0 [hbm:s6], $0xF7A  }
0x23: {  	s9 =	sor.u32 $0xD0000000, s2;
	s6 =	simm.s32 $0x108;
	_ =	swait.ge @!p0 [sflag:s8], $0x0  }
0x24: {  	s3 =	sadd.s32 $0x88, s3;
	s6 =	simm.s32 @!p1 $0x1082;
	[sflag:s4] =	ssyncset.s32 $0xFFFFF086  }
0x25: {  	[simem:s6], [sflag:s4] =	dma.local [hbm:s3], $0xF7A  }
0x26: {  	[smem:$0x3F9E] =	sst s1;
	(tag) =	ssettag s2;
	_ =	strace s9  }
0x27: {  	s1 =	sld [smem:$0x3FAE]  }
0x28: {  	s2 =	sld [smem:$0x3FAF]  }
0x29: {  	s4 =	sld [smem:$0x3FB1]  }
0x2a: {  	p0 =	seq.s32 s5, $0x0;
	s5 =	sld [smem:$0x3FB2]  }
0x2b: {  	s6 =	sld [smem:$0x3FB3]  }
0x2c: {  	s7 =	sld [smem:$0x3FB4]  }
0x2d: {  	s3 =	simm.s32 $0x108;
	s8 =	sld [smem:$0x3FB5]  }
0x2e: {  	s3 =	simm.s32 @!p0 $0x1082;
	s9 =	sld [smem:$0x3FB6]  }
0x2f: {  	lr =	sadd.s32 s0, s3;
	s0 =	sld [smem:$0x3FAD]  }
0x30: {  	s3 =	sld [smem:$0x3FB0]  }
0x31: {  	[smem:$0x3FB9] =	sst s10  }
0x32: {  	s10 =	sld [smem:$0x3FB7];
	_ =	sdelay $0x3  }
0x33: {  	p0 =	seq.s32 s10, $0x1;
	s10 =	sld [smem:$0x3FB9];
	_ =	sdelay $0x3  }
0x34: {  	[smem:$0x3FB9] =	sst s10  }
0x35: {  	s10 =	sld [smem:$0x3FB8];
	_ =	sdelay $0x3  }
0x36: {  	p1 =	seq.s32 s10, $0x1;
	s10 =	sld [smem:$0x3FB9];
	_ =	sdelay $0x3  }
0x37: {  	[smem:$0x3FB9] =	sst s10  }
0x38: {  	s10 =	sld [smem:$0x3FBA]  }
0x39: {  	_ = 	snop;
	(pc) =	sbr.ind lr, $3  }
0x3a: {  	_ = 	snop  }
0x3b: {  	_ = 	snop  }
0x3c: {  	p2 =	seq.s32 s10, $0x1;
	s10 =	sld [smem:$0x3FB9]  }
0x3d: {  	_ =	shalt  }
0x3e: {  	_ =	shalt  }
0x3f: {  	_ =	shalt  }
0x40: {  	_ =	shalt  }
0x41: {  	_ =	shalt  }
0x42: {  	_ =	shalt  }
0x43: {  	_ =	shalt  }
0x44: {  	_ =	shalt  }
0x45: {  	_ =	shalt  }
0x46: {  	_ =	shalt  }
0x47: {  	_ =	shalt  }
0x48: {  	_ =	shalt  }
0x49: {  	_ =	shalt  }
0x4a: {  	_ =	shalt  }
0x4b: {  	_ =	shalt  }
0x4c: {  	_ =	shalt  }
0x4d: {  	_ =	shalt  }
0x4e: {  	_ =	shalt  }
0x4f: {  	_ =	shalt  }
0x50: {  	_ =	shalt  }
0x51: {  	_ =	shalt  }
0x52: {  	_ =	shalt  }
0x53: {  	_ =	shalt  }
0x54: {  	_ =	shalt  }
0x55: {  	_ =	shalt  }
0x56: {  	_ =	shalt  }
0x57: {  	_ =	shalt  }
0x58: {  	_ =	shalt  }
0x59: {  	_ =	shalt  }
0x5a: {  	_ =	shalt  }
0x5b: {  	_ =	shalt  }
0x5c: {  	_ =	shalt  }
0x5d: {  	_ =	shalt  }
0x5e: {  	_ =	shalt  }
0x5f: {  	_ =	shalt  }
0x60: {  	_ =	shalt  }
0x61: {  	_ =	shalt  }
0x62: {  	_ =	shalt  }
0x63: {  	_ =	shalt  }
0x64: {  	_ =	shalt  }
0x65: {  	_ =	shalt  }
0x66: {  	_ =	shalt  }
0x67: {  	_ =	shalt  }
0x68: {  	_ =	shalt  }
0x69: {  	_ =	shalt  }
0x6a: {  	_ =	shalt  }
0x6b: {  	_ =	shalt  }
0x6c: {  	_ =	shalt  }
0x6d: {  	_ =	shalt  }
0x6e: {  	_ =	shalt  }
0x6f: {  	_ =	shalt  }
0x70: {  	_ =	shalt  }
0x71: {  	_ =	shalt  }
0x72: {  	_ =	shalt  }
0x73: {  	_ =	shalt  }
0x74: {  	_ =	shalt  }
0x75: {  	_ =	shalt  }
0x76: {  	_ =	shalt  }
0x77: {  	_ =	shalt  }
0x78: {  	_ =	shalt  }
0x79: {  	_ =	shalt  }
0x7a: {  	_ =	shalt  }
0x7b: {  	_ =	shalt  }
0x7c: {  	_ =	shalt  }
0x7d: {  	_ =	shalt  }
0x7e: {  	_ =	shalt  }
0x7f: {  	_ =	shalt  }
0x80: {  	_ =	shalt  }
0x81: {  	_ =	shalt  }
0x82: {  	_ =	shalt  }
0x83: {  	_ =	shalt  }
0x84: {  	_ =	shalt  }
0x85: {  	_ =	shalt  }
0x86: {  	_ =	shalt  }
0x87: {  	_ =	shalt  }
.Lfunc_end0:
.L_simem_size_0:
called_computation_lowered:
.L_overlay_start_0:
0x88: {  	s2 =	sld [smem:$0x3FD9]  }
0x89: {  	s3 =	sld [smem:$0x3FFE];
	_ =	sdelay $0x1  }
0x8a: {  	s1 =	srdreg.scid  }
0x8b: {  	s0 =	sand.u32 $0x1, s1  }
0x8c: {  	s18 =	sshll.u32 s0, $0xA;
	s2 =	sadd.s32 s3, s2  }
0x8d: {  	s2 =	sadd.s32 s2, s18  }
0x8e: {  	[smem:$0x3FC5] =	sst s2  }
0x8f: {  	_ = 	snop  }
0x90: {  	s2 =	sld [smem:$0x3FC9]  }
0x91: {  	s19 =	sld [smem:$0x3FC8]  }
0x92: {  	s4 =	sld [smem:$0x3FC7]  }
0x93: {  	s5 =	sld [smem:$0x3FD0];
	(tm) =	ssettm $0x1  }
0x94: {  	s6 =	sld [smem:$0x3FFB];
	_ =	sdelay $0x3  }
0x95: {  	_ =	strace s6  }
0x96: {  	s6 =	sld [smem:$0x3FFC];
	_ =	sdelay $0x3  }
0x97: {  	_ =	strace s6  }
0x98: {  	s6 =	sld [smem:$0x3FFD];
	_ =	sdelay $0x3  }
0x99: {  	_ =	strace s6  }
0x9a: {  	_ =	strace $0x8FFFFFFF  }
0x9b: {  	s20 =	sld [smem:$0x3FDB];
	_ =	sdelay $0x1  }
0x9c: {  	s7 =	simm.s32 $_scs_section_size  }
0x9d: {  	s8 =	simm.s32 $_size__tile_overlayer_lowered;
	s9 =	simm.s32 $_tile_overlayer_lowered  }
0x9e: {  	s23 =	simm.s32 $0x1BFF;
	s22 =	sshll.u32 s9, $0x1;
	s6 =	sadd.s32 s7, s20  }
0x9f: {  	s10 =	simm.s32 $0x0;
	s21 =	sshll.u32 s8, $0x1;
	s8 =	sadd.s32 s22, s6  }
0xa0: {  	[timem:s10], [sflag:s23] =	dma.local [hbm:s8], s21  }
0xa1: {  	_ =	swait.ge [sflag:s23], s21  }
0xa2: {  	s7 =	ssub.s32 $0x0, s21;
	[sflag:s23] =	ssyncset.done $0x0  }
0xa3: {  	[sflag:s23] =	ssyncadd.s32 s7;
	_ =	sdelay $0x1  }
0xa4: {  	s24 =	simm.s32 $0x1B8B  }
0xa5: {  	_ =	swait.ge [sflag:s24], $0x1  }
0xa6: {  	[sflag:s24] =	ssyncset.done $0x0  }
0xa7: {  	s25 =	simm.s32 $0x1B8E;
	[sflag:s24] =	ssyncadd.s32 $0xFFFFFFFF  }
0xa8: {  	s26 =	simm.s32 $execute0_lowered;
	[smem:$0x3FD2] =	sst s25  }
0xa9: {  	s7 =	sshll.u32 s26, $0x1;
	_ =	strace $0x80000046;
	[dreg:$0x1] =	wrdreg $0xFFFFFFFF  }
0xaa: {  	s28 =	simm.s32 $_size_execute0_lowered;
	s6 =	sadd.s32 s6, s7;
	[dreg:$0x0] =	wrdreg $0x0  }
0xab: {  	s7 =	sshll.u32 s28, $0x1;
	[dreg:$0x2] =	wrdreg s6  }
0xac: {  	[dreg:$0x3] =	wrdreg s7  }
0xad: {  	[dreg:$0x4] =	wrdreg $0xC0  }
0xae: {  	_ =	task [dreg:s10], $0x5FFFF  }
0xaf: {  	[dreg:$0x1] =	wrdreg $0xFFFFFFFF  }
0xb0: {  	[dreg:$0x0] =	wrdreg $0x60  }
0xb1: {  	[dreg:$0x2] =	wrdreg s2  }
0xb2: {  	[dreg:$0x3] =	wrdreg s19  }
0xb3: {  	[dreg:$0x4] =	wrdreg s4  }
0xb4: {  	[dreg:$0x5] =	wrdreg s5  }
0xb5: {  	[dreg:$0x6] =	wrdreg $0x9  }
0xb6: {  	_ =	task.clear_ibuf [dreg:s10], $0x7FFFF;
	_ =	strace $0x90000046  }
0xb7: {  	s29 =	simm.s32 $0x9;
	_ =	strace $0x80000048  }
0xb8: {  	_ =	swait.ge [sflag:s29], $0x1  }
0xb9: {  	[sflag:s29] =	ssyncadd.s32 $0xFFFFFFFF  }
0xba: {  	_ =	strace $0x90000048  }
0xbb: {  	_ =	sfence  }
0xbc: {  	s30 =	sld [smem:$0x0];
	_ =	sdelay $0x2  }
0xbd: {  	s31 =	sshll.u32 s1, $0xD;
	s1 =	sshrl.u32 s1, $0x2  }
0xbe: {  	s3 =	sand.u32 $0x4000, s31;
	s1 =	sadd.s32 s1, s30  }
0xbf: {  	s0 =	sor.u32 s3, s0;
	s1 =	sshll.u32 s1, $0x11  }
0xc0: {  	s0 =	sor.u32 s1, s0  }
0xc1: {  	s0 =	sadd.s32 $0x8F2B, s0  }
0xc2: {  	[sflag:s0] =	ssyncadd.remote.s32 $0x1  }
0xc3: {  	_ =	sfence.sel $0xFFFF  }
0xc4: {  	[dreg:$0x0] =	wrdreg $0xFFFFFFFF;
	(pc) =	sbr.abs _section_cstart, $3  }
0xc5: {  	[dreg:$0x1] =	wrdreg $0xFFFFFFFF  }
0xc6: {  	_ =	task.clear_ibuf [dreg:s10], $0x2FFFF;
	_ =	strace $0x9FFFFFFF  }
0xc7: {  	(tm) =	ssettm $0x7FFFFFFF  }
tec
execute0_lowered:
.L_overlay_start_1:
0x0: {  	(tag) =	ssettag $0x1  }
0x1: {  	s0 =	srdreg.scid;
	s3 =	rddreg [dreg:$0x0]  }
0x2: {  	s1 =	stileid.u32;
	s5 =	rddreg [dreg:$0x3];
	s0 =	sand.u32 $0x1, s0  }
0x3: {  	s6 =	simm.s32 $0x0;
	s1 =	sshll.u32 s1, $0xA;
	s2 =	sshll.u32 s0, $0x9  }
0x4: {  	[smem:$0x7FF] =	sst s6;
	s0 =	ssub.s32 $0x2, s0;
	s4 =	sor.u32 s2, s1  }
0x5: {  	_ =	strace $0x80000047;
	s28 =	sshrl.u32 s0, $0x1;
	s1 =	sshrl.u32 s4, $0x3  }
0x6: {  	s0 =	ssub.s32 s0, s28;
	s30 =	sor.u32 $0x20, s4;
	[dreg:$0xd] =	wrdreg s4  }
0x7: {  	s31 =	sor.u32 $0x30, s4;
	s1 =	smul.u32 $0x500, s1;
	[dreg:$0x11] =	wrdreg s30  }
.Ltmp0:
0x8: {  	[dreg:$0x12] =	wrdreg s31;
	s0 =	smax.u32 s0, $0x1;
	(pc) =	sbr.rel .LBB2_1-.Ltmp0, $4  }
0x9: {  	[dreg:$0x13] =	wrdreg s0;
	s1 =	sadd.s32 s3, s1  }
0xa: {  	s29 =	sshll.u32 s4, $0x8;
	[dreg:$0xe] =	wrdreg s1;
	s1 =	sadd.s32 $0xA00, s1  }
0xb: {  	s16 =	simm.s32 $0x1000;
	[dreg:$0xf] =	wrdreg s1;
	s1 =	sadd.s32 s5, s29  }
0xc: {  	s17 =	simm.s32 $0x6000;
	s2 =	simm.s32 $0x0;
	[dreg:$0x10] =	wrdreg s1  }
.LBB2_8:
0xd: {  	s0 =	simm.s32 $0x3  }
0xe: {  	_ =	swait.ge [sflag:s0], $0x8000  }
0xf: {  	[sflag:s0] =	ssyncset.done $0x0  }
0x10: {  	s1 =	simm.s32 $0x4;
	[sflag:s0] =	ssyncadd.s32 $0xFFFF8000  }
0x11: {  	_ =	swait.ge [sflag:s1], $0x8000  }
0x12: {  	s2 =	rddreg [dreg:$0x14]  }
0x13: {  	s31 =	rddreg [dreg:$0x13];
	s2 =	sadd.s32 $0x1, s2  }
0x14: {  	p0 =	sne.s32 s2, s31  }
.Ltmp1:
0x15: {  	_ = 	snop;
	(pc) =	sbr.rel @!p0 .LBB2_9-.Ltmp1, $3  }
0x16: {  	_ =	sdelay $0x1  }
0x17: {  	[sflag:s1] =	ssyncset.done $0x0  }
0x18: {  	[sflag:s1] =	ssyncadd.s32 $0xFFFF8000  }
.LBB2_1:
0x19: {  	[dreg:$0x14] =	wrdreg s2  }
0x1a: {  	s0 =	rddreg [dreg:$0x1];
	s1 =	simm.s32 $0x5  }
0x1b: {  	[tilespmem:s6], [sflag:$0x5] =	stream.linear.gather [hbm4b:s0+s6], $0x800, $0x38;
	[tilespmem:$0x1B000] =	vst v63  }
0x1c: {  	_ =	swait.ge [sflag:s1], $0x800  }
0x1d: {  	[sflag:s1] =	ssyncset.done $0x0  }
0x1e: {  	[sflag:s1] =	ssyncadd.s32 $0xFFFFF800  }
0x1f: {  	s29 =	simm.s32 $0x800;
	s28 =	rddreg [dreg:$0x2]  }
0x20: {  	[tilespmem:s29], [sflag:$0x5] =	stream.linear.gather [hbm4b:s28+s6], $0x800, $0x38;
	[tilespmem:$0x1B000] =	vst v63  }
0x21: {  	_ =	swait.ge [sflag:s1], $0x800  }
0x22: {  	[sflag:s1] =	ssyncset.done $0x0  }
0x23: {  	s30 =	rddreg [dreg:$0xe];
	[sflag:s1] =	ssyncadd.s32 $0xFFFFF800  }
0x24: {  	[tilespmem:s16], [sflag:$0x1] =	stream.linear.gather [hbm4b:s30+s6], $0x5000, $0x38;
	[tilespmem:$0x1B000] =	vst v63  }
0x25: {  	s15 =	simm.s32 $0x0;
	s31 =	rddreg [dreg:$0xf]  }
0x26: {  	[tilespmem:s17], [sflag:$0x2] =	stream.linear.gather [hbm4b:s31+s6], $0x5000, $0x38;
	[tilespmem:$0x1B000] =	vst v63  }
.LBB2_2:
0x27: {  	s0 =	simm.s32 $0x1  }
0x28: {  	_ =	swait.ge [sflag:s0], $0x5000  }
0x29: {  	p1 =	seq.s32 s15, $0x0;
	[sflag:s0] =	ssyncset.done $0x0  }
0x2a: {  	s1 =	simm.s32 $0x0;
	[sflag:s0] =	ssyncadd.s32 $0xFFFFB000;
	s0 =	simm.s32 @!p1 $0x3  }
0x2b: {  	s22 =	sand.u32 $0x40, s1;
	_ =	swait.ge @!p1 [sflag:s0], $0x8000  }
0x2c: {  	s2 =	sand.u32 $0x780, s1;
	s6 =	sor.u32 $0x30, s22;
	[sflag:s0] =	ssyncset.done @!p1 $0x0  }
0x2d: {  	s26 =	sor.u32 s2, s6;
	[sflag:s0] =	ssyncadd.s32 @!p1 $0xFFFF8000  }
0x2e: {  	s23 =	sor.u32 $0x10, s22;
	v0 =	vld [tilespmem:s26+$0x0]  }
0x2f: {  	s14 =	sor.u32 $0x20, s22;
	s3 =	sor.u32 s2, s23  }
0x30: {  	s2 =	sor.u32 s2, s14;
	v1 =	vld [tilespmem:s3+$0x0]  }
0x31: {  	v2 =	vld [tilespmem:s2+$0x0];
	_ =	sdelay $0x1  }
0x32: {  	v3 =	vld [tilespmem:s1+$0x0];
	v4 =	vshll.u32 v0, $0x3  }
0x33: {  	v0 =	vand.u32 $0x7F, v0;
	v4 =	vand.u32 $0xFFFFFC00, v4  }
0x34: {  	v5 =	vshll.u32 v1, $0x3;
	v7 =	vor.u32 v0, v4  }
0x35: {  	v6 =	vshll.u32 v2, $0x3;
	v5 =	vand.u32 $0xFFFFFC00, v5;
	v0 =	vand.u32 $0x7F, v1  }
0x36: {  	v1 =	vand.u32 $0xFFFFFC00, v6;
	v13 =	vor.u32 v0, v5;
	v0 =	vand.u32 $0x7F, v2  }
0x37: {  	v20 =	vld [tilespmem:s3+$0x800];
	v12 =	vor.u32 v0, v1;
	v0 =	vshll.u32 v3, $0x3  }
0x38: {  	v14 =	vld [tilespmem:s26+$0x800];
	v1 =	vand.u32 $0x7F, v3;
	v0 =	vand.u32 $0xFFFFFC00, v0  }
0x39: {  	v23 =	vor.u32 v1, v0;
	v0 =	vld.idx.msk [tilespmem:v7+s16+$0x0], $0xffff  }
0x3a: {  	v18 =	vld [tilespmem:s2+$0x800]  }
0x3b: {  	v1 =	vld.idx.msk [tilespmem:v13+s16+$0x0], $0xffff  }
0x3c: {  	s3 =	simm.s32 $0x800;
	v3 =	vor.u32 $0x80, v7;
	v2 =	vld.idx.msk [tilespmem:v12+s16+$0x0], $0xffff  }
0x3d: {  	s9 =	sand.u32 $0x3C00, s1;
	v22 =	vld [tilespmem:s3+$0x0]  }
0x3e: {  	s4 =	sadd.s32 $0xB000, s9;
	v4 =	vor.u32 $0x80, v13;
	v5 =	vld.idx.msk [tilespmem:v23+s16+$0x0], $0xffff;
	v0 =	vmul.f32 v0, v14  }
0x3f: {  	s5 =	sor.u32 s6, s4;
	v6 =	vor.u32 $0x80, v12  }
0x40: {  	v1 =	vmul.f32 v1, v20;
	[tilespmem:s5+$0x0] =	vst v0  }
0x41: {  	s7 =	sor.u32 s23, s4;
	v0 =	vmul.f32 v2, v18;
	v2 =	vor.u32 $0x80, v23;
	v3 =	vld.idx.msk [tilespmem:v3+s16+$0x0], $0xffff  }
0x42: {  	s8 =	sor.u32 s14, s4;
	[tilespmem:s7+$0x0] =	vst v1  }
0x43: {  	v1 =	vld.idx.msk [tilespmem:v4+s16+$0x0], $0xffff;
	[tilespmem:s8+$0x0] =	vst v0;
	v0 =	vmul.f32 v5, v22  }
0x44: {  	s0 =	sor.u32 s22, s4;
	v5 =	vor.u32 $0x100, v7;
	v4 =	vld.idx.msk [tilespmem:v6+s16+$0x0], $0xffff  }
0x45: {  	[tilespmem:s0+$0x0] =	vst v0  }
0x46: {  	v6 =	vor.u32 $0x100, v13;
	v2 =	vld.idx.msk [tilespmem:v2+s16+$0x0], $0xffff;
	v3 =	vmul.f32 v3, v14  }
0x47: {  	v0 =	vor.u32 $0x100, v12  }
0x48: {  	v1 =	vmul.f32 v1, v20;
	[tilespmem:s5+$0x80] =	vst v3  }
0x49: {  	v3 =	vmul.f32 v4, v18;
	v4 =	vor.u32 $0x100, v23;
	v5 =	vld.idx.msk [tilespmem:v5+s16+$0x0], $0xffff  }
0x4a: {  	[tilespmem:s7+$0x80] =	vst v1  }
0x4b: {  	v1 =	vld.idx.msk [tilespmem:v6+s16+$0x0], $0xffff;
	[tilespmem:s8+$0x80] =	vst v3;
	v2 =	vmul.f32 v2, v22  }
0x4c: {  	v3 =	vor.u32 $0x180, v7;
	v0 =	vld.idx.msk [tilespmem:v0+s16+$0x0], $0xffff  }
0x4d: {  	[tilespmem:s0+$0x80] =	vst v2  }
0x4e: {  	v6 =	vor.u32 $0x180, v13;
	v4 =	vld.idx.msk [tilespmem:v4+s16+$0x0], $0xffff;
	v5 =	vmul.f32 v5, v14  }
0x4f: {  	v2 =	vor.u32 $0x180, v12  }
0x50: {  	v1 =	vmul.f32 v1, v20;
	[tilespmem:s5+$0x100] =	vst v5  }
0x51: {  	v0 =	vmul.f32 v0, v18;
	v5 =	vor.u32 $0x180, v23;
	v3 =	vld.idx.msk [tilespmem:v3+s16+$0x0], $0xffff  }
0x52: {  	[tilespmem:s7+$0x100] =	vst v1  }
0x53: {  	v1 =	vld.idx.msk [tilespmem:v6+s16+$0x0], $0xffff;
	[tilespmem:s8+$0x100] =	vst v0;
	v0 =	vmul.f32 v4, v22  }
0x54: {  	v4 =	vor.u32 $0x200, v7;
	v2 =	vld.idx.msk [tilespmem:v2+s16+$0x0], $0xffff  }
0x55: {  	[tilespmem:s0+$0x100] =	vst v0  }
0x56: {  	v6 =	vor.u32 $0x200, v13;
	v5 =	vld.idx.msk [tilespmem:v5+s16+$0x0], $0xffff;
	v3 =	vmul.f32 v3, v14  }
0x57: {  	v0 =	vor.u32 $0x200, v12  }
0x58: {  	v1 =	vmul.f32 v1, v20;
	[tilespmem:s5+$0x180] =	vst v3  }
0x59: {  	v2 =	vmul.f32 v2, v18;
	v3 =	vor.u32 $0x200, v23;
	v4 =	vld.idx.msk [tilespmem:v4+s16+$0x0], $0xffff  }
0x5a: {  	p0 =	por $0x0, $0x0;
	s1 =	simm.s32 $0x1;
	[tilespmem:s7+$0x180] =	vst v1  }
0x5b: {  	s1 =	simm.s32 @!p0 $0x0;
	v1 =	vld.idx.msk [tilespmem:v6+s16+$0x0], $0xffff;
	[tilespmem:s8+$0x180] =	vst v2;
	v2 =	vmul.f32 v5, v22  }
0x5c: {  	s1 =	sshll.u32 s1, $0x6;
	v5 =	vor.u32 $0x280, v7;
	v0 =	vld.idx.msk [tilespmem:v0+s16+$0x0], $0xffff  }
0x5d: {  	[tilespmem:s0+$0x180] =	vst v2;
	s0 =	sadd.s32 $0x0, s1  }
0x5e: {  	v6 =	vor.u32 $0x280, v13;
	v3 =	vld.idx.msk [tilespmem:v3+s16+$0x0], $0xffff;
	s3 =	sadd.s32 $0x30, s0;
	v4 =	vmul.f32 v4, v14  }
0x5f: {  	v2 =	vor.u32 $0x280, v12;
	s4 =	sor.u32 $0x200, s3  }
0x60: {  	s2 =	sadd.s32 $0x10, s0;
	v1 =	vmul.f32 v1, v20;
	[tilespmem:s4+$0xB000] =	vst v4  }
0x61: {  	s1 =	sadd.s32 $0x20, s0;
	s5 =	sor.u32 $0x200, s2;
	v0 =	vmul.f32 v0, v18;
	v4 =	vor.u32 $0x280, v23;
	v5 =	vld.idx.msk [tilespmem:v5+s16+$0x0], $0xffff  }
0x62: {  	s10 =	sor.u32 $0x200, s1;
	[tilespmem:s5+$0xB000] =	vst v1  }
0x63: {  	v1 =	vld.idx.msk [tilespmem:v6+s16+$0x0], $0xffff;
	[tilespmem:s10+$0xB000] =	vst v0;
	v0 =	vmul.f32 v3, v22  }
0x64: {  	s11 =	sor.u32 $0x200, s0;
	v3 =	vor.u32 $0x300, v7;
	v2 =	vld.idx.msk [tilespmem:v2+s16+$0x0], $0xffff  }
0x65: {  	[tilespmem:s11+$0xB000] =	vst v0  }
0x66: {  	s12 =	simm.s32 $0x40;
	v6 =	vor.u32 $0x300, v13;
	v4 =	vld.idx.msk [tilespmem:v4+s16+$0x0], $0xffff;
	v5 =	vmul.f32 v5, v14  }
0x67: {  	s19 =	sand.u32 $0x40, s12;
	s13 =	sor.u32 $0x280, s3;
	v0 =	vor.u32 $0x300, v12  }
0x68: {  	s28 =	sor.u32 $0x30, s19;
	v8 =	vld [tilespmem:s12+$0x0];
	s4 =	sand.u32 $0x780, s12;
	v1 =	vmul.f32 v1, v20;
	[tilespmem:s13+$0xB000] =	vst v5  }
0x69: {  	s7 =	sor.u32 $0x280, s2;
	s18 =	sor.u32 s4, s28;
	v2 =	vmul.f32 v2, v18;
	v5 =	vor.u32 $0x300, v23;
	v3 =	vld.idx.msk [tilespmem:v3+s16+$0x0], $0xffff  }
0x6a: {  	s17 =	sor.u32 $0x280, s1;
	v9 =	vld [tilespmem:s18+$0x0];
	[tilespmem:s7+$0xB000] =	vst v1  }
0x6b: {  	s29 =	sor.u32 $0x10, s19;
	v1 =	vld.idx.msk [tilespmem:v6+s16+$0x0], $0xffff;
	[tilespmem:s17+$0xB000] =	vst v2;
	v2 =	vmul.f32 v4, v22  }
0x6c: {  	s20 =	sor.u32 $0x280, s0;
	s8 =	sor.u32 s4, s29;
	v6 =	vor.u32 $0x380, v7;
	v4 =	vld.idx.msk [tilespmem:v0+s16+$0x0], $0xffff  }
0x6d: {  	s31 =	sor.u32 $0x20, s19;
	v10 =	vld [tilespmem:s8+$0x0];
	[tilespmem:s20+$0xB000] =	vst v2  }
0x6e: {  	s4 =	sor.u32 s4, s31;
	v2 =	vld.idx.msk [tilespmem:v5+s16+$0x0], $0xffff;
	v3 =	vmul.f32 v3, v14  }
0x6f: {  	s21 =	simm.s32 $0x840;
	v16 =	vand.u32 $0x7F, v8;
	s10 =	sor.u32 $0x300, s3;
	v15 =	vld [tilespmem:s4+$0x0];
	v5 =	vor.u32 $0x380, v13  }
0x70: {  	v8 =	vshll.u32 v8, $0x3;
	v11 =	vor.u32 $0x380, v12;
	v19 =	vor.u32 $0x380, v23;
	v0 =	vld [tilespmem:s21+$0x0];
	[tilespmem:s10+$0xB000] =	vst v3  }
0x71: {  	v17 =	vmul.f32 v1, v20;
	v3 =	vmul.f32 v4, v18;
	v4 =	vshll.u32 v9, $0x3;
	v6 =	vld.idx.msk [tilespmem:v6+s16+$0x0], $0xffff  }
0x72: {  	s24 =	sor.u32 $0x300, s2;
	v21 =	vshll.u32 v10, $0x3;
	v1 =	vld [tilespmem:s8+$0x800];
	v9 =	vand.u32 $0x7F, v9;
	v4 =	vand.u32 $0xFFFFFC00, v4  }
0x73: {  	s25 =	sor.u32 $0x300, s1;
	v33 =	vand.u32 $0xFFFFFC00, v21;
	[tilespmem:s24+$0xB000] =	vst v17;
	v24 =	vmul.f32 v2, v22;
	v2 =	vld [tilespmem:s4+$0x800];
	v4 =	vor.u32 v9, v4  }
0x74: {  	s26 =	sor.u32 $0x300, s0;
	[tilespmem:s25+$0xB000] =	vst v3;
	v3 =	vshll.u32 v15, $0x3;
	v9 =	vld.idx.msk [tilespmem:v5+s16+$0x0], $0xffff;
	v5 =	vand.u32 $0x7F, v10;
	v10 =	vadd.s32 $0x2800, v7  }
0x75: {  	v3 =	vand.u32 $0xFFFFFC00, v3;
	v11 =	vld.idx.msk [tilespmem:v11+s16+$0x0], $0xffff;
	[tilespmem:s26+$0xB000] =	vst v24;
	v24 =	vor.u32 v5, v33;
	v5 =	vand.u32 $0x7F, v15  }
0x76: {  	v8 =	vand.u32 $0xFFFFFC00, v8;
	v34 =	vld.idx.msk [tilespmem:v19+s16+$0x0], $0xffff;
	v25 =	vor.u32 v5, v3;
	v6 =	vmul.f32 v6, v14  }
0x77: {  	s3 =	sor.u32 $0x380, s3;
	v5 =	vor.u32 v16, v8;
	v3 =	vld [tilespmem:s18+$0x800]  }
0x78: {  	v8 =	vadd.s32 $0x2800, v13;
	[tilespmem:s3+$0xB000] =	vst v6;
	v6 =	vld.idx.msk [tilespmem:v4+s16+$0x0], $0xffff  }
0x79: {  	v35 =	vadd.s32 $0x2800, v12;
	v10 =	vld.idx.msk [tilespmem:v10+s16+$0x0], $0xffff  }
0x7a: {  	v36 =	vadd.s32 $0x2800, v23;
	v9 =	vmul.f32 v9, v20;
	v37 =	vld.idx.msk [tilespmem:v24+s16+$0x0], $0xffff  }
0x7b: {  	s2 =	sor.u32 $0x380, s2;
	s5 =	simm.s32 $0x200;
	v26 =	vor.u32 $0x80, v4;
	v11 =	vmul.f32 v11, v18;
	v21 =	vld.idx.msk [tilespmem:v25+s16+$0x0], $0xffff  }
0x7c: {  	s1 =	sor.u32 $0x380, s1;
	s13 =	sand.u32 $0x3C00, s5;
	[tilespmem:s2+$0xB000] =	vst v9;
	v9 =	vadd.s32 $0x2880, v7;
	v27 =	vld.idx.msk [tilespmem:v5+s16+$0x0], $0xffff;
	v15 =	vmul.f32 v34, v22  }
0x7d: {  	s7 =	sor.u32 $0x380, s0;
	s8 =	sadd.s32 $0xB000, s13;
	v28 =	vor.u32 $0x80, v24;
	v8 =	vld.idx.msk [tilespmem:v8+s16+$0x0], $0xffff;
	[tilespmem:s1+$0xB000] =	vst v11;
	v6 =	vmul.f32 v6, v3  }
0x7e: {  	s0 =	sor.u32 s28, s8;
	s10 =	sadd.s32 $0xF000, s9;
	v11 =	vor.u32 $0x80, v25;
	v38 =	vld.idx.msk [tilespmem:v35+s16+$0x0], $0xffff;
	[tilespmem:s7+$0xB000] =	vst v15;
	v10 =	vmul.f32 v10, v14  }
0x7f: {  	s11 =	sor.u32 s6, s10;
	v39 =	vor.u32 $0x80, v5;
	v19 =	vmul.f32 v37, v1;
	[tilespmem:s0+$0x0] =	vst v6;
	v6 =	vld.idx.msk [tilespmem:v36+s16+$0x0], $0xffff  }
0x80: {  	v40 =	vadd.s32 $0x2880, v13;
	s1 =	sor.u32 s29, s8;
	v21 =	vmul.f32 v21, v2;
	v26 =	vld.idx.msk [tilespmem:v26+s16+$0x0], $0xffff;
	[tilespmem:s11+$0x0] =	vst v10  }
0x81: {  	s4 =	sor.u32 s31, s8;
	v27 =	vmul.f32 v27, v0;
	v10 =	vadd.s32 $0x2880, v12;
	[tilespmem:s1+$0x0] =	vst v19;
	v9 =	vld.idx.msk [tilespmem:v9+s16+$0x0], $0xffff  }
0x82: {  	v41 =	vadd.s32 $0x2880, v23;
	s2 =	sor.u32 s19, s8;
	v8 =	vmul.f32 v8, v20;
	v28 =	vld.idx.msk [tilespmem:v28+s16+$0x0], $0xffff;
	[tilespmem:s4+$0x0] =	vst v21  }
0x83: {  	s12 =	sor.u32 s23, s10;
	v15 =	vmul.f32 v38, v18;
	[tilespmem:s2+$0x0] =	vst v27;
	v21 =	vor.u32 $0x100, v4;
	v11 =	vld.idx.msk [tilespmem:v11+s16+$0x0], $0xffff  }
0x84: {  	s17 =	sor.u32 s14, s10;
	[tilespmem:s12+$0x0] =	vst v8;
	v8 =	vadd.s32 $0x2900, v7;
	v16 =	vld.idx.msk [tilespmem:v39+s16+$0x0], $0xffff;
	v6 =	vmul.f32 v6, v22  }
0x85: {  	s18 =	sor.u32 s22, s10;
	v27 =	vor.u32 $0x100, v24;
	v17 =	vld.idx.msk [tilespmem:v40+s16+$0x0], $0xffff;
	[tilespmem:s17+$0x0] =	vst v15;
	v26 =	vmul.f32 v26, v3  }
0x86: {  	s20 =	sadd.s32 $0xF080, s9;
	v42 =	vor.u32 $0x100, v25;
	[tilespmem:s18+$0x0] =	vst v6;
	v6 =	vld.idx.msk [tilespmem:v10+s16+$0x0], $0xffff;
	v9 =	vmul.f32 v9, v14  }
0x87: {  	s21 =	sor.u32 s6, s20;
	v10 =	vor.u32 $0x100, v5;
	v28 =	vmul.f32 v28, v1;
	[tilespmem:s0+$0x80] =	vst v26;
	v19 =	vld.idx.msk [tilespmem:v41+s16+$0x0], $0xffff  }
0x88: {  	v26 =	vadd.s32 $0x2900, v13;
	v11 =	vmul.f32 v11, v2;
	v21 =	vld.idx.msk [tilespmem:v21+s16+$0x0], $0xffff;
	[tilespmem:s21+$0x0] =	vst v9  }
0x89: {  	v16 =	vmul.f32 v16, v0;
	v9 =	vadd.s32 $0x2900, v12;
	[tilespmem:s1+$0x80] =	vst v28;
	v8 =	vld.idx.msk [tilespmem:v8+s16+$0x0], $0xffff  }
0x8a: {  	v17 =	vmul.f32 v17, v20;
	v27 =	vld.idx.msk [tilespmem:v27+s16+$0x0], $0xffff;
	[tilespmem:s4+$0x80] =	vst v11;
	v11 =	vadd.s32 $0x2900, v23  }
0x8b: {  	s24 =	sor.u32 s23, s20;
	v43 =	vor.u32 $0x180, v4;
	[tilespmem:s2+$0x80] =	vst v16;
	v15 =	vld.idx.msk [tilespmem:v42+s16+$0x0], $0xffff;
	v6 =	vmul.f32 v6, v18  }
0x8c: {  	v44 =	vadd.s32 $0x2980, v7;
	s25 =	sor.u32 s14, s20;
	[tilespmem:s24+$0x0] =	vst v17;
	v10 =	vld.idx.msk [tilespmem:v10+s16+$0x0], $0xffff;
	v19 =	vmul.f32 v19, v22  }
0x8d: {  	s5 =	sor.u32 s22, s20;
	v28 =	vor.u32 $0x180, v24;
	v26 =	vld.idx.msk [tilespmem:v26+s16+$0x0], $0xffff;
	v21 =	vmul.f32 v21, v3;
	[tilespmem:s25+$0x0] =	vst v6  }
0x8e: {  	s26 =	sadd.s32 $0xF100, s9;
	v6 =	vor.u32 $0x180, v25;
	[tilespmem:s5+$0x0] =	vst v19;
	v9 =	vld.idx.msk [tilespmem:v9+s16+$0x0], $0xffff;
	v8 =	vmul.f32 v8, v14  }
0x8f: {  	v45 =	vor.u32 $0x180, v5;
	s3 =	sor.u32 s6, s26;
	v27 =	vmul.f32 v27, v1;
	[tilespmem:s0+$0x100] =	vst v21;
	v11 =	vld.idx.msk [tilespmem:v11+s16+$0x0], $0xffff  }
0x90: {  	v21 =	vadd.s32 $0x2980, v13;
	v15 =	vmul.f32 v15, v2;
	v16 =	vld.idx.msk [tilespmem:v43+s16+$0x0], $0xffff;
	[tilespmem:s3+$0x0] =	vst v8  }
0x91: {  	v8 =	vadd.s32 $0x2980, v12;
	v10 =	vmul.f32 v10, v0;
	[tilespmem:s1+$0x100] =	vst v27;
	v17 =	vld.idx.msk [tilespmem:v44+s16+$0x0], $0xffff  }
0x92: {  	v46 =	vadd.s32 $0x2980, v23;
	v27 =	vld.idx.msk [tilespmem:v28+s16+$0x0], $0xffff;
	[tilespmem:s4+$0x100] =	vst v15;
	v26 =	vmul.f32 v26, v20  }
0x93: {  	s8 =	sor.u32 s23, s26;
	[tilespmem:s2+$0x100] =	vst v10;
	v6 =	vld.idx.msk [tilespmem:v6+s16+$0x0], $0xffff;
	v10 =	vor.u32 $0x200, v4;
	v9 =	vmul.f32 v9, v18  }
0x94: {  	s10 =	sor.u32 s14, s26;
	v19 =	vld.idx.msk [tilespmem:v45+s16+$0x0], $0xffff;
	[tilespmem:s8+$0x0] =	vst v26;
	v26 =	vadd.s32 $0x2A00, v7;
	v11 =	vmul.f32 v11, v22  }
0x95: {  	s5 =	sor.u32 s22, s26;
	v28 =	vor.u32 $0x200, v24;
	v21 =	vld.idx.msk [tilespmem:v21+s16+$0x0], $0xffff;
	v16 =	vmul.f32 v16, v3;
	[tilespmem:s10+$0x0] =	vst v9  }
0x96: {  	s11 =	sadd.s32 $0xF180, s9;
	v9 =	vor.u32 $0x200, v25;
	[tilespmem:s5+$0x0] =	vst v11;
	v8 =	vld.idx.msk [tilespmem:v8+s16+$0x0], $0xffff;
	v11 =	vmul.f32 v17, v14  }
0x97: {  	s12 =	sor.u32 s6, s11;
	v27 =	vmul.f32 v27, v1;
	[tilespmem:s0+$0x180] =	vst v16;
	v15 =	vld.idx.msk [tilespmem:v46+s16+$0x0], $0xffff  }
0x98: {  	v47 =	vor.u32 $0x200, v5;
	v6 =	vmul.f32 v6, v2;
	v10 =	vld.idx.msk [tilespmem:v10+s16+$0x0], $0xffff;
	[tilespmem:s12+$0x0] =	vst v11  }
0x99: {  	v11 =	vadd.s32 $0x2A00, v13;
	[tilespmem:s1+$0x180] =	vst v27;
	v49 =	vld.idx.msk [tilespmem:v26+s16+$0x0], $0xffff  }
0x9a: {  	p0 =	por !p0, !p0;
	s0 =	simm.s32 $0x1;
	v48 =	vmul.f32 v19, v0;
	v26 =	vadd.s32 $0x2A00, v12;
	v27 =	vld.idx.msk [tilespmem:v28+s16+$0x0], $0xffff;
	[tilespmem:s4+$0x180] =	vst v6  }
0x9b: {  	s8 =	simm.s32 $0x80;
	s0 =	simm.s32 @!p0 $0x0;
	v50 =	vmul.f32 v21, v20;
	v6 =	vld.idx.msk [tilespmem:v9+s16+$0x0], $0xffff;
	v9 =	vadd.s32 $0x2A00, v23  }
0x9c: {  	s17 =	sor.u32 s23, s11;
	s0 =	sshll.u32 s0, $0x6;
	v21 =	vor.u32 $0x280, v4;
	v28 =	vld [tilespmem:s8+$0x0];
	[tilespmem:s2+$0x180] =	vst v48;
	v8 =	vmul.f32 v8, v18  }
0x9d: {  	v51 =	vadd.s32 $0x2A80, v7;
	s18 =	sor.u32 s14, s11;
	s10 =	sadd.s32 $0x200, s0;
	v17 =	vld.idx.msk [tilespmem:v47+s16+$0x0], $0xffff;
	[tilespmem:s17+$0x0] =	vst v50;
	v15 =	vmul.f32 v15, v22  }
0x9e: {  	v29 =	vor.u32 $0x280, v24;
	s20 =	sor.u32 s22, s11;
	s5 =	sadd.s32 $0x30, s10;
	v10 =	vmul.f32 v10, v3;
	v11 =	vld.idx.msk [tilespmem:v11+s16+$0x0], $0xffff;
	[tilespmem:s18+$0x0] =	vst v8  }
0x9f: {  	s24 =	sadd.s32 $0xF200, s9;
	s21 =	sor.u32 $0x200, s5;
	v8 =	vor.u32 $0x280, v25;
	[tilespmem:s20+$0x0] =	vst v15;
	v52 =	vld.idx.msk [tilespmem:v26+s16+$0x0], $0xffff;
	v19 =	vmul.f32 v49, v14  }
0xa0: {  	s25 =	sor.u32 s6, s24;
	s7 =	sadd.s32 $0x10, s10;
	v26 =	vor.u32 $0x280, v5;
	v27 =	vmul.f32 v27, v1;
	[tilespmem:s21+$0xB000] =	vst v10;
	v9 =	vld.idx.msk [tilespmem:v9+s16+$0x0], $0xffff  }
0xa1: {  	s11 =	sadd.s32 $0x20, s10;
	s26 =	sor.u32 $0x200, s7;
	v6 =	vmul.f32 v6, v2;
	v10 =	vld.idx.msk [tilespmem:v21+s16+$0x0], $0xffff;
	[tilespmem:s25+$0x0] =	vst v19  }
0xa2: {  	v53 =	vadd.s32 $0x2A80, v13;
	s3 =	sor.u32 $0x200, s11;
	v17 =	vmul.f32 v17, v0;
	[tilespmem:s26+$0xB000] =	vst v27;
	v16 =	vld.idx.msk [tilespmem:v51+s16+$0x0], $0xffff  }
0xa3: {  	s4 =	sor.u32 $0x200, s10;
	v21 =	vadd.s32 $0x2A80, v12;
	v27 =	vld.idx.msk [tilespmem:v29+s16+$0x0], $0xffff;
	[tilespmem:s3+$0xB000] =	vst v6  }
0xa4: {  	[tilespmem:s4+$0xB000] =	vst v17;
	v54 =	vld.idx.msk [tilespmem:v8+s16+$0x0], $0xffff;
	v8 =	vadd.s32 $0x2A80, v23;
	v11 =	vmul.f32 v11, v20  }
0xa5: {  	s12 =	sor.u32 s23, s24;
	v29 =	vor.u32 $0x300, v4;
	s4 =	simm.s32 $0x880;
	v26 =	vld.idx.msk [tilespmem:v26+s16+$0x0], $0xffff;
	v15 =	vmul.f32 v52, v18  }
0xa6: {  	s17 =	sor.u32 s14, s24;
	v6 =	vld [tilespmem:s4+$0x0];
	v9 =	vmul.f32 v9, v22;
	[tilespmem:s12+$0x0] =	vst v11;
	v11 =	vadd.s32 $0x2B00, v7  }
0xa7: {  	v30 =	vor.u32 $0x300, v24;
	v31 =	vor.u32 $0x300, v25;
	s0 =	sor.u32 s22, s24;
	v10 =	vmul.f32 v10, v3;
	v19 =	vld.idx.msk [tilespmem:v53+s16+$0x0], $0xffff;
	[tilespmem:s17+$0x0] =	vst v15  }
0xa8: {  	s18 =	sor.u32 $0x280, s5;
	v55 =	vand.u32 $0x7F, v28;
	v28 =	vshll.u32 v28, $0x3;
	[tilespmem:s0+$0x0] =	vst v9;
	s0 =	sadd.s32 $0xF280, s9;
	v21 =	vld.idx.msk [tilespmem:v21+s16+$0x0], $0xffff;
	v9 =	vmul.f32 v16, v14  }
0xa9: {  	v56 =	vand.u32 $0xFFFFFC00, v28;
	v28 =	vor.u32 $0x300, v5;
	v27 =	vmul.f32 v27, v1;
	[tilespmem:s18+$0xB000] =	vst v10;
	v32 =	vld.idx.msk [tilespmem:v8+s16+$0x0], $0xffff;
	s20 =	sor.u32 s6, s0  }
0xaa: {  	s21 =	sor.u32 $0x280, s7;
	v10 =	vmul.f32 v54, v2;
	v57 =	vld.idx.msk [tilespmem:v29+s16+$0x0], $0xffff;
	[tilespmem:s20+$0x0] =	vst v9  }
0xab: {  	s24 =	sor.u32 $0x280, s11;
	v9 =	vmul.f32 v26, v0;
	[tilespmem:s21+$0xB000] =	vst v27;
	v11 =	vld.idx.msk [tilespmem:v11+s16+$0x0], $0xffff  }
0xac: {  	s25 =	sor.u32 $0x280, s10;
	s20 =	sand.u32 $0x40, s8;
	v58 =	vld.idx.msk [tilespmem:v30+s16+$0x0], $0xffff;
	[tilespmem:s24+$0xB000] =	vst v10  }
0xad: {  	s26 =	sand.u32 $0x780, s8;
	s30 =	sor.u32 $0x10, s20;
	[tilespmem:s25+$0xB000] =	vst v9;
	v10 =	vld.idx.msk [tilespmem:v31+s16+$0x0], $0xffff  }
0xae: {  	v8 =	vor.u32 v55, v56;
	s25 =	sor.u32 $0x30, s20;
	s12 =	sor.u32 s26, s30;
	v59 =	vld.idx.msk [tilespmem:v28+s16+$0x0], $0xffff  }
0xaf: {  	s17 =	sor.u32 $0x20, s20;
	s2 =	sor.u32 s26, s25;
	v30 =	vld [tilespmem:s12+$0x0]  }
0xb0: {  	v26 =	vor.u32 $0x380, v4;
	s18 =	sor.u32 s26, s17;
	v28 =	vld [tilespmem:s2+$0x0]  }
0xb1: {  	v29 =	vadd.s32 $0x2B80, v7;
	v33 =	vld [tilespmem:s18+$0x0]  }
0xb2: {  	v60 =	vor.u32 $0x380, v25;
	v7 =	vld [tilespmem:s12+$0x800];
	v9 =	vmul.f32 v57, v3  }
0xb3: {  	s1 =	sadd.s32 $0xF300, s9;
	s3 =	sor.u32 $0x300, s5;
	v31 =	vor.u32 $0x380, v24;
	v27 =	vld.idx.msk [tilespmem:v8+s16+$0x0], $0xffff;
	v11 =	vmul.f32 v11, v14  }
0xb4: {  	v34 =	vadd.s32 $0x2B00, v13;
	v35 =	vor.u32 $0x380, v5;
	[tilespmem:s3+$0xB000] =	vst v9;
	v9 =	vld [tilespmem:s18+$0x800];
	s18 =	sor.u32 s6, s1;
	v10 =	vmul.f32 v10, v2  }
0xb5: {  	s24 =	sor.u32 $0x300, s11;
	v16 =	vmul.f32 v58, v1;
	[tilespmem:s18+$0x0] =	vst v11;
	v26 =	vld.idx.msk [tilespmem:v26+s16+$0x0], $0xffff;
	v17 =	vmul.f32 v59, v0;
	v11 =	vshll.u32 v28, $0x3  }
0xb6: {  	s21 =	sor.u32 $0x300, s7;
	v63 =	vshll.u32 v33, $0x3;
	v61 =	vld.idx.msk [tilespmem:v29+s16+$0x0], $0xffff;
	v28 =	vand.u32 $0x7F, v28;
	[tilespmem:s24+$0xB000] =	vst v10;
	v11 =	vand.u32 $0xFFFFFC00, v11  }
0xb7: {  	s26 =	sor.u32 $0x300, s10;
	[tilespmem:s21+$0xB000] =	vst v16;
	v29 =	vshll.u32 v30, $0x3;
	v10 =	vmul.f32 v19, v20;
	v15 =	vld.idx.msk [tilespmem:v60+s16+$0x0], $0xffff;
	v11 =	vor.u32 v28, v11  }
0xb8: {  	s3 =	sor.u32 s23, s0;
	v62 =	vand.u32 $0xFFFFFC00, v29;
	[tilespmem:s26+$0xB000] =	vst v17;
	v29 =	vand.u32 $0x7F, v30;
	v30 =	vadd.s32 $0x2800, v4;
	v28 =	vld.idx.msk [tilespmem:v31+s16+$0x0], $0xffff  }
0xb9: {  	v33 =	vand.u32 $0x7F, v33;
	[tilespmem:s3+$0x0] =	vst v10;
	v10 =	vand.u32 $0xFFFFFC00, v63;
	v45 =	vor.u32 v29, v62;
	v36 =	vld.idx.msk [tilespmem:v35+s16+$0x0], $0xffff  }
0xba: {  	v43 =	vor.u32 v33, v10;
	v37 =	vld.idx.msk [tilespmem:v34+s16+$0x0], $0xffff;
	v26 =	vmul.f32 v26, v3  }
0xbb: {  	s5 =	sor.u32 $0x380, s5;
	v21 =	vmul.f32 v21, v18;
	v29 =	vadd.s32 $0x2B00, v12;
	v10 =	vld [tilespmem:s2+$0x800]  }
0xbc: {  	v40 =	vadd.s32 $0x2800, v25;
	[tilespmem:s5+$0xB000] =	vst v26;
	s5 =	sor.u32 s14, s0;
	v26 =	vmul.f32 v32, v22;
	v38 =	vld.idx.msk [tilespmem:v11+s16+$0x0], $0xffff  }
0xbd: {  	v31 =	vadd.s32 $0x2B00, v23;
	s0 =	sor.u32 s22, s0;
	v44 =	vmul.f32 v15, v2;
	v30 =	vld.idx.msk [tilespmem:v30+s16+$0x0], $0xffff;
	[tilespmem:s5+$0x0] =	vst v21  }
0xbe: {  	v39 =	vadd.s32 $0x2800, v24;
	s21 =	sor.u32 $0x380, s11;
	v14 =	vmul.f32 v61, v14;
	s5 =	sadd.s32 $0xF380, s9;
	v41 =	vld.idx.msk [tilespmem:v45+s16+$0x0], $0xffff;
	[tilespmem:s0+$0x0] =	vst v26  }
0xbf: {  	v13 =	vadd.s32 $0x2B80, v13;
	v19 =	vmul.f32 v36, v0;
	s12 =	sor.u32 s6, s5;
	v42 =	vld.idx.msk [tilespmem:v43+s16+$0x0], $0xffff;
	[tilespmem:s21+$0xB000] =	vst v44  }
0xc0: {  	s24 =	sor.u32 $0x380, s10;
	v21 =	vadd.s32 $0x2800, v5;
	v26 =	vmul.f32 v28, v1;
	s6 =	simm.s32 $0x400;
	v28 =	vld.idx.msk [tilespmem:v29+s16+$0x0], $0xffff;
	[tilespmem:s12+$0x0] =	vst v14  }
0xc1: {  	s18 =	sor.u32 $0x380, s7;
	v46 =	vor.u32 $0x80, v11;
	v17 =	vmul.f32 v37, v20;
	s3 =	sand.u32 $0x3C00, s6;
	[tilespmem:s24+$0xB000] =	vst v19;
	v48 =	vld.idx.msk [tilespmem:v40+s16+$0x0], $0xffff  }
0xc2: {  	v27 =	vmul.f32 v27, v6;
	v29 =	vadd.s32 $0x2880, v4;
	s21 =	sor.u32 s23, s1;
	[tilespmem:s18+$0xB000] =	vst v26;
	v26 =	vld.idx.msk [tilespmem:v31+s16+$0x0], $0xffff;
	s26 =	sadd.s32 $0xB000, s3  }
0xc3: {  	v49 =	vor.u32 $0x80, v8;
	[tilespmem:s21+$0x0] =	vst v17;
	v34 =	vld.idx.msk [tilespmem:v39+s16+$0x0], $0xffff;
	s10 =	sor.u32 s20, s26;
	v33 =	vmul.f32 v38, v10  }
0xc4: {  	s0 =	sadd.s32 $0xF000, s13;
	v31 =	vor.u32 $0x80, v45;
	s11 =	sor.u32 s25, s26;
	v36 =	vld.idx.msk [tilespmem:v13+s16+$0x0], $0xffff;
	v30 =	vmul.f32 v30, v3;
	[tilespmem:s10+$0x0] =	vst v27  }
0xc5: {  	v47 =	vor.u32 $0x80, v43;
	s18 =	sor.u32 s28, s0;
	v16 =	vmul.f32 v41, v7;
	v21 =	vld.idx.msk [tilespmem:v21+s16+$0x0], $0xffff;
	[tilespmem:s11+$0x0] =	vst v33  }
0xc6: {  	s12 =	sor.u32 s30, s26;
	v50 =	vmul.f32 v42, v9;
	[tilespmem:s18+$0x0] =	vst v30;
	v30 =	vadd.s32 $0x2880, v24;
	v15 =	vld.idx.msk [tilespmem:v46+s16+$0x0], $0xffff  }
0xc7: {  	s7 =	sor.u32 s17, s26;
	[tilespmem:s12+$0x0] =	vst v16;
	v19 =	vmul.f32 v48, v2;
	v51 =	vld.idx.msk [tilespmem:v29+s16+$0x0], $0xffff  }
0xc8: {  	s26 =	sor.u32 s31, s0;
	v32 =	vld.idx.msk [tilespmem:v49+s16+$0x0], $0xffff;
	v29 =	vadd.s32 $0x2880, v25;
	[tilespmem:s7+$0x0] =	vst v50;
	v27 =	vmul.f32 v34, v1  }
0xc9: {  	v52 =	vadd.s32 $0x2880, v5;
	s24 =	sor.u32 s29, s0;
	v31 =	vld.idx.msk [tilespmem:v31+s16+$0x0], $0xffff;
	[tilespmem:s26+$0x0] =	vst v19  }
0xca: {  	v56 =	vadd.s32 $0x2A00, v24;
	v54 =	vor.u32 $0x100, v11;
	v14 =	vld.idx.msk [tilespmem:v47+s16+$0x0], $0xffff;
	v21 =	vmul.f32 v21, v0;
	[tilespmem:s24+$0x0] =	vst v27  }
0xcb: {  	s0 =	sor.u32 s19, s0;
	v30 =	vld.idx.msk [tilespmem:v30+s16+$0x0], $0xffff;
	[tilespmem:$0x1FF80] =	vst v56;
	v15 =	vmul.f32 v15, v10  }
0xcc: {  	v27 =	vadd.s32 $0x2900, v4;
	[tilespmem:s0+$0x0] =	vst v21;
	s0 =	sadd.s32 $0xF080, s13;
	v39 =	vmul.f32 v51, v3  }
0xcd: {  	v53 =	vadd.s32 $0x2900, v24;
	v29 =	vld.idx.msk [tilespmem:v29+s16+$0x0], $0xffff;
	s18 =	sor.u32 s28, s0;
	[tilespmem:s11+$0x80] =	vst v15  }
0xce: {  	v57 =	vadd.s32 $0x2A80, v25;
	v55 =	vor.u32 $0x100, v45;
	v31 =	vmul.f32 v31, v7;
	v41 =	vld.idx.msk [tilespmem:v52+s16+$0x0], $0xffff;
	[tilespmem:s18+$0x0] =	vst v39  }
0xcf: {  	v58 =	vadd.s32 $0x2B00, v25;
	v60 =	vadd.s32 $0x2A80, v24;
	v38 =	vor.u32 $0x100, v43;
	v46 =	vld.idx.msk [tilespmem:v54+s16+$0x0], $0xffff;
	[tilespmem:$0x1FF90] =	vst v57  }
0xd0: {  	v35 =	vadd.s32 $0x2980, v24;
	v40 =	vor.u32 $0x100, v8;
	v44 =	vmul.f32 v14, v9;
	[tilespmem:s12+$0x80] =	vst v31  }
0xd1: {  	v62 =	vadd.s32 $0x2B00, v24;
	v33 =	vadd.s32 $0x2B80, v12;
	v32 =	vmul.f32 v32, v6;
	v27 =	vld.idx.msk [tilespmem:v27+s16+$0x0], $0xffff;
	[tilespmem:$0x1FFA0] =	vst v58  }
0xd2: {  	v63 =	vadd.s32 $0x2B80, v24;
	v61 =	vadd.s32 $0x2B80, v25;
	v24 =	vmul.f32 v28, v18;
	[tilespmem:s7+$0x80] =	vst v44  }
0xd3: {  	v37 =	vadd.s32 $0x2900, v25;
	s21 =	sor.u32 s14, s1;
	v42 =	vadd.s32 $0x2980, v25;
	v30 =	vmul.f32 v30, v1;
	v28 =	vld.idx.msk [tilespmem:v55+s16+$0x0], $0xffff;
	[tilespmem:s10+$0x80] =	vst v32  }
0xd4: {  	v21 =	vadd.s32 $0x2A00, v25;
	s24 =	sor.u32 s29, s0;
	v31 =	vadd.s32 $0x2900, v5;
	v29 =	vmul.f32 v29, v2;
	[tilespmem:s21+$0x0] =	vst v24;
	v25 =	vld.idx.msk [tilespmem:v38+s16+$0x0], $0xffff  }
0xd5: {  	s26 =	sor.u32 s31, s0;
	v15 =	vor.u32 $0x180, v11;
	[tilespmem:s24+$0x0] =	vst v30;
	v30 =	vmul.f32 v41, v0;
	v24 =	vld.idx.msk [tilespmem:v40+s16+$0x0], $0xffff  }
0xd6: {  	v16 =	vadd.s32 $0x2980, v4;
	s0 =	sor.u32 s19, s0;
	v44 =	vld.idx.msk [tilespmem:v33+s16+$0x0], $0xffff;
	[tilespmem:s26+$0x0] =	vst v29;
	v17 =	vmul.f32 v46, v10  }
0xd7: {  	s18 =	sadd.s32 $0xF100, s13;
	v19 =	vld.idx.msk [tilespmem:v53+s16+$0x0], $0xffff;
	[tilespmem:s0+$0x0] =	vst v30;
	v27 =	vmul.f32 v27, v3  }
0xd8: {  	s21 =	sor.u32 s28, s18;
	v29 =	vld.idx.msk [tilespmem:v37+s16+$0x0], $0xffff;
	[tilespmem:s11+$0x100] =	vst v17;
	v28 =	vmul.f32 v28, v7  }
0xd9: {  	v59 =	vor.u32 $0x180, v45;
	v49 =	vld.idx.msk [tilespmem:v31+s16+$0x0], $0xffff;
	[tilespmem:s21+$0x0] =	vst v27  }
0xda: {  	v47 =	vor.u32 $0x180, v43;
	v56 =	vadd.s32 $0x2800, v45;
	v50 =	vld.idx.msk [tilespmem:v15+s16+$0x0], $0xffff;
	[tilespmem:s12+$0x100] =	vst v28  }
0xdb: {  	v57 =	vadd.s32 $0x2880, v45;
	v25 =	vmul.f32 v25, v9;
	v52 =	vld.idx.msk [tilespmem:v16+s16+$0x0], $0xffff;
	[tilespmem:$0x1FFB0] =	vst v56  }
0xdc: {  	v30 =	vor.u32 $0x180, v8;
	v24 =	vmul.f32 v24, v6;
	[tilespmem:$0x1FFC0] =	vst v57  }
0xdd: {  	[tilespmem:s7+$0x100] =	vst v25  }
0xde: {  	v26 =	vmul.f32 v26, v22;
	v58 =	vadd.s32 $0x2900, v45;
	v53 =	vld.idx.msk [tilespmem:v59+s16+$0x0], $0xffff;
	[tilespmem:s10+$0x100] =	vst v24  }
0xdf: {  	v23 =	vadd.s32 $0x2B80, v23;
	s1 =	sor.u32 s22, s1;
	v47 =	vld.idx.msk [tilespmem:v47+s16+$0x0], $0xffff;
	[tilespmem:$0x1FFD0] =	vst v58  }
0xe0: {  	v24 =	vmul.f32 v19, v1;
	v59 =	vadd.s32 $0x2880, v43;
	[tilespmem:s1+$0x0] =	vst v26  }
0xe1: {  	s24 =	sor.u32 s29, s18;
	v25 =	vmul.f32 v29, v2;
	v55 =	vld.idx.msk [tilespmem:v30+s16+$0x0], $0xffff;
	[tilespmem:$0x1FFE0] =	vst v59  }
0xe2: {  	v54 =	vadd.s32 $0x2980, v5;
	s26 =	sor.u32 s31, s18;
	v14 =	vmul.f32 v49, v0;
	[tilespmem:s24+$0x0] =	vst v24  }
0xe3: {  	s2 =	sadd.s32 $0xF180, s13;
	v48 =	vor.u32 $0x200, v45;
	s0 =	sor.u32 s19, s18;
	v15 =	vmul.f32 v52, v3;
	[tilespmem:s26+$0x0] =	vst v25  }
0xe4: {  	v34 =	vor.u32 $0x380, v43;
	v51 =	vor.u32 $0x200, v43;
	s21 =	sor.u32 s28, s2;
	v57 =	vld.idx.msk [tilespmem:v23+s16+$0x0], $0xffff;
	v23 =	vmul.f32 v50, v10;
	[tilespmem:s0+$0x0] =	vst v14  }
0xe5: {  	v39 =	vadd.s32 $0x2A00, v45;
	v41 =	vor.u32 $0x280, v45;
	v56 =	vadd.s32 $0x2A00, v4;
	[tilespmem:s21+$0x0] =	vst v15;
	v58 =	vld.idx.msk [tilespmem:v35+s16+$0x0], $0xffff  }
0xe6: {  	v32 =	vadd.s32 $0x2800, v43;
	v40 =	vor.u32 $0x280, v43;
	v26 =	vor.u32 $0x200, v11;
	v59 =	vld.idx.msk [tilespmem:v42+s16+$0x0], $0xffff;
	[tilespmem:s11+$0x180] =	vst v23  }
0xe7: {  	v33 =	vor.u32 $0x380, v45;
	v38 =	vor.u32 $0x300, v43;
	s24 =	sshll.u32 s15, $0x5;
	v46 =	vld.idx.msk [tilespmem:v54+s16+$0x0], $0xffff;
	v23 =	vmul.f32 v53, v7;
	[dreg:$0x15] =	wrdreg s15  }
0xe8: {  	v37 =	vor.u32 $0x300, v45;
	v17 =	vmul.f32 v36, v20;
	v20 =	vmul.f32 v47, v9;
	[dreg:$0x16] =	wrdreg s24  }
0xe9: {  	v36 =	vadd.s32 $0x2A80, v43;
	v16 =	vor.u32 $0x200, v8;
	v44 =	vmul.f32 v44, v18;
	[tilespmem:s12+$0x180] =	vst v23  }
0xea: {  	p0 =	por !p0, !p0;
	v28 =	vadd.s32 $0x2980, v43;
	v29 =	vadd.s32 $0x2900, v43;
	v47 =	vld.idx.msk [tilespmem:v56+s16+$0x0], $0xffff;
	[tilespmem:s7+$0x180] =	vst v20;
	v56 =	vadd.s32 $0x2B80, v45  }
0xeb: {  	s9 =	smov.u32 s19;
	s22 =	sor.u32 s22, s5;
	s14 =	sor.u32 s14, s5;
	v30 =	vadd.s32 $0x2980, v45;
	v25 =	vadd.s32 $0x2B80, v43;
	v19 =	vmul.f32 v55, v6;
	v49 =	vld.idx.msk [tilespmem:v26+s16+$0x0], $0xffff;
	[tilespmem:$0x1FFF0] =	vst v56  }
0xec: {  	s18 =	sor.u32 s29, s2;
	s1 =	sor.u32 s19, s2;
	v35 =	vadd.s32 $0x2A80, v45;
	v42 =	vadd.s32 $0x2A00, v43;
	v53 =	vor.u32 $0x280, v11;
	s7 =	simm.s32 $0x1;
	v50 =	vld.idx.msk [tilespmem:v48+s16+$0x0], $0xffff  }
0xed: {  	s19 =	simm.s32 $0xC0;
	s26 =	sor.u32 s23, s5;
	v26 =	vadd.s32 $0x2B00, v45;
	v23 =	vadd.s32 $0x2B00, v43;
	v43 =	vmul.f32 v57, v22;
	s7 =	simm.s32 @!p0 $0x0;
	[tilespmem:s10+$0x180] =	vst v19;
	v51 =	vld.idx.msk [tilespmem:v51+s16+$0x0], $0xffff  }
0xee: {  	s5 =	sor.u32 s31, s2;
	s24 =	simm.s32 $0x8;
	v22 =	vadd.s32 $0x2A00, v5;
	v48 =	vmul.f32 v58, v1;
	s0 =	sshll.u32 s7, $0x6;
	[tilespmem:s26+$0x0] =	vst v17;
	v45 =	vmul.f32 v59, v2;
	v52 =	vld.idx.msk [tilespmem:v16+s16+$0x0], $0xffff  }
.LBB2_3:
0xef: {  	[tilespmem:$0x1FF60] =	vst v28;
	s10 =	sadd.s32 s0, s6  }
0xf0: {  	v12 =	vld [tilespmem:$0x1FF80];
	[tilespmem:s18+$0x0] =	vst v48;
	s11 =	sadd.s32 $0x30, s10;
	v49 =	vmul.f32 v49, v10  }
0xf1: {  	v54 =	vld [tilespmem:s19+$0x0];
	v58 =	vadd.s32 $0x2A80, v4;
	[tilespmem:s5+$0x0] =	vst v45;
	s15 =	sor.u32 $0x200, s11  }
0xf2: {  	v13 =	vmov v39;
	v17 =	vor.u32 $0x280, v8;
	v46 =	vmul.f32 v46, v0;
	v39 =	vld.idx.msk [tilespmem:v21+s16+$0x0], $0xffff;
	[tilespmem:s15+$0xB000] =	vst v49  }
0xf3: {  	[dreg:$0xb] =	wrdreg s25;
	s25 =	sadd.s32 $0xF200, s13;
	[tilespmem:$0x1FF80] =	vst v13;
	v59 =	vmul.f32 v47, v3;
	v49 =	vld.idx.msk [tilespmem:v53+s16+$0x0], $0xffff  }
0xf4: {  	s7 =	sor.u32 s28, s25;
	v56 =	vmul.f32 v52, v6;
	[tilespmem:s1+$0x0] =	vst v46;
	v53 =	vld [tilespmem:$0x1FF90]  }
0xf5: {  	s26 =	sor.u32 $0x200, s10;
	v19 =	vld.idx.msk [tilespmem:v22+s16+$0x0], $0xffff;
	[tilespmem:s7+$0x0] =	vst v59  }
0xf6: {  	v16 =	vmov v42;
	s18 =	sadd.s32 $0x10, s10;
	v18 =	vmul.f32 v50, v7;
	[tilespmem:s26+$0xB000] =	vst v56;
	v57 =	vld.idx.msk [tilespmem:v58+s16+$0x0], $0xffff  }
0xf7: {  	s23 =	sadd.s32 $0x20, s10;
	[tilespmem:$0x1FF70] =	vst v16;
	s12 =	sor.u32 $0x200, s18;
	v22 =	vmul.f32 v51, v9;
	v42 =	vld.idx.msk [tilespmem:v17+s16+$0x0], $0xffff  }
0xf8: {  	[dreg:$0x9] =	wrdreg s17;
	v45 =	vadd.s32 $0x2A80, v5;
	s17 =	sor.u32 $0x200, s23;
	v55 =	vld.idx.msk [tilespmem:v12+s16+$0x0], $0xffff;
	[tilespmem:s12+$0xB000] =	vst v18  }
0xf9: {  	s4 =	sadd.s32 $0x40, s4;
	v59 =	vor.u32 $0x300, v11;
	[tilespmem:s17+$0xB000] =	vst v22;
	v41 =	vld.idx.msk [tilespmem:v41+s16+$0x0], $0xffff;
	v39 =	vmul.f32 v39, v2  }
0xfa: {  	s15 =	sor.u32 s9, s25;
	s17 =	sor.u32 s29, s25;
	s25 =	sor.u32 s31, s25;
	v40 =	vld.idx.msk [tilespmem:v40+s16+$0x0], $0xffff;
	[tilespmem:s14+$0x0] =	vst v44;
	v15 =	vmul.f32 v19, v0  }
0xfb: {  	v47 =	vadd.s32 $0x2B00, v4;
	v22 =	vld [tilespmem:s4+$0x0];
	v16 =	vmul.f32 v49, v10;
	[tilespmem:s25+$0x0] =	vst v39  }
0xfc: {  	s26 =	sadd.s32 $0xF280, s13;
	v18 =	vand.u32 $0x7F, v54;
	v19 =	vshll.u32 v54, $0x3;
	s25 =	sor.u32 $0x280, s11;
	v46 =	vmul.f32 v57, v3;
	[tilespmem:s15+$0x0] =	vst v15;
	v54 =	vld.idx.msk [tilespmem:v53+s16+$0x0], $0xffff  }
0xfd: {  	s8 =	sadd.s32 $0x40, s8;
	s0 =	sor.u32 $0x280, s10;
	v58 =	vmul.f32 v55, v1;
	[tilespmem:s25+$0xB000] =	vst v16;
	s15 =	sor.u32 s28, s26;
	v45 =	vld.idx.msk [tilespmem:v45+s16+$0x0], $0xffff  }
0xfe: {  	[dreg:$0x6] =	wrdreg s4;
	s5 =	sor.u32 $0x280, s18;
	s2 =	sor.u32 $0x280, s23;
	v57 =	vor.u32 $0x300, v8;
	v41 =	vmul.f32 v41, v7;
	v59 =	vld.idx.msk [tilespmem:v59+s16+$0x0], $0xffff;
	[tilespmem:s15+$0x0] =	vst v46  }
0xff: {  	v20 =	vld [tilespmem:$0x1FFB0];
	s21 =	sor.u32 $0x300, s18;
	s7 =	sor.u32 $0x300, s10;
	s10 =	sor.u32 $0x380, s10;
	v56 =	vand.u32 $0xFFFFFC00, v19;
	[tilespmem:s17+$0x0] =	vst v58;
	v58 =	vmul.f32 v40, v9  }
0x100: {  	s1 =	sor.u32 $0x380, s23;
	[dreg:$0x7] =	wrdreg s10;
	s10 =	sor.u32 $0x380, s18;
	v44 =	vor.u32 v18, v56;
	v17 =	vld.idx.msk [tilespmem:v60+s16+$0x0], $0xffff;
	v60 =	vmul.f32 v42, v6;
	[tilespmem:s5+$0xB000] =	vst v41  }
0x101: {  	s18 =	sor.u32 s31, s26;
	s12 =	smov.u32 s30;
	s30 =	smov.u32 s20;
	v12 =	vld.idx.msk [tilespmem:v47+s16+$0x0], $0xffff;
	[tilespmem:s2+$0xB000] =	vst v58  }
0x102: {  	s20 =	sor.u32 $0x300, s23;
	s23 =	sor.u32 s9, s26;
	s25 =	sand.u32 $0x40, s8;
	v37 =	vld.idx.msk [tilespmem:v37+s16+$0x0], $0xffff;
	[tilespmem:s0+$0xB000] =	vst v60;
	v15 =	vmul.f32 v54, v2  }
0x103: {  	s4 =	sor.u32 s29, s26;
	s26 =	sor.u32 $0x30, s25;
	s17 =	sand.u32 $0x780, s8;
	v39 =	vld.idx.msk [tilespmem:v57+s16+$0x0], $0xffff;
	[tilespmem:s22+$0x0] =	vst v43;
	v45 =	vmul.f32 v45, v0  }
0x104: {  	v28 =	vmovc v35;
	v14 =	vor.u32 $0x380, v11;
	v55 =	vmov v36;
	s15 =	sadd.s32 $0xF300, s13;
	s14 =	sor.u32 s17, s26;
	v35 =	vld.idx.msk [tilespmem:v38+s16+$0x0], $0xffff;
	v36 =	vmul.f32 v59, v10;
	[tilespmem:s18+$0x0] =	vst v15  }
0x105: {  	v16 =	vadd.s32 $0x2B80, v4;
	s2 =	sor.u32 $0x20, s25;
	s0 =	sor.u32 $0x10, s25;
	v43 =	vld.idx.msk [tilespmem:v44+s16+$0x0], $0xffff;
	v13 =	vmul.f32 v17, v1;
	s18 =	sor.u32 $0x300, s11;
	[tilespmem:s23+$0x0] =	vst v45  }
0x106: {  	v4 =	vmov v11;
	v11 =	vld [tilespmem:s14+$0x0];
	s22 =	sor.u32 s17, s2;
	s16 =	smov.u32 s8;
	s8 =	smov.u32 s29;
	[tilespmem:s18+$0xB000] =	vst v36  }
0x107: {  	v41 =	vmul.f32 v12, v3;
	s23 =	sor.u32 s9, s15;
	v18 =	vld [tilespmem:s22+$0x0];
	s18 =	sor.u32 s29, s15;
	[tilespmem:s4+$0x0] =	vst v13;
	s4 =	sor.u32 s17, s0  }
0x108: {  	v37 =	vmul.f32 v37, v7;
	s29 =	smov.u32 s9;
	s9 =	sor.u32 s28, s15;
	s17 =	simm.s32 $0x1000;
	v17 =	vld [tilespmem:s4+$0x0]  }
0x109: {  	v36 =	vld.idx.msk [tilespmem:v14+s17+$0x0], $0xffff;
	[tilespmem:s9+$0x0] =	vst v41  }
0x10a: {  	[tilespmem:s21+$0xB000] =	vst v37;
	v37 =	vld.idx.msk [tilespmem:v16+s17+$0x0], $0xffff  }
0x10b: {  	v31 =	vmov v5;
	v51 =	vadd.s32 $0x2B00, v5;
	v35 =	vmul.f32 v35, v9;
	v49 =	vld [tilespmem:s4+$0x800]  }
0x10c: {  	v5 =	vmovc v29;
	v29 =	vmovc v25;
	v19 =	vor.u32 $0x380, v8;
	v59 =	vshll.u32 v11, $0x3;
	v11 =	vand.u32 $0x7F, v11;
	v13 =	vld.idx.msk [tilespmem:v33+s17+$0x0], $0xffff  }
0x10d: {  	v25 =	vmovc v61;
	v38 =	vand.u32 $0xFFFFFC00, v59;
	v39 =	vmul.f32 v39, v6;
	[tilespmem:s20+$0xB000] =	vst v35;
	v61 =	vld.idx.msk [tilespmem:v62+s17+$0x0], $0xffff;
	v60 =	vshll.u32 v17, $0x3  }
0x10e: {  	v11 =	vor.u32 v11, v38;
	v46 =	vld [tilespmem:s22+$0x800];
	v14 =	vand.u32 $0x7F, v17;
	v35 =	vand.u32 $0xFFFFFC00, v60  }
0x10f: {  	v16 =	vld.idx.msk [tilespmem:v34+s17+$0x0], $0xffff;
	v58 =	vor.u32 v14, v35  }
0x110: {  	[tilespmem:s7+$0xB000] =	vst v39;
	v12 =	vshll.u32 v18, $0x3;
	v17 =	vadd.s32 $0x2800, v4;
	v36 =	vmul.f32 v36, v10;
	v14 =	vld [tilespmem:$0x1FFA0]  }
0x111: {  	s5 =	sor.u32 s31, s15;
	s15 =	sor.u32 $0x380, s11;
	s20 =	sadd.s32 $0xF380, s13;
	v18 =	vand.u32 $0x7F, v18;
	v19 =	vld.idx.msk [tilespmem:v19+s17+$0x0], $0xffff;
	v15 =	vand.u32 $0xFFFFFC00, v12  }
0x112: {  	s21 =	sor.u32 s8, s20;
	s8 =	smov.u32 s16;
	s16 =	simm.s32 $0x1000;
	v60 =	vor.u32 v18, v15;
	v38 =	vmul.f32 v37, v3;
	v3 =	vmov v10;
	v10 =	vld [tilespmem:s14+$0x800];
	[tilespmem:s15+$0xB000] =	vst v36  }
0x113: {  	v27 =	vmov v26;
	s9 =	sor.u32 s28, s20;
	v52 =	vmul.f32 v13, v7;
	v26 =	vld.idx.msk [tilespmem:v11+s16+$0x0], $0xffff  }
0x114: {  	[tilespmem:s9+$0x0] =	vst v38;
	v42 =	vld.idx.msk [tilespmem:v58+s16+$0x0], $0xffff  }
0x115: {  	s6 =	sadd.s32 $0x200, s6;
	v36 =	vld.idx.msk [tilespmem:v17+s16+$0x0], $0xffff;
	[tilespmem:s10+$0xB000] =	vst v52  }
0x116: {  	s13 =	smov.u32 s3;
	s3 =	sand.u32 $0x3C00, s6;
	s22 =	sor.u32 s29, s20;
	v39 =	vmul.f32 v16, v9;
	v20 =	vld.idx.msk [tilespmem:v20+s16+$0x0], $0xffff  }
0x117: {  	v24 =	vmovc v0;
	v0 =	vmov v63;
	s29 =	smov.u32 s12;
	s12 =	rddreg [dreg:$0x9];
	s14 =	sor.u32 s31, s20;
	v59 =	vor.u32 $0x80, v58;
	v12 =	vadd.s32 $0x2800, v58;
	v63 =	vld.idx.msk [tilespmem:v60+s16+$0x0], $0xffff  }
0x118: {  	s20 =	smov.u32 s25;
	s25 =	smov.u32 s26;
	s26 =	rddreg [dreg:$0x7];
	v15 =	vmovc v23;
	v23 =	vadd.s32 $0x2800, v60;
	v35 =	vmul.f32 v19, v6;
	v21 =	vmov v12;
	v14 =	vld.idx.msk [tilespmem:v14+s16+$0x0], $0xffff;
	[tilespmem:s1+$0xB000] =	vst v39  }
0x119: {  	s15 =	sadd.s32 $0xB000, s3;
	s9 =	smov.u32 s30;
	s30 =	smov.u32 s0;
	[tilespmem:$0x1FFB0] =	vst v21;
	v21 =	vld.idx.msk [tilespmem:v32+s16+$0x0], $0xffff;
	v32 =	vmov v23;
	v23 =	vmul.f32 v42, v49  }
0x11a: {  	s31 =	smov.u32 s12;
	v61 =	vmul.f32 v61, v1;
	s12 =	sor.u32 s30, s15;
	v17 =	vld.idx.msk [tilespmem:v51+s16+$0x0], $0xffff;
	[tilespmem:s26+$0xB000] =	vst v35  }
0x11b: {  	s4 =	sadd.s32 $0xF000, s13;
	v20 =	vmul.f32 v20, v7;
	[tilespmem:s12+$0x0] =	vst v23  }
0x11c: {  	s26 =	sor.u32 s29, s4;
	v59 =	vld.idx.msk [tilespmem:v59+s16+$0x0], $0xffff;
	[tilespmem:s18+$0x0] =	vst v61  }
0x11d: {  	[tilespmem:s26+$0x0] =	vst v20  }
0x11e: {  	v56 =	vmul.f32 v43, v22;
	v61 =	vld.idx.msk [tilespmem:v0+s16+$0x0], $0xffff  }
0x11f: {  	v54 =	vor.u32 $0x100, v58;
	v48 =	vor.u32 $0x180, v58;
	v43 =	vor.u32 $0x200, v58;
	v0 =	vld [tilespmem:$0x1FFF0]  }
0x120: {  	v41 =	vor.u32 $0x280, v58;
	v37 =	vor.u32 $0x300, v58;
	v63 =	vmul.f32 v63, v46  }
0x121: {  	v33 =	vor.u32 $0x380, v58;
	[tilespmem:$0x1FFA0] =	vst v15;
	v15 =	vadd.s32 $0x2880, v58;
	v26 =	vmul.f32 v26, v10  }
0x122: {  	s11 =	rddreg [dreg:$0xb];
	s17 =	smov.u32 s2;
	v18 =	vadd.s32 $0x2900, v58;
	v51 =	vadd.s32 $0x2980, v58;
	v35 =	vadd.s32 $0x2A80, v58;
	s1 =	sor.u32 s25, s15  }
0x123: {  	s28 =	smov.u32 s11;
	s11 =	sor.u32 s17, s15;
	v39 =	vadd.s32 $0x2A00, v58;
	[tilespmem:s1+$0x0] =	vst v26;
	v26 =	vadd.s32 $0x2B00, v58;
	v58 =	vadd.s32 $0x2B80, v58  }
0x124: {  	v57 =	vadd.s32 $0x2800, v8;
	[tilespmem:s11+$0x0] =	vst v63;
	v63 =	vmov v0;
	v0 =	vmov v58  }
0x125: {  	v13 =	vor.u32 $0x80, v11;
	[tilespmem:$0x1FFF0] =	vst v0;
	v0 =	vld [tilespmem:$0x1FFC0]  }
0x126: {  	v16 =	vadd.s32 $0x2880, v4  }
0x127: {  	v62 =	vor.u32 $0x80, v60  }
0x128: {  	v36 =	vmul.f32 v36, v3  }
0x129: {  	s7 =	sor.u32 s28, s4;
	v57 =	vld.idx.msk [tilespmem:v57+s16+$0x0], $0xffff  }
0x12a: {  	v13 =	vld.idx.msk [tilespmem:v13+s16+$0x0], $0xffff;
	[tilespmem:s7+$0x0] =	vst v36  }
0x12b: {  	[tilespmem:$0x1FF90] =	vst v55;
	v55 =	vor.u32 $0x80, v44;
	s10 =	sor.u32 s20, s15;
	v16 =	vld.idx.msk [tilespmem:v16+s16+$0x0], $0xffff  }
0x12c: {  	[tilespmem:s10+$0x0] =	vst v56;
	v56 =	vld.idx.msk [tilespmem:v62+s16+$0x0], $0xffff  }
0x12d: {  	v50 =	vadd.s32 $0x2880, v8;
	v58 =	vld.idx.msk [tilespmem:v0+s16+$0x0], $0xffff;
	v0 =	vmov v15  }
0x12e: {  	v57 =	vmul.f32 v57, v6;
	v62 =	vor.u32 $0x100, v11;
	[tilespmem:$0x1FFC0] =	vst v0;
	v0 =	vld [tilespmem:$0x1FFE0]  }
0x12f: {  	s15 =	sor.u32 s9, s4;
	v21 =	vmul.f32 v21, v9;
	v20 =	vadd.s32 $0x2900, v4  }
0x130: {  	s2 =	sor.u32 s31, s4;
	v55 =	vld.idx.msk [tilespmem:v55+s16+$0x0], $0xffff;
	[tilespmem:s15+$0x0] =	vst v57;
	v13 =	vmul.f32 v13, v10  }
0x131: {  	s7 =	sadd.s32 $0xF080, s13;
	[tilespmem:s2+$0x0] =	vst v21;
	v16 =	vmul.f32 v16, v3  }
0x132: {  	v53 =	vor.u32 $0x100, v60;
	s26 =	sor.u32 s28, s7;
	[tilespmem:s1+$0x80] =	vst v13;
	v13 =	vld.idx.msk [tilespmem:v50+s16+$0x0], $0xffff;
	v21 =	vmul.f32 v59, v49  }
0x133: {  	v50 =	vmul.f32 v56, v46;
	v56 =	vld.idx.msk [tilespmem:v62+s16+$0x0], $0xffff;
	[tilespmem:s26+$0x0] =	vst v16  }
0x134: {  	v20 =	vld.idx.msk [tilespmem:v20+s16+$0x0], $0xffff;
	[tilespmem:s12+$0x80] =	vst v21  }
0x135: {  	v19 =	vadd.s32 $0x2880, v60;
	v59 =	vmul.f32 v55, v22;
	v21 =	vld.idx.msk [tilespmem:v54+s16+$0x0], $0xffff  }
0x136: {  	v14 =	vmul.f32 v14, v2;
	v15 =	vld.idx.msk [tilespmem:v0+s16+$0x0], $0xffff;
	v0 =	vmov v19;
	v19 =	vor.u32 $0x100, v44;
	[tilespmem:s11+$0x80] =	vst v50  }
0x137: {  	[tilespmem:s10+$0x80] =	vst v59;
	v54 =	vmul.f32 v61, v1;
	v1 =	vmovc v7;
	v7 =	vmov v49;
	v49 =	vadd.s32 $0x2900, v8;
	v16 =	vld.idx.msk [tilespmem:v53+s16+$0x0], $0xffff  }
0x138: {  	v55 =	vmul.f32 v56, v10;
	[tilespmem:$0x1FFE0] =	vst v0;
	v53 =	vor.u32 $0x180, v11;
	v0 =	vld [tilespmem:$0x1FFD0]  }
0x139: {  	v13 =	vmul.f32 v13, v6;
	[tilespmem:s5+$0x0] =	vst v14;
	v14 =	vadd.s32 $0x2980, v4  }
0x13a: {  	s15 =	sor.u32 s9, s7;
	[tilespmem:s1+$0x100] =	vst v55;
	v61 =	vmul.f32 v58, v1;
	v50 =	vld.idx.msk [tilespmem:v25+s16+$0x0], $0xffff  }
0x13b: {  	s18 =	sor.u32 s29, s7;
	v57 =	vmul.f32 v20, v3;
	s5 =	sadd.s32 $0xF100, s13;
	v19 =	vld.idx.msk [tilespmem:v19+s16+$0x0], $0xffff;
	[tilespmem:s15+$0x0] =	vst v13  }
0x13c: {  	[tilespmem:s18+$0x0] =	vst v61;
	s18 =	sor.u32 s28, s5;
	v15 =	vmul.f32 v15, v9;
	v20 =	vld.idx.msk [tilespmem:v49+s16+$0x0], $0xffff  }
0x13d: {  	s0 =	sor.u32 s31, s7;
	v59 =	vmul.f32 v21, v7;
	v21 =	vld.idx.msk [tilespmem:v53+s16+$0x0], $0xffff;
	[tilespmem:s18+$0x0] =	vst v57  }
0x13e: {  	v47 =	vor.u32 $0x180, v60;
	[tilespmem:s0+$0x0] =	vst v15;
	v14 =	vld.idx.msk [tilespmem:v14+s16+$0x0], $0xffff  }
0x13f: {  	v58 =	vor.u32 $0x180, v44;
	v13 =	vld.idx.msk [tilespmem:v5+s16+$0x0], $0xffff  }
0x140: {  	v16 =	vmul.f32 v16, v46;
	v56 =	vld.idx.msk [tilespmem:v0+s16+$0x0], $0xffff;
	v0 =	vmov v18;
	[tilespmem:s12+$0x100] =	vst v59  }
0x141: {  	v49 =	vadd.s32 $0x2B80, v31;
	v5 =	vmov v8;
	[tilespmem:$0x1FFD0] =	vst v0;
	v19 =	vmul.f32 v19, v22;
	v0 =	vld [tilespmem:$0x1FF60]  }
0x142: {  	v45 =	vor.u32 $0x200, v60;
	v17 =	vmul.f32 v17, v24;
	[tilespmem:s11+$0x100] =	vst v16;
	v53 =	vadd.s32 $0x2980, v5;
	v18 =	vld.idx.msk [tilespmem:v48+s16+$0x0], $0xffff  }
0x143: {  	v40 =	vor.u32 $0x280, v60;
	v12 =	vadd.s32 $0x2900, v60;
	v16 =	vld.idx.msk [tilespmem:v47+s16+$0x0], $0xffff;
	v21 =	vmul.f32 v21, v10;
	[tilespmem:s10+$0x100] =	vst v19  }
0x144: {  	v34 =	vor.u32 $0x380, v60;
	v61 =	vmovc v29;
	v29 =	vmov v12;
	v57 =	vmul.f32 v20, v6;
	v12 =	vld.idx.msk [tilespmem:v58+s16+$0x0], $0xffff;
	[tilespmem:s23+$0x0] =	vst v17  }
0x145: {  	s7 =	sor.u32 s9, s5;
	v8 =	vmovc v44;
	v44 =	vmul.f32 v50, v2;
	v2 =	vmov v9;
	[tilespmem:s1+$0x180] =	vst v21;
	v21 =	vld [tilespmem:$0x1FF70];
	v55 =	vmul.f32 v56, v1  }
0x146: {  	v38 =	vor.u32 $0x300, v60;
	s15 =	sor.u32 s29, s5;
	v13 =	vmul.f32 v13, v2;
	v56 =	vor.u32 $0x200, v11;
	v15 =	vld.idx.msk [tilespmem:v49+s16+$0x0], $0xffff;
	[tilespmem:s7+$0x0] =	vst v57  }
0x147: {  	v52 =	vadd.s32 $0x2980, v60;
	v42 =	vadd.s32 $0x2A00, v60;
	s0 =	sor.u32 s31, s5;
	v9 =	vmovc v46;
	v18 =	vmul.f32 v18, v7;
	v46 =	vld.idx.msk [tilespmem:v53+s16+$0x0], $0xffff;
	[tilespmem:s15+$0x0] =	vst v55  }
0x148: {  	s24 =	sadd.s32 $0x4, s24;
	v36 =	vadd.s32 $0x2A80, v60;
	v23 =	vadd.s32 $0x2B00, v60;
	v20 =	vadd.s32 $0x2A00, v4;
	[tilespmem:s0+$0x0] =	vst v13;
	v58 =	vld.idx.msk [tilespmem:v30+s16+$0x0], $0xffff  }
0x149: {  	p2 =	slt.u32 s24, $0x7C;
	v60 =	vadd.s32 $0x2B80, v60;
	v59 =	vor.u32 $0x200, v8;
	v16 =	vmul.f32 v16, v9;
	[tilespmem:s12+$0x180] =	vst v18;
	v13 =	vld.idx.msk [tilespmem:v0+s16+$0x0], $0xffff  }
.Ltmp2:
0x14a: {  	v14 =	vmul.f32 v14, v3;
	s23 =	sadd.s32 $0xF180, s13;
	v50 =	vld.idx.msk [tilespmem:v43+s16+$0x0], $0xffff;
	(pc) =	sbr.rel @p2 .LBB2_3-.Ltmp2, $4  }
0x14b: {  	s26 =	sor.u32 s28, s23;
	v12 =	vmul.f32 v12, v22;
	[tilespmem:s11+$0x180] =	vst v16;
	v49 =	vld.idx.msk [tilespmem:v56+s16+$0x0], $0xffff  }
0x14c: {  	p0 =	por !p0, !p0;
	s19 =	sadd.s32 $0x40, s19;
	v62 =	vmovc v27;
	v25 =	vmovc v60;
	v60 =	vmov v28;
	v28 =	vmov v52;
	s0 =	simm.s32 $0x1;
	v30 =	vmov v51;
	[tilespmem:s26+$0x0] =	vst v14;
	v51 =	vld.idx.msk [tilespmem:v45+s16+$0x0], $0xffff  }
0x14d: {  	s4 =	rddreg [dreg:$0x6];
	s1 =	sor.u32 s9, s23;
	v53 =	vor.u32 $0x280, v11;
	s0 =	simm.s32 @!p0 $0x0;
	v0 =	vmovc v6;
	v6 =	vmov v22;
	v43 =	vmul.f32 v15, v24;
	v47 =	vld.idx.msk [tilespmem:v20+s16+$0x0], $0xffff;
	[tilespmem:s10+$0x180] =	vst v12  }
0x14e: {  	s18 =	sor.u32 s29, s23;
	s5 =	sor.u32 s31, s23;
	s0 =	sshll.u32 s0, $0x6;
	v22 =	vadd.s32 $0x2A00, v5;
	[tilespmem:s21+$0x0] =	vst v54;
	v52 =	vld.idx.msk [tilespmem:v59+s16+$0x0], $0xffff;
	v48 =	vmul.f32 v58, v1;
	v45 =	vmul.f32 v13, v2  }
0x14f: {  	s0 =	sadd.s32 s0, s6  }
0x150: {  	v12 =	vmul.f32 v49, v10;
	s2 =	sadd.s32 $0x30, s0  }
0x151: {  	v14 =	vmul.f32 v50, v7;
	s4 =	sadd.s32 $0x10, s0;
	s23 =	sor.u32 $0x200, s2  }
0x152: {  	s8 =	sor.u32 $0x200, s4;
	[tilespmem:s23+$0xB000] =	vst v12  }
0x153: {  	[tilespmem:s8+$0xB000] =	vst v14;
	v15 =	vld.idx.msk [tilespmem:v53+s16+$0x0], $0xffff  }
0x154: {  	v14 =	vld.idx.msk [tilespmem:v41+s16+$0x0], $0xffff  }
0x155: {  	v13 =	vor.u32 $0x280, v8  }
0x156: {  	s7 =	sadd.s32 $0x20, s0;
	v59 =	vmul.f32 v51, v9;
	v41 =	vor.u32 $0x300, v11  }
0x157: {  	s24 =	sor.u32 $0x200, s7;
	v16 =	vmul.f32 v52, v6  }
0x158: {  	s26 =	sor.u32 $0x200, s0;
	[tilespmem:s24+$0xB000] =	vst v59;
	v15 =	vmul.f32 v15, v10  }
0x159: {  	s10 =	sor.u32 $0x280, s2;
	v12 =	vld.idx.msk [tilespmem:v40+s16+$0x0], $0xffff;
	[tilespmem:s26+$0xB000] =	vst v16;
	v14 =	vmul.f32 v14, v7  }
0x15a: {  	s11 =	sor.u32 $0x280, s4;
	v13 =	vld.idx.msk [tilespmem:v13+s16+$0x0], $0xffff;
	[tilespmem:s10+$0xB000] =	vst v15  }
0x15b: {  	[tilespmem:s11+$0xB000] =	vst v14;
	v15 =	vld.idx.msk [tilespmem:v41+s16+$0x0], $0xffff  }
0x15c: {  	v14 =	vld.idx.msk [tilespmem:v37+s16+$0x0], $0xffff  }
0x15d: {  	v17 =	vor.u32 $0x300, v8  }
0x15e: {  	v49 =	vor.u32 $0x380, v11;
	v12 =	vmul.f32 v12, v9  }
0x15f: {  	s12 =	sor.u32 $0x280, s7;
	v13 =	vmul.f32 v13, v6  }
0x160: {  	s15 =	sor.u32 $0x280, s0;
	[tilespmem:s12+$0xB000] =	vst v12;
	v15 =	vmul.f32 v15, v10  }
0x161: {  	s19 =	sor.u32 $0x300, s2;
	v12 =	vld.idx.msk [tilespmem:v38+s16+$0x0], $0xffff;
	[tilespmem:s15+$0xB000] =	vst v13;
	v14 =	vmul.f32 v14, v7  }
0x162: {  	s21 =	sor.u32 $0x300, s4;
	v13 =	vld.idx.msk [tilespmem:v17+s16+$0x0], $0xffff;
	[tilespmem:s19+$0xB000] =	vst v15  }
0x163: {  	[tilespmem:s21+$0xB000] =	vst v14;
	v15 =	vld.idx.msk [tilespmem:v49+s16+$0x0], $0xffff  }
0x164: {  	v51 =	vld.idx.msk [tilespmem:v33+s16+$0x0], $0xffff;
	_ =	sdelay $0x1  }
0x165: {  	v12 =	vmul.f32 v12, v9  }
0x166: {  	s23 =	sor.u32 $0x300, s7;
	v13 =	vmul.f32 v13, v6  }
0x167: {  	s24 =	sor.u32 $0x300, s0;
	[tilespmem:s23+$0xB000] =	vst v12;
	v15 =	vmul.f32 v15, v10  }
0x168: {  	s2 =	sor.u32 $0x380, s2;
	[tilespmem:s24+$0xB000] =	vst v13;
	v12 =	vmul.f32 v51, v7  }
0x169: {  	s4 =	sor.u32 $0x380, s4;
	[tilespmem:s2+$0xB000] =	vst v15  }
0x16a: {  	[tilespmem:s4+$0xB000] =	vst v12  }
0x16b: {  	v12 =	vld [tilespmem:$0x1FFB0]  }
0x16c: {  	v50 =	vor.u32 $0x380, v8  }
0x16d: {  	v53 =	vadd.s32 $0x2800, v11;
	_ =	sdelay $0x2  }
0x16e: {  	v52 =	vld.idx.msk [tilespmem:v34+s16+$0x0], $0xffff  }
0x16f: {  	v54 =	vld.idx.msk [tilespmem:v50+s16+$0x0], $0xffff  }
0x170: {  	v14 =	vld.idx.msk [tilespmem:v53+s16+$0x0], $0xffff  }
0x171: {  	v12 =	vld.idx.msk [tilespmem:v12+s16+$0x0], $0xffff  }
0x172: {  	v55 =	vadd.s32 $0x2800, v8  }
0x173: {  	v13 =	vmul.f32 v52, v9  }
0x174: {  	s26 =	sor.u32 $0x380, s7;
	v56 =	vmul.f32 v54, v6  }
0x175: {  	s6 =	sadd.s32 $0xF000, s3;
	s0 =	sor.u32 $0x380, s0;
	[tilespmem:s26+$0xB000] =	vst v13;
	v14 =	vmul.f32 v14, v10  }
0x176: {  	s7 =	sor.u32 s25, s6;
	v13 =	vld.idx.msk [tilespmem:v32+s16+$0x0], $0xffff;
	[tilespmem:s0+$0xB000] =	vst v56;
	v12 =	vmul.f32 v12, v7  }
0x177: {  	s8 =	sor.u32 s30, s6;
	v58 =	vld.idx.msk [tilespmem:v55+s16+$0x0], $0xffff;
	[tilespmem:s7+$0x0] =	vst v14  }
0x178: {  	[tilespmem:s8+$0x0] =	vst v12  }
0x179: {  	v12 =	vld [tilespmem:$0x1FFC0];
	_ =	sdelay $0x1  }
0x17a: {  	v57 =	vadd.s32 $0x2880, v11;
	v13 =	vmul.f32 v13, v9  }
0x17b: {  	s10 =	sor.u32 s17, s6;
	v19 =	vmul.f32 v58, v6  }
0x17c: {  	s0 =	sor.u32 s20, s6;
	[tilespmem:s10+$0x0] =	vst v13  }
0x17d: {  	[tilespmem:s0+$0x0] =	vst v19  }
0x17e: {  	v13 =	vld [tilespmem:$0x1FFE0]  }
0x17f: {  	v14 =	vld.idx.msk [tilespmem:v57+s16+$0x0], $0xffff  }
0x180: {  	v12 =	vld.idx.msk [tilespmem:v12+s16+$0x0], $0xffff;
	_ =	sdelay $0x1  }
0x181: {  	v59 =	vadd.s32 $0x2880, v8;
	_ =	sdelay $0x1  }
0x182: {  	s11 =	sadd.s32 $0xF080, s3;
	v14 =	vmul.f32 v14, v10  }
0x183: {  	s12 =	sor.u32 s25, s11;
	v12 =	vmul.f32 v12, v7  }
0x184: {  	s15 =	sor.u32 s30, s11;
	[tilespmem:s12+$0x0] =	vst v14;
	v13 =	vld.idx.msk [tilespmem:v13+s16+$0x0], $0xffff  }
0x185: {  	v32 =	vadd.s32 $0x2900, v11;
	v33 =	vld.idx.msk [tilespmem:v59+s16+$0x0], $0xffff;
	[tilespmem:s15+$0x0] =	vst v12  }
0x186: {  	v12 =	vld [tilespmem:$0x1FFD0];
	_ =	sdelay $0x1  }
0x187: {  	v34 =	vadd.s32 $0x2900, v8  }
0x188: {  	v13 =	vmul.f32 v13, v9  }
0x189: {  	s19 =	sor.u32 s17, s11;
	v14 =	vld.idx.msk [tilespmem:v32+s16+$0x0], $0xffff;
	v37 =	vmul.f32 v33, v6  }
0x18a: {  	s0 =	sor.u32 s20, s11;
	[tilespmem:s19+$0x0] =	vst v13  }
0x18b: {  	[tilespmem:s0+$0x0] =	vst v37;
	v13 =	vld.idx.msk [tilespmem:v29+s16+$0x0], $0xffff  }
0x18c: {  	v40 =	vld.idx.msk [tilespmem:v34+s16+$0x0], $0xffff  }
0x18d: {  	v12 =	vld.idx.msk [tilespmem:v12+s16+$0x0], $0xffff  }
0x18e: {  	s21 =	sadd.s32 $0xF100, s3;
	v14 =	vmul.f32 v14, v10  }
0x18f: {  	s23 =	sor.u32 s25, s21;
	[tilespmem:s18+$0x0] =	vst v48  }
0x190: {  	[tilespmem:s23+$0x0] =	vst v14;
	v13 =	vmul.f32 v13, v9  }
0x191: {  	s26 =	sor.u32 s17, s21;
	[tilespmem:s5+$0x0] =	vst v45;
	v48 =	vmul.f32 v40, v6  }
0x192: {  	v38 =	vadd.s32 $0x2980, v11;
	s0 =	sor.u32 s20, s21;
	[tilespmem:s26+$0x0] =	vst v13;
	v12 =	vmul.f32 v12, v7  }
0x193: {  	s24 =	sor.u32 s30, s21;
	[tilespmem:s0+$0x0] =	vst v48  }
0x194: {  	[tilespmem:s24+$0x0] =	vst v12  }
0x195: {  	v41 =	vadd.s32 $0x2980, v8;
	v20 =	vld [tilespmem:$0x1FF80];
	_ =	sdelay $0x1  }
0x196: {  	v14 =	vld.idx.msk [tilespmem:v38+s16+$0x0], $0xffff  }
0x197: {  	v51 =	vld.idx.msk [tilespmem:v28+s16+$0x0], $0xffff  }
0x198: {  	v49 =	vmul.f32 v46, v0;
	v52 =	vld.idx.msk [tilespmem:v21+s16+$0x0], $0xffff  }
0x199: {  	v18 =	vmul.f32 v47, v3;
	s6 =	sadd.s32 $0xF200, s13;
	v17 =	vld.idx.msk [tilespmem:v41+s16+$0x0], $0xffff  }
0x19a: {  	s7 =	sor.u32 s28, s6;
	v12 =	vld.idx.msk [tilespmem:v30+s16+$0x0], $0xffff;
	[tilespmem:s1+$0x0] =	vst v49  }
0x19b: {  	s8 =	sadd.s32 $0xF180, s3;
	v14 =	vmul.f32 v14, v10;
	[tilespmem:s7+$0x0] =	vst v18;
	v53 =	vld.idx.msk [tilespmem:v22+s16+$0x0], $0xffff  }
0x19c: {  	s10 =	sor.u32 s25, s8;
	v54 =	vmul.f32 v51, v9;
	[tilespmem:s14+$0x0] =	vst v44;
	v20 =	vld.idx.msk [tilespmem:v20+s16+$0x0], $0xffff  }
0x19d: {  	s12 =	sor.u32 s17, s8;
	v13 =	vmul.f32 v52, v2;
	[tilespmem:s10+$0x0] =	vst v14  }
0x19e: {  	v50 =	vadd.s32 $0x2A80, v4;
	s15 =	sor.u32 s31, s6;
	v17 =	vmul.f32 v17, v6;
	[tilespmem:s12+$0x0] =	vst v54  }
0x19f: {  	s1 =	sor.u32 s20, s8;
	[tilespmem:s15+$0x0] =	vst v13;
	v12 =	vmul.f32 v12, v7  }
0x1a0: {  	v19 =	vadd.s32 $0x2A00, v11;
	s11 =	sor.u32 s30, s8;
	[tilespmem:s1+$0x0] =	vst v17;
	v18 =	vmul.f32 v53, v0  }
0x1a1: {  	s0 =	sor.u32 s9, s6;
	[tilespmem:s11+$0x0] =	vst v12;
	v56 =	vmul.f32 v20, v1  }
0x1a2: {  	s14 =	sor.u32 s29, s6;
	[tilespmem:s0+$0x0] =	vst v18  }
0x1a3: {  	v16 =	vld.idx.msk [tilespmem:v50+s16+$0x0], $0xffff;
	[tilespmem:s14+$0x0] =	vst v56  }
0x1a4: {  	v58 =	vadd.s32 $0x2A80, v5;
	v18 =	vld [tilespmem:$0x1FF90]  }
0x1a5: {  	v21 =	vadd.s32 $0x2A00, v8;
	v55 =	vld.idx.msk [tilespmem:v19+s16+$0x0], $0xffff  }
0x1a6: {  	v57 =	vld.idx.msk [tilespmem:v39+s16+$0x0], $0xffff  }
0x1a7: {  	v59 =	vld.idx.msk [tilespmem:v42+s16+$0x0], $0xffff;
	_ =	sdelay $0x1  }
0x1a8: {  	s18 =	sadd.s32 $0xF280, s13;
	v33 =	vmul.f32 v16, v3;
	v14 =	vld.idx.msk [tilespmem:v58+s16+$0x0], $0xffff  }
0x1a9: {  	s21 =	sadd.s32 $0xF200, s3;
	s19 =	sor.u32 s28, s18;
	v15 =	vmul.f32 v55, v10;
	v20 =	vld.idx.msk [tilespmem:v21+s16+$0x0], $0xffff  }
0x1aa: {  	s23 =	sor.u32 s25, s21;
	v19 =	vmul.f32 v57, v7;
	v34 =	vld.idx.msk [tilespmem:v60+s16+$0x0], $0xffff;
	[tilespmem:s19+$0x0] =	vst v33  }
0x1ab: {  	s24 =	sor.u32 s30, s21;
	v38 =	vmul.f32 v59, v9;
	[tilespmem:s23+$0x0] =	vst v15;
	v18 =	vld.idx.msk [tilespmem:v18+s16+$0x0], $0xffff  }
0x1ac: {  	v32 =	vadd.s32 $0x2A80, v11;
	s26 =	sor.u32 s17, s21;
	[tilespmem:s24+$0x0] =	vst v19  }
0x1ad: {  	v14 =	vmul.f32 v14, v0;
	[tilespmem:s26+$0x0] =	vst v38  }
0x1ae: {  	s8 =	sor.u32 s9, s18;
	[tilespmem:s22+$0x0] =	vst v43;
	v39 =	vmul.f32 v20, v6  }
0x1af: {  	s5 =	sor.u32 s20, s21;
	[tilespmem:s8+$0x0] =	vst v14;
	v40 =	vmul.f32 v34, v1  }
0x1b0: {  	v37 =	vadd.s32 $0x2A80, v8;
	s6 =	sor.u32 s29, s18;
	[tilespmem:s5+$0x0] =	vst v39;
	v18 =	vmul.f32 v18, v2  }
0x1b1: {  	s7 =	sor.u32 s31, s18;
	v21 =	vadd.s32 $0x2B00, v4;
	v12 =	vld.idx.msk [tilespmem:v32+s16+$0x0], $0xffff;
	[tilespmem:s6+$0x0] =	vst v40  }
0x1b2: {  	v19 =	vld.idx.msk [tilespmem:v35+s16+$0x0], $0xffff;
	[tilespmem:s7+$0x0] =	vst v18  }
0x1b3: {  	v41 =	vadd.s32 $0x2B00, v5;
	v14 =	vld [tilespmem:$0x1FFA0]  }
0x1b4: {  	v42 =	vld.idx.msk [tilespmem:v36+s16+$0x0], $0xffff;
	v20 =	vadd.s32 $0x2B00, v11  }
0x1b5: {  	v13 =	vld.idx.msk [tilespmem:v37+s16+$0x0], $0xffff  }
0x1b6: {  	s10 =	sadd.s32 $0xF280, s3;
	v21 =	vld.idx.msk [tilespmem:v21+s16+$0x0], $0xffff;
	v12 =	vmul.f32 v12, v10  }
0x1b7: {  	s11 =	sor.u32 s25, s10;
	v44 =	vmul.f32 v19, v7;
	v15 =	vld.idx.msk [tilespmem:v62+s16+$0x0], $0xffff  }
0x1b8: {  	s12 =	sor.u32 s30, s10;
	v16 =	vld.idx.msk [tilespmem:v41+s16+$0x0], $0xffff;
	[tilespmem:s11+$0x0] =	vst v12  }
0x1b9: {  	v4 =	vadd.s32 $0x2B80, v4;
	v46 =	vmul.f32 v42, v9;
	[tilespmem:s12+$0x0] =	vst v44;
	v47 =	vld.idx.msk [tilespmem:v20+s16+$0x0], $0xffff  }
0x1ba: {  	s14 =	sor.u32 s17, s10;
	v13 =	vmul.f32 v13, v6;
	v49 =	vld.idx.msk [tilespmem:v26+s16+$0x0], $0xffff  }
0x1bb: {  	s15 =	sadd.s32 $0xF300, s13;
	s1 =	sor.u32 s20, s10;
	v48 =	vmul.f32 v21, v3;
	[tilespmem:s14+$0x0] =	vst v46;
	v14 =	vld.idx.msk [tilespmem:v14+s16+$0x0], $0xffff  }
0x1bc: {  	s18 =	sor.u32 s28, s15;
	v15 =	vmul.f32 v15, v1;
	[tilespmem:s1+$0x0] =	vst v13  }
0x1bd: {  	s19 =	sor.u32 s29, s15;
	v16 =	vmul.f32 v16, v0;
	[tilespmem:s18+$0x0] =	vst v48  }
0x1be: {  	s22 =	sor.u32 s9, s15;
	s23 =	sadd.s32 $0xF300, s3;
	[tilespmem:s19+$0x0] =	vst v15;
	v4 =	vld.idx.msk [tilespmem:v4+s16+$0x0], $0xffff;
	v52 =	vmul.f32 v47, v10  }
0x1bf: {  	s24 =	sor.u32 s25, s23;
	[tilespmem:s22+$0x0] =	vst v16;
	v12 =	vmul.f32 v49, v7  }
0x1c0: {  	v45 =	vadd.s32 $0x2B00, v8;
	s26 =	sor.u32 s30, s23;
	[tilespmem:s24+$0x0] =	vst v52;
	v14 =	vmul.f32 v14, v2  }
0x1c1: {  	s21 =	sor.u32 s31, s15;
	[tilespmem:s26+$0x0] =	vst v12  }
0x1c2: {  	[tilespmem:s21+$0x0] =	vst v14  }
0x1c3: {  	v5 =	vadd.s32 $0x2B80, v5;
	v3 =	vmul.f32 v4, v3;
	v4 =	vld [tilespmem:$0x1FFF0]  }
0x1c4: {  	v11 =	vadd.s32 $0x2B80, v11;
	v50 =	vld.idx.msk [tilespmem:v23+s16+$0x0], $0xffff  }
0x1c5: {  	v51 =	vld.idx.msk [tilespmem:v45+s16+$0x0], $0xffff;
	_ =	sdelay $0x1  }
0x1c6: {  	v15 =	vld.idx.msk [tilespmem:v63+s16+$0x0], $0xffff  }
0x1c7: {  	v5 =	vld.idx.msk [tilespmem:v5+s16+$0x0], $0xffff  }
0x1c8: {  	v8 =	vadd.s32 $0x2B80, v8;
	v13 =	vmul.f32 v50, v9;
	v11 =	vld.idx.msk [tilespmem:v11+s16+$0x0], $0xffff  }
0x1c9: {  	s4 =	sor.u32 s17, s23;
	v54 =	vmul.f32 v51, v6;
	v53 =	vld.idx.msk [tilespmem:v61+s16+$0x0], $0xffff  }
0x1ca: {  	s0 =	sor.u32 s20, s23;
	s5 =	sadd.s32 $0xF380, s13;
	[tilespmem:s4+$0x0] =	vst v13;
	v4 =	vld.idx.msk [tilespmem:v4+s16+$0x0], $0xffff  }
0x1cb: {  	s6 =	sor.u32 s28, s5;
	v1 =	vmul.f32 v15, v1;
	[tilespmem:s0+$0x0] =	vst v54  }
0x1cc: {  	s7 =	sor.u32 s29, s5;
	v0 =	vmul.f32 v5, v0;
	[tilespmem:s6+$0x0] =	vst v3;
	v55 =	vld.idx.msk [tilespmem:v25+s16+$0x0], $0xffff  }
0x1cd: {  	s10 =	sadd.s32 $0xF380, s3;
	s9 =	sor.u32 s9, s5;
	[tilespmem:s7+$0x0] =	vst v1;
	v1 =	vmul.f32 v11, v10;
	v3 =	vld.idx.msk [tilespmem:v8+s16+$0x0], $0xffff  }
0x1ce: {  	s11 =	sor.u32 s25, s10;
	[tilespmem:s9+$0x0] =	vst v0;
	v2 =	vmul.f32 v53, v2  }
0x1cf: {  	s8 =	sor.u32 s31, s5;
	[tilespmem:s11+$0x0] =	vst v1;
	v0 =	vmul.f32 v4, v7  }
0x1d0: {  	s12 =	sor.u32 s30, s10;
	[tilespmem:s8+$0x0] =	vst v2  }
0x1d1: {  	v1 =	vmul.f32 v55, v9;
	s13 =	rddreg [dreg:$0x15];
	[tilespmem:s12+$0x0] =	vst v0  }
0x1d2: {  	s14 =	sor.u32 s17, s10;
	v2 =	vmul.f32 v3, v6;
	s2 =	rddreg [dreg:$0x11]  }
0x1d3: {  	s1 =	sor.u32 s20, s10;
	p0 =	seq.s32 s13, $0xF;
	s15 =	rddreg [dreg:$0x16];
	[tilespmem:s14+$0x0] =	vst v1  }
0x1d4: {  	s18 =	simm.s32 $0x0;
	[tilespmem:s1+$0x0] =	vst v2;
	s2 =	sadd.s32 @!p0 s15, s2  }
0x1d5: {  	s17 =	sshll.u32 s13, $0xD;
	s1 =	rddreg [dreg:$0x10];
	s2 =	sshrl.u32 @!p0 s2, $0x3  }
0x1d6: {  	s19 =	simm.s32 $0xB000;
	s0 =	sadd.s32 s17, s1;
	s1 =	smul.u32 @!p0 $0x500, s2  }
0x1d7: {  	[hbm4b:s0+s18] =	stream.linear.scatter [tilespmem:s19], [sflag:$0x3], $0x8000, $0x38;
	[tilespmem:$0x1B000] =	vst v63  }
0x1d8: {  	s20 =	simm.s32 $0x2;
	s0 =	rddreg [dreg:$0x0]  }
0x1d9: {  	s2 =	simm.s32 @!p0 $0x1000;
	s0 =	sadd.s32 @!p0 s0, s1;
	s1 =	simm.s32 @!p0 $0x0  }
0x1da: {  	[tilespmem:s2], [sflag:$0x1] =	stream.linear.gather @!p0 [hbm4b:s0+s1], $0x5000, $0x38;
	[tilespmem:$0x1B000] =	vst v63  }
0x1db: {  	_ =	swait.ge [sflag:s20], $0x5000  }
0x1dc: {  	[sflag:s20] =	ssyncset.done $0x0  }
0x1dd: {  	s21 =	simm.s32 $0x0;
	s0 =	simm.s32 @!p1 $0x4;
	[sflag:s20] =	ssyncadd.s32 $0xFFFFB000  }
0x1de: {  	s23 =	sand.u32 $0x40, s21;
	_ =	swait.ge @!p1 [sflag:s0], $0x8000  }
0x1df: {  	s22 =	sand.u32 $0x780, s21;
	s6 =	sor.u32 $0x30, s23;
	[sflag:s0] =	ssyncset.done @!p1 $0x0  }
0x1e0: {  	s24 =	sor.u32 $0x10, s23;
	s25 =	sor.u32 s22, s6;
	[sflag:s0] =	ssyncadd.s32 @!p1 $0xFFFF8000  }
0x1e1: {  	s26 =	sor.u32 s22, s24;
	s14 =	sor.u32 $0x20, s23;
	v0 =	vld [tilespmem:s25+$0x0]  }
0x1e2: {  	s2 =	sor.u32 s22, s14;
	v1 =	vld [tilespmem:s26+$0x0]  }
0x1e3: {  	v2 =	vld [tilespmem:s2+$0x0];
	_ =	sdelay $0x3  }
0x1e4: {  	v3 =	vld [tilespmem:s21+$0x0];
	v4 =	vshll.u32 v0, $0x3;
	v5 =	vshll.u32 v1, $0x3  }
0x1e5: {  	v0 =	vand.u32 $0x7F, v0;
	v6 =	vshll.u32 v2, $0x3;
	v4 =	vand.u32 $0xFFFFFC00, v4  }
0x1e6: {  	v5 =	vand.u32 $0xFFFFFC00, v5;
	v7 =	vor.u32 v0, v4;
	v0 =	vand.u32 $0x7F, v1  }
0x1e7: {  	v1 =	vand.u32 $0xFFFFFC00, v6;
	v13 =	vor.u32 v0, v5;
	v0 =	vand.u32 $0x7F, v2  }
0x1e8: {  	v20 =	vld [tilespmem:s26+$0x800];
	v12 =	vor.u32 v0, v1  }
0x1e9: {  	v18 =	vld [tilespmem:s2+$0x800];
	v0 =	vshll.u32 v3, $0x3  }
0x1ea: {  	s17 =	simm.s32 $0x6000;
	v14 =	vld [tilespmem:s25+$0x800];
	v1 =	vand.u32 $0x7F, v3;
	v0 =	vand.u32 $0xFFFFFC00, v0  }
0x1eb: {  	v23 =	vor.u32 v1, v0;
	v0 =	vld.idx.msk [tilespmem:v7+s17+$0x0], $0xffff  }
0x1ec: {  	v1 =	vld.idx.msk [tilespmem:v13+s17+$0x0], $0xffff  }
0x1ed: {  	v2 =	vld.idx.msk [tilespmem:v12+s17+$0x0], $0xffff  }
0x1ee: {  	s2 =	simm.s32 $0x800;
	v3 =	vor.u32 $0x80, v7  }
0x1ef: {  	s9 =	sand.u32 $0x3C00, s21;
	v22 =	vld [tilespmem:s2+$0x0];
	v4 =	vor.u32 $0x80, v13  }
0x1f0: {  	s3 =	sadd.s32 $0x13000, s9;
	v6 =	vor.u32 $0x80, v12;
	v5 =	vld.idx.msk [tilespmem:v23+s17+$0x0], $0xffff;
	v0 =	vmul.f32 v0, v14  }
0x1f1: {  	s4 =	sor.u32 s6, s3;
	v1 =	vmul.f32 v1, v20  }
0x1f2: {  	s5 =	sor.u32 s24, s3;
	[tilespmem:s4+$0x0] =	vst v0;
	v0 =	vmul.f32 v2, v18  }
0x1f3: {  	s7 =	sor.u32 s14, s3;
	v2 =	vor.u32 $0x80, v23;
	v3 =	vld.idx.msk [tilespmem:v3+s17+$0x0], $0xffff;
	[tilespmem:s5+$0x0] =	vst v1  }
0x1f4: {  	v1 =	vld.idx.msk [tilespmem:v4+s17+$0x0], $0xffff;
	[tilespmem:s7+$0x0] =	vst v0  }
0x1f5: {  	v0 =	vmul.f32 v5, v22;
	v4 =	vld.idx.msk [tilespmem:v6+s17+$0x0], $0xffff  }
0x1f6: {  	s0 =	sor.u32 s23, s3;
	v5 =	vor.u32 $0x100, v7  }
0x1f7: {  	v6 =	vor.u32 $0x100, v13;
	[tilespmem:s0+$0x0] =	vst v0  }
0x1f8: {  	v0 =	vor.u32 $0x100, v12;
	v2 =	vld.idx.msk [tilespmem:v2+s17+$0x0], $0xffff;
	v3 =	vmul.f32 v3, v14  }
0x1f9: {  	v1 =	vmul.f32 v1, v20  }
0x1fa: {  	[tilespmem:s4+$0x80] =	vst v3;
	v3 =	vmul.f32 v4, v18  }
0x1fb: {  	v4 =	vor.u32 $0x100, v23;
	v5 =	vld.idx.msk [tilespmem:v5+s17+$0x0], $0xffff;
	[tilespmem:s5+$0x80] =	vst v1  }
0x1fc: {  	v1 =	vld.idx.msk [tilespmem:v6+s17+$0x0], $0xffff;
	[tilespmem:s7+$0x80] =	vst v3  }
0x1fd: {  	v2 =	vmul.f32 v2, v22;
	v0 =	vld.idx.msk [tilespmem:v0+s17+$0x0], $0xffff  }
0x1fe: {  	v3 =	vor.u32 $0x180, v7  }
0x1ff: {  	v6 =	vor.u32 $0x180, v13;
	[tilespmem:s0+$0x80] =	vst v2  }
0x200: {  	v2 =	vor.u32 $0x180, v12;
	v4 =	vld.idx.msk [tilespmem:v4+s17+$0x0], $0xffff;
	v5 =	vmul.f32 v5, v14  }
0x201: {  	v1 =	vmul.f32 v1, v20  }
0x202: {  	[tilespmem:s4+$0x100] =	vst v5;
	v0 =	vmul.f32 v0, v18  }
0x203: {  	v5 =	vor.u32 $0x180, v23;
	v3 =	vld.idx.msk [tilespmem:v3+s17+$0x0], $0xffff;
	[tilespmem:s5+$0x100] =	vst v1  }
0x204: {  	v1 =	vld.idx.msk [tilespmem:v6+s17+$0x0], $0xffff;
	[tilespmem:s7+$0x100] =	vst v0  }
0x205: {  	v0 =	vmul.f32 v4, v22;
	v2 =	vld.idx.msk [tilespmem:v2+s17+$0x0], $0xffff  }
0x206: {  	v4 =	vor.u32 $0x200, v7  }
0x207: {  	v6 =	vor.u32 $0x200, v13;
	[tilespmem:s0+$0x100] =	vst v0  }
0x208: {  	v0 =	vor.u32 $0x200, v12;
	v5 =	vld.idx.msk [tilespmem:v5+s17+$0x0], $0xffff;
	v3 =	vmul.f32 v3, v14  }
0x209: {  	v1 =	vmul.f32 v1, v20  }
0x20a: {  	[tilespmem:s4+$0x180] =	vst v3;
	v2 =	vmul.f32 v2, v18  }
0x20b: {  	v3 =	vor.u32 $0x200, v23;
	v4 =	vld.idx.msk [tilespmem:v4+s17+$0x0], $0xffff;
	[tilespmem:s5+$0x180] =	vst v1  }
0x20c: {  	s1 =	simm.s32 $0x1;
	p1 =	por $0x0, $0x0;
	v1 =	vld.idx.msk [tilespmem:v6+s17+$0x0], $0xffff;
	[tilespmem:s7+$0x180] =	vst v2  }
0x20d: {  	s1 =	simm.s32 @!p1 $0x0;
	v2 =	vmul.f32 v5, v22;
	v0 =	vld.idx.msk [tilespmem:v0+s17+$0x0], $0xffff  }
0x20e: {  	s1 =	sshll.u32 s1, $0x6;
	v5 =	vor.u32 $0x280, v7  }
0x20f: {  	v6 =	vor.u32 $0x280, v13;
	[tilespmem:s0+$0x180] =	vst v2;
	s0 =	sadd.s32 $0x0, s1  }
0x210: {  	v2 =	vor.u32 $0x280, v12;
	v3 =	vld.idx.msk [tilespmem:v3+s17+$0x0], $0xffff;
	s3 =	sadd.s32 $0x30, s0;
	v4 =	vmul.f32 v4, v14  }
0x211: {  	s2 =	sadd.s32 $0x10, s0;
	s8 =	sor.u32 $0x200, s3;
	v1 =	vmul.f32 v1, v20  }
0x212: {  	s1 =	sadd.s32 $0x20, s0;
	s10 =	sor.u32 $0x200, s2;
	[tilespmem:s8+$0x13000] =	vst v4;
	v0 =	vmul.f32 v0, v18  }
0x213: {  	s11 =	sor.u32 $0x200, s1;
	v4 =	vor.u32 $0x280, v23;
	v5 =	vld.idx.msk [tilespmem:v5+s17+$0x0], $0xffff;
	[tilespmem:s10+$0x13000] =	vst v1  }
0x214: {  	v1 =	vld.idx.msk [tilespmem:v6+s17+$0x0], $0xffff;
	[tilespmem:s11+$0x13000] =	vst v0  }
0x215: {  	v0 =	vmul.f32 v3, v22;
	v2 =	vld.idx.msk [tilespmem:v2+s17+$0x0], $0xffff  }
0x216: {  	s12 =	sor.u32 $0x200, s0;
	v3 =	vor.u32 $0x300, v7  }
0x217: {  	v6 =	vor.u32 $0x300, v13;
	[tilespmem:s12+$0x13000] =	vst v0  }
0x218: {  	v0 =	vor.u32 $0x300, v12;
	v4 =	vld.idx.msk [tilespmem:v4+s17+$0x0], $0xffff;
	v5 =	vmul.f32 v5, v14  }
0x219: {  	s13 =	simm.s32 $0x40;
	s18 =	sor.u32 $0x280, s3;
	v1 =	vmul.f32 v1, v20  }
0x21a: {  	v8 =	vld [tilespmem:s13+$0x0];
	s19 =	sor.u32 $0x280, s2;
	[tilespmem:s18+$0x13000] =	vst v5;
	v2 =	vmul.f32 v2, v18  }
0x21b: {  	s20 =	sor.u32 $0x280, s1;
	v5 =	vor.u32 $0x300, v23;
	v3 =	vld.idx.msk [tilespmem:v3+s17+$0x0], $0xffff;
	[tilespmem:s19+$0x13000] =	vst v1;
	s19 =	sand.u32 $0x40, s13  }
0x21c: {  	s4 =	sand.u32 $0x780, s13;
	v1 =	vld.idx.msk [tilespmem:v6+s17+$0x0], $0xffff;
	[tilespmem:s20+$0x13000] =	vst v2;
	s29 =	sor.u32 $0x30, s19  }
0x21d: {  	v2 =	vmul.f32 v4, v22;
	s30 =	sor.u32 $0x10, s19;
	v4 =	vld.idx.msk [tilespmem:v0+s17+$0x0], $0xffff;
	s21 =	sor.u32 s4, s29  }
0x21e: {  	s22 =	sor.u32 $0x280, s0;
	v6 =	vor.u32 $0x380, v7;
	s25 =	sor.u32 s4, s30;
	v9 =	vld [tilespmem:s21+$0x0]  }
0x21f: {  	s31 =	sor.u32 $0x20, s19;
	[tilespmem:s22+$0x13000] =	vst v2;
	v10 =	vld [tilespmem:s25+$0x0]  }
0x220: {  	s4 =	sor.u32 s4, s31;
	v2 =	vld.idx.msk [tilespmem:v5+s17+$0x0], $0xffff;
	v3 =	vmul.f32 v3, v14  }
0x221: {  	s26 =	simm.s32 $0x840;
	v58 =	vand.u32 $0x7F, v8;
	v11 =	vor.u32 $0x380, v13;
	s10 =	sor.u32 $0x300, s3;
	v57 =	vld [tilespmem:s4+$0x0]  }
0x222: {  	v8 =	vshll.u32 v8, $0x3;
	v56 =	vor.u32 $0x380, v12;
	v0 =	vld [tilespmem:s26+$0x0];
	v5 =	vmul.f32 v1, v20;
	[tilespmem:s10+$0x13000] =	vst v3  }
0x223: {  	v3 =	vmul.f32 v4, v18;
	v4 =	vld.idx.msk [tilespmem:v6+s17+$0x0], $0xffff;
	v6 =	vor.u32 $0x380, v23;
	v59 =	vshll.u32 v9, $0x3  }
0x224: {  	v1 =	vld [tilespmem:s25+$0x800];
	s10 =	sor.u32 $0x300, s2;
	v21 =	vshll.u32 v10, $0x3;
	v9 =	vand.u32 $0x7F, v9;
	v19 =	vand.u32 $0xFFFFFC00, v59  }
0x225: {  	s11 =	sor.u32 $0x300, s1;
	[tilespmem:s10+$0x13000] =	vst v5;
	v10 =	vand.u32 $0x7F, v10;
	v24 =	vmul.f32 v2, v22;
	v2 =	vld [tilespmem:s4+$0x800];
	v5 =	vor.u32 v9, v19  }
0x226: {  	s12 =	sor.u32 $0x300, s0;
	v21 =	vand.u32 $0xFFFFFC00, v21;
	[tilespmem:s11+$0x13000] =	vst v3;
	v3 =	vshll.u32 v57, $0x3;
	v9 =	vld.idx.msk [tilespmem:v11+s17+$0x0], $0xffff;
	v11 =	vadd.s32 $0x2800, v7  }
0x227: {  	v3 =	vand.u32 $0xFFFFFC00, v3;
	v15 =	vld.idx.msk [tilespmem:v56+s17+$0x0], $0xffff;
	[tilespmem:s12+$0x13000] =	vst v24;
	v24 =	vor.u32 v10, v21;
	v10 =	vand.u32 $0x7F, v57  }
0x228: {  	v8 =	vand.u32 $0xFFFFFC00, v8;
	v25 =	vor.u32 v10, v3;
	v3 =	vld [tilespmem:s21+$0x800];
	v60 =	vmul.f32 v4, v14  }
0x229: {  	s3 =	sor.u32 $0x380, s3;
	v6 =	vld.idx.msk [tilespmem:v6+s17+$0x0], $0xffff;
	v4 =	vor.u32 v58, v8  }
0x22a: {  	v8 =	vadd.s32 $0x2800, v13;
	[tilespmem:s3+$0x13000] =	vst v60;
	v10 =	vld.idx.msk [tilespmem:v5+s17+$0x0], $0xffff  }
0x22b: {  	v61 =	vadd.s32 $0x2800, v12;
	v11 =	vld.idx.msk [tilespmem:v11+s17+$0x0], $0xffff  }
0x22c: {  	v62 =	vadd.s32 $0x2800, v23;
	v9 =	vmul.f32 v9, v20;
	v63 =	vld.idx.msk [tilespmem:v24+s17+$0x0], $0xffff  }
0x22d: {  	s13 =	simm.s32 $0x200;
	s2 =	sor.u32 $0x380, s2;
	v26 =	vor.u32 $0x80, v5;
	v15 =	vmul.f32 v15, v18;
	v21 =	vld.idx.msk [tilespmem:v25+s17+$0x0], $0xffff  }
0x22e: {  	s1 =	sor.u32 $0x380, s1;
	s3 =	sand.u32 $0x3C00, s13;
	[tilespmem:s2+$0x13000] =	vst v9;
	v9 =	vadd.s32 $0x2880, v7;
	v27 =	vld.idx.msk [tilespmem:v4+s17+$0x0], $0xffff;
	v6 =	vmul.f32 v6, v22  }
0x22f: {  	s18 =	sor.u32 $0x380, s0;
	v28 =	vor.u32 $0x80, v24;
	s20 =	sadd.s32 $0x13000, s3;
	[tilespmem:s1+$0x13000] =	vst v15;
	v8 =	vld.idx.msk [tilespmem:v8+s17+$0x0], $0xffff;
	v10 =	vmul.f32 v10, v3  }
0x230: {  	s21 =	sadd.s32 $0x17000, s9;
	v32 =	vor.u32 $0x80, v25;
	s0 =	sor.u32 s29, s20;
	[tilespmem:s18+$0x13000] =	vst v6;
	v6 =	vld.idx.msk [tilespmem:v61+s17+$0x0], $0xffff;
	v11 =	vmul.f32 v11, v14  }
0x231: {  	s22 =	sor.u32 s6, s21;
	v33 =	vor.u32 $0x80, v4;
	v19 =	vmul.f32 v63, v1;
	[tilespmem:s0+$0x0] =	vst v10;
	v10 =	vld.idx.msk [tilespmem:v62+s17+$0x0], $0xffff  }
0x232: {  	v34 =	vadd.s32 $0x2880, v13;
	s1 =	sor.u32 s30, s20;
	v21 =	vmul.f32 v21, v2;
	v26 =	vld.idx.msk [tilespmem:v26+s17+$0x0], $0xffff;
	[tilespmem:s22+$0x0] =	vst v11  }
0x233: {  	s4 =	sor.u32 s31, s20;
	v11 =	vadd.s32 $0x2880, v12;
	v27 =	vmul.f32 v27, v0;
	[tilespmem:s1+$0x0] =	vst v19;
	v9 =	vld.idx.msk [tilespmem:v9+s17+$0x0], $0xffff  }
0x234: {  	v35 =	vadd.s32 $0x2880, v23;
	s2 =	sor.u32 s19, s20;
	v8 =	vmul.f32 v8, v20;
	v28 =	vld.idx.msk [tilespmem:v28+s17+$0x0], $0xffff;
	[tilespmem:s4+$0x0] =	vst v21  }
0x235: {  	s25 =	sor.u32 s24, s21;
	v21 =	vor.u32 $0x100, v5;
	[tilespmem:s2+$0x0] =	vst v27;
	v15 =	vld.idx.msk [tilespmem:v32+s17+$0x0], $0xffff;
	v6 =	vmul.f32 v6, v18  }
0x236: {  	s26 =	sor.u32 s14, s21;
	[tilespmem:s25+$0x0] =	vst v8;
	v8 =	vadd.s32 $0x2900, v7;
	v16 =	vld.idx.msk [tilespmem:v33+s17+$0x0], $0xffff;
	v10 =	vmul.f32 v10, v22  }
0x237: {  	s7 =	sor.u32 s23, s21;
	v27 =	vor.u32 $0x100, v24;
	v17 =	vld.idx.msk [tilespmem:v34+s17+$0x0], $0xffff;
	[tilespmem:s26+$0x0] =	vst v6;
	v26 =	vmul.f32 v26, v3  }
0x238: {  	s10 =	sadd.s32 $0x17080, s9;
	v6 =	vor.u32 $0x100, v25;
	[tilespmem:s7+$0x0] =	vst v10;
	v10 =	vld.idx.msk [tilespmem:v11+s17+$0x0], $0xffff;
	v9 =	vmul.f32 v9, v14  }
0x239: {  	s11 =	sor.u32 s6, s10;
	v11 =	vor.u32 $0x100, v4;
	v28 =	vmul.f32 v28, v1;
	[tilespmem:s0+$0x80] =	vst v26;
	v19 =	vld.idx.msk [tilespmem:v35+s17+$0x0], $0xffff  }
0x23a: {  	v26 =	vadd.s32 $0x2900, v13;
	v15 =	vmul.f32 v15, v2;
	v21 =	vld.idx.msk [tilespmem:v21+s17+$0x0], $0xffff;
	[tilespmem:s11+$0x0] =	vst v9  }
0x23b: {  	v9 =	vadd.s32 $0x2900, v12;
	v16 =	vmul.f32 v16, v0;
	[tilespmem:s1+$0x80] =	vst v28;
	v8 =	vld.idx.msk [tilespmem:v8+s17+$0x0], $0xffff  }
0x23c: {  	v36 =	vadd.s32 $0x2900, v23;
	v17 =	vmul.f32 v17, v20;
	v27 =	vld.idx.msk [tilespmem:v27+s17+$0x0], $0xffff;
	[tilespmem:s4+$0x80] =	vst v15  }
0x23d: {  	s12 =	sor.u32 s24, s10;
	v37 =	vor.u32 $0x180, v5;
	[tilespmem:s2+$0x80] =	vst v16;
	v6 =	vld.idx.msk [tilespmem:v6+s17+$0x0], $0xffff;
	v10 =	vmul.f32 v10, v18  }
0x23e: {  	v38 =	vadd.s32 $0x2980, v7;
	s13 =	sor.u32 s14, s10;
	[tilespmem:s12+$0x0] =	vst v17;
	v11 =	vld.idx.msk [tilespmem:v11+s17+$0x0], $0xffff;
	v19 =	vmul.f32 v19, v22  }
0x23f: {  	s5 =	sor.u32 s23, s10;
	v28 =	vor.u32 $0x180, v24;
	v26 =	vld.idx.msk [tilespmem:v26+s17+$0x0], $0xffff;
	v21 =	vmul.f32 v21, v3;
	[tilespmem:s13+$0x0] =	vst v10  }
0x240: {  	s18 =	sadd.s32 $0x17100, s9;
	v10 =	vor.u32 $0x180, v25;
	[tilespmem:s5+$0x0] =	vst v19;
	v9 =	vld.idx.msk [tilespmem:v9+s17+$0x0], $0xffff;
	v8 =	vmul.f32 v8, v14  }
0x241: {  	v39 =	vor.u32 $0x180, v4;
	s20 =	sor.u32 s6, s18;
	v27 =	vmul.f32 v27, v1;
	[tilespmem:s0+$0x100] =	vst v21;
	v15 =	vld.idx.msk [tilespmem:v36+s17+$0x0], $0xffff  }
0x242: {  	v21 =	vadd.s32 $0x2980, v13;
	v6 =	vmul.f32 v6, v2;
	v16 =	vld.idx.msk [tilespmem:v37+s17+$0x0], $0xffff;
	[tilespmem:s20+$0x0] =	vst v8  }
0x243: {  	v8 =	vadd.s32 $0x2980, v12;
	v11 =	vmul.f32 v11, v0;
	[tilespmem:s1+$0x100] =	vst v27;
	v17 =	vld.idx.msk [tilespmem:v38+s17+$0x0], $0xffff  }
0x244: {  	v27 =	vld.idx.msk [tilespmem:v28+s17+$0x0], $0xffff;
	[tilespmem:s4+$0x100] =	vst v6;
	v6 =	vadd.s32 $0x2980, v23;
	v26 =	vmul.f32 v26, v20  }
0x245: {  	s21 =	sor.u32 s24, s18;
	[tilespmem:s2+$0x100] =	vst v11;
	v10 =	vld.idx.msk [tilespmem:v10+s17+$0x0], $0xffff;
	v11 =	vor.u32 $0x200, v5;
	v9 =	vmul.f32 v9, v18  }
0x246: {  	s22 =	sor.u32 s14, s18;
	v19 =	vld.idx.msk [tilespmem:v39+s17+$0x0], $0xffff;
	[tilespmem:s21+$0x0] =	vst v26;
	v26 =	vadd.s32 $0x2A00, v7;
	v15 =	vmul.f32 v15, v22  }
0x247: {  	s5 =	sor.u32 s23, s18;
	v28 =	vor.u32 $0x200, v24;
	v21 =	vld.idx.msk [tilespmem:v21+s17+$0x0], $0xffff;
	v16 =	vmul.f32 v16, v3;
	[tilespmem:s22+$0x0] =	vst v9  }
0x248: {  	s25 =	sadd.s32 $0x17180, s9;
	[tilespmem:s5+$0x0] =	vst v15;
	v8 =	vld.idx.msk [tilespmem:v8+s17+$0x0], $0xffff;
	v40 =	vmul.f32 v17, v14  }
0x249: {  	s26 =	sor.u32 s6, s25;
	v9 =	vor.u32 $0x200, v25;
	v27 =	vmul.f32 v27, v1;
	[tilespmem:s0+$0x180] =	vst v16;
	v6 =	vld.idx.msk [tilespmem:v6+s17+$0x0], $0xffff  }
0x24a: {  	v41 =	vor.u32 $0x200, v4;
	v11 =	vld.idx.msk [tilespmem:v11+s17+$0x0], $0xffff;
	[tilespmem:s26+$0x0] =	vst v40  }
0x24b: {  	v42 =	vadd.s32 $0x2A00, v13;
	v10 =	vmul.f32 v10, v2;
	[tilespmem:s1+$0x180] =	vst v27;
	v44 =	vld.idx.msk [tilespmem:v26+s17+$0x0], $0xffff  }
0x24c: {  	s28 =	simm.s32 $0x80;
	p1 =	por !p1, !p1;
	s0 =	simm.s32 $0x1;
	v43 =	vmul.f32 v19, v0;
	v26 =	vadd.s32 $0x2A00, v12;
	v27 =	vld.idx.msk [tilespmem:v28+s17+$0x0], $0xffff  }
0x24d: {  	s0 =	simm.s32 @!p1 $0x0;
	[tilespmem:s4+$0x180] =	vst v10;
	v10 =	vadd.s32 $0x2A00, v23;
	v45 =	vmul.f32 v21, v20;
	v28 =	vld [tilespmem:s28+$0x0]  }
0x24e: {  	s4 =	sor.u32 s24, s25;
	s0 =	sshll.u32 s0, $0x6;
	v21 =	vor.u32 $0x280, v5;
	[tilespmem:s2+$0x180] =	vst v43;
	v9 =	vld.idx.msk [tilespmem:v9+s17+$0x0], $0xffff;
	v8 =	vmul.f32 v8, v18  }
0x24f: {  	v46 =	vadd.s32 $0x2A80, v7;
	s7 =	sor.u32 s14, s25;
	s10 =	sadd.s32 $0x200, s0;
	v17 =	vld.idx.msk [tilespmem:v41+s17+$0x0], $0xffff;
	[tilespmem:s4+$0x0] =	vst v45;
	v6 =	vmul.f32 v6, v22  }
0x250: {  	v29 =	vor.u32 $0x280, v24;
	s8 =	sor.u32 s23, s25;
	s5 =	sadd.s32 $0x30, s10;
	v15 =	vld.idx.msk [tilespmem:v42+s17+$0x0], $0xffff;
	v11 =	vmul.f32 v11, v3;
	[tilespmem:s7+$0x0] =	vst v8  }
0x251: {  	s0 =	sadd.s32 $0x17200, s9;
	s11 =	sor.u32 $0x200, s5;
	v8 =	vor.u32 $0x280, v25;
	[tilespmem:s8+$0x0] =	vst v6;
	v6 =	vld.idx.msk [tilespmem:v26+s17+$0x0], $0xffff;
	v19 =	vmul.f32 v44, v14  }
0x252: {  	s12 =	sor.u32 s6, s0;
	s7 =	sadd.s32 $0x10, s10;
	v26 =	vor.u32 $0x280, v4;
	v27 =	vmul.f32 v27, v1;
	[tilespmem:s11+$0x13000] =	vst v11;
	v10 =	vld.idx.msk [tilespmem:v10+s17+$0x0], $0xffff  }
0x253: {  	s13 =	sor.u32 $0x200, s7;
	s11 =	sadd.s32 $0x20, s10;
	v9 =	vmul.f32 v9, v2;
	v11 =	vld.idx.msk [tilespmem:v21+s17+$0x0], $0xffff;
	[tilespmem:s12+$0x0] =	vst v19  }
0x254: {  	v47 =	vadd.s32 $0x2A80, v13;
	s18 =	sor.u32 $0x200, s11;
	v17 =	vmul.f32 v17, v0;
	[tilespmem:s13+$0x13000] =	vst v27;
	v16 =	vld.idx.msk [tilespmem:v46+s17+$0x0], $0xffff  }
0x255: {  	s20 =	sor.u32 $0x200, s10;
	v21 =	vadd.s32 $0x2A80, v12;
	v27 =	vld.idx.msk [tilespmem:v29+s17+$0x0], $0xffff;
	[tilespmem:s18+$0x13000] =	vst v9  }
0x256: {  	s26 =	simm.s32 $0x880;
	v15 =	vmul.f32 v15, v20;
	[tilespmem:s20+$0x13000] =	vst v17;
	v9 =	vld.idx.msk [tilespmem:v8+s17+$0x0], $0xffff;
	v8 =	vadd.s32 $0x2A80, v23  }
0x257: {  	s22 =	simm.s32 $0x880;
	s21 =	sor.u32 s24, s0;
	v17 =	vld.idx.msk [tilespmem:v26+s17+$0x0], $0xffff;
	v26 =	vor.u32 $0x300, v5;
	v29 =	vmul.f32 v6, v18;
	[dreg:$0x5] =	wrdreg s26  }
0x258: {  	v48 =	vadd.s32 $0x2B00, v7;
	s25 =	sor.u32 s14, s0;
	v6 =	vld [tilespmem:s22+$0x0];
	v10 =	vmul.f32 v10, v22;
	[tilespmem:s21+$0x0] =	vst v15  }
0x259: {  	v30 =	vor.u32 $0x300, v24;
	s0 =	sor.u32 s23, s0;
	v11 =	vmul.f32 v11, v3;
	v19 =	vld.idx.msk [tilespmem:v47+s17+$0x0], $0xffff;
	[tilespmem:s25+$0x0] =	vst v29  }
0x25a: {  	v31 =	vor.u32 $0x300, v25;
	s8 =	sor.u32 $0x280, s5;
	[tilespmem:s0+$0x0] =	vst v10;
	s0 =	sadd.s32 $0x17280, s9;
	v21 =	vld.idx.msk [tilespmem:v21+s17+$0x0], $0xffff;
	v10 =	vmul.f32 v16, v14  }
0x25b: {  	v29 =	vand.u32 $0x7F, v28;
	v28 =	vshll.u32 v28, $0x3;
	v27 =	vmul.f32 v27, v1;
	[tilespmem:s8+$0x13000] =	vst v11;
	v50 =	vld.idx.msk [tilespmem:v8+s17+$0x0], $0xffff;
	s12 =	sor.u32 s6, s0  }
0x25c: {  	s13 =	sor.u32 $0x280, s7;
	s26 =	sand.u32 $0x40, s28;
	v49 =	vand.u32 $0xFFFFFC00, v28;
	v28 =	vor.u32 $0x300, v4;
	v11 =	vld.idx.msk [tilespmem:v26+s17+$0x0], $0xffff;
	[tilespmem:s12+$0x0] =	vst v10  }
0x25d: {  	s21 =	sand.u32 $0x780, s28;
	v9 =	vmul.f32 v9, v2;
	s8 =	sor.u32 $0x20, s26;
	[tilespmem:s13+$0x13000] =	vst v27;
	v15 =	vld.idx.msk [tilespmem:v48+s17+$0x0], $0xffff  }
0x25e: {  	s18 =	sor.u32 $0x280, s11;
	v10 =	vmul.f32 v17, v0;
	s25 =	sor.u32 s21, s8;
	v51 =	vld.idx.msk [tilespmem:v30+s17+$0x0], $0xffff  }
0x25f: {  	s20 =	sor.u32 $0x280, s10;
	[tilespmem:s18+$0x13000] =	vst v9;
	v54 =	vld [tilespmem:s25+$0x0]  }
0x260: {  	v8 =	vor.u32 v29, v49;
	s13 =	sor.u32 $0x30, s26;
	[tilespmem:s20+$0x13000] =	vst v10;
	v10 =	vld.idx.msk [tilespmem:v31+s17+$0x0], $0xffff  }
0x261: {  	s22 =	sor.u32 $0x10, s26;
	s2 =	sor.u32 s21, s13;
	v52 =	vld.idx.msk [tilespmem:v28+s17+$0x0], $0xffff  }
0x262: {  	v26 =	vor.u32 $0x380, v5;
	s12 =	sor.u32 s21, s22;
	v28 =	vld [tilespmem:s2+$0x0]  }
0x263: {  	v29 =	vadd.s32 $0x2B80, v7;
	v30 =	vld [tilespmem:s12+$0x0]  }
0x264: {  	v7 =	vld [tilespmem:s12+$0x800];
	v31 =	vor.u32 $0x380, v24;
	v9 =	vmul.f32 v11, v3  }
0x265: {  	v53 =	vor.u32 $0x380, v25;
	s1 =	sadd.s32 $0x17300, s9;
	s4 =	sor.u32 $0x300, s5;
	v27 =	vld.idx.msk [tilespmem:v8+s17+$0x0], $0xffff;
	v11 =	vmul.f32 v15, v14  }
0x266: {  	v55 =	vadd.s32 $0x2B00, v13;
	v56 =	vor.u32 $0x380, v4;
	s18 =	sor.u32 s6, s1;
	v16 =	vmul.f32 v51, v1;
	[tilespmem:s4+$0x13000] =	vst v9;
	v9 =	vld [tilespmem:s25+$0x800]  }
0x267: {  	s20 =	sor.u32 $0x300, s7;
	v59 =	vshll.u32 v54, $0x3;
	v10 =	vmul.f32 v10, v2;
	[tilespmem:s18+$0x0] =	vst v11;
	v26 =	vld.idx.msk [tilespmem:v26+s17+$0x0], $0xffff;
	v11 =	vshll.u32 v28, $0x3  }
0x268: {  	s21 =	sor.u32 $0x300, s11;
	v17 =	vmul.f32 v52, v0;
	[tilespmem:s20+$0x13000] =	vst v16;
	v28 =	vand.u32 $0x7F, v28;
	v57 =	vld.idx.msk [tilespmem:v29+s17+$0x0], $0xffff;
	v11 =	vand.u32 $0xFFFFFC00, v11  }
0x269: {  	s25 =	sor.u32 $0x300, s10;
	v29 =	vshll.u32 v30, $0x3;
	[tilespmem:s21+$0x13000] =	vst v10;
	v10 =	vmul.f32 v19, v20;
	v11 =	vor.u32 v28, v11;
	v28 =	vld.idx.msk [tilespmem:v31+s17+$0x0], $0xffff  }
0x26a: {  	s4 =	sor.u32 s24, s0;
	v58 =	vand.u32 $0xFFFFFC00, v29;
	[tilespmem:s25+$0x13000] =	vst v17;
	v29 =	vand.u32 $0x7F, v30;
	v30 =	vld.idx.msk [tilespmem:v53+s17+$0x0], $0xffff;
	v31 =	vadd.s32 $0x2800, v5  }
0x26b: {  	v15 =	vand.u32 $0x7F, v54;
	[tilespmem:s4+$0x0] =	vst v10;
	v10 =	vand.u32 $0xFFFFFC00, v59;
	v45 =	vor.u32 v29, v58;
	v60 =	vld.idx.msk [tilespmem:v56+s17+$0x0], $0xffff  }
0x26c: {  	v43 =	vor.u32 v15, v10;
	v62 =	vld.idx.msk [tilespmem:v55+s17+$0x0], $0xffff;
	v61 =	vmul.f32 v26, v3  }
0x26d: {  	s5 =	sor.u32 $0x380, s5;
	v21 =	vmul.f32 v21, v18;
	v10 =	vld [tilespmem:s2+$0x800];
	v26 =	vadd.s32 $0x2B00, v12  }
0x26e: {  	v32 =	vmul.f32 v50, v22;
	v29 =	vadd.s32 $0x2B00, v23;
	[tilespmem:s5+$0x13000] =	vst v61;
	v63 =	vld.idx.msk [tilespmem:v11+s17+$0x0], $0xffff;
	s5 =	sor.u32 s14, s0  }
0x26f: {  	v37 =	vadd.s32 $0x2800, v25;
	s0 =	sor.u32 s23, s0;
	v28 =	vmul.f32 v28, v1;
	v31 =	vld.idx.msk [tilespmem:v31+s17+$0x0], $0xffff;
	[tilespmem:s5+$0x0] =	vst v21  }
0x270: {  	v36 =	vadd.s32 $0x2800, v24;
	s7 =	sor.u32 $0x380, s7;
	v14 =	vmul.f32 v57, v14;
	s5 =	sadd.s32 $0x17380, s9;
	v38 =	vld.idx.msk [tilespmem:v45+s17+$0x0], $0xffff;
	[tilespmem:s0+$0x0] =	vst v32  }
0x271: {  	v40 =	vmul.f32 v30, v2;
	v21 =	vadd.s32 $0x2800, v4;
	s6 =	sor.u32 s6, s5;
	v39 =	vld.idx.msk [tilespmem:v43+s17+$0x0], $0xffff;
	[tilespmem:s7+$0x13000] =	vst v28  }
0x272: {  	s12 =	sor.u32 $0x380, s11;
	v30 =	vor.u32 $0x80, v11;
	v17 =	vmul.f32 v60, v0;
	[tilespmem:s6+$0x0] =	vst v14;
	s6 =	simm.s32 $0x400;
	v35 =	vld.idx.msk [tilespmem:v26+s17+$0x0], $0xffff  }
0x273: {  	v44 =	vor.u32 $0x80, v8;
	s18 =	sor.u32 $0x380, s10;
	[tilespmem:s12+$0x13000] =	vst v40;
	v15 =	vmul.f32 v62, v20;
	v26 =	vld.idx.msk [tilespmem:v29+s17+$0x0], $0xffff;
	s9 =	sand.u32 $0x3C00, s6  }
0x274: {  	v13 =	vadd.s32 $0x2B80, v13;
	s4 =	sor.u32 s24, s1;
	[tilespmem:s18+$0x13000] =	vst v17;
	v42 =	vld.idx.msk [tilespmem:v37+s17+$0x0], $0xffff;
	s20 =	sadd.s32 $0x13000, s9;
	v19 =	vmul.f32 v63, v10  }
0x275: {  	v27 =	vmul.f32 v27, v6;
	v28 =	vadd.s32 $0x2880, v5;
	v33 =	vld.idx.msk [tilespmem:v36+s17+$0x0], $0xffff;
	[tilespmem:s4+$0x0] =	vst v15;
	s11 =	sor.u32 s13, s20  }
0x276: {  	s21 =	sadd.s32 $0x17000, s3;
	v29 =	vor.u32 $0x80, v45;
	v31 =	vmul.f32 v31, v3;
	v46 =	vld.idx.msk [tilespmem:v21+s17+$0x0], $0xffff;
	s10 =	sor.u32 s26, s20;
	[tilespmem:s11+$0x0] =	vst v19  }
0x277: {  	s25 =	sor.u32 s29, s21;
	v41 =	vor.u32 $0x80, v43;
	v16 =	vmul.f32 v38, v7;
	[tilespmem:s10+$0x0] =	vst v27;
	v30 =	vld.idx.msk [tilespmem:v30+s17+$0x0], $0xffff  }
0x278: {  	s12 =	sor.u32 s22, s20;
	v21 =	vmul.f32 v39, v9;
	[tilespmem:s25+$0x0] =	vst v31;
	v31 =	vadd.s32 $0x2880, v24;
	v49 =	vld.idx.msk [tilespmem:v44+s17+$0x0], $0xffff  }
0x279: {  	s7 =	sor.u32 s8, s20;
	[tilespmem:s12+$0x0] =	vst v16;
	v17 =	vmul.f32 v42, v2;
	v42 =	vld.idx.msk [tilespmem:v13+s17+$0x0], $0xffff  }
0x27a: {  	s20 =	sor.u32 s31, s21;
	v47 =	vld.idx.msk [tilespmem:v28+s17+$0x0], $0xffff;
	v28 =	vadd.s32 $0x2880, v25;
	[tilespmem:s7+$0x0] =	vst v21;
	v21 =	vmul.f32 v33, v1  }
0x27b: {  	v48 =	vadd.s32 $0x2880, v4;
	s18 =	sor.u32 s30, s21;
	v29 =	vld.idx.msk [tilespmem:v29+s17+$0x0], $0xffff;
	[tilespmem:s20+$0x0] =	vst v17  }
0x27c: {  	v53 =	vadd.s32 $0x2A00, v24;
	v14 =	vld.idx.msk [tilespmem:v41+s17+$0x0], $0xffff;
	[tilespmem:s18+$0x0] =	vst v21;
	v21 =	vmul.f32 v46, v0  }
0x27d: {  	v50 =	vor.u32 $0x100, v11;
	s0 =	sor.u32 s19, s21;
	v30 =	vmul.f32 v30, v10;
	v31 =	vld.idx.msk [tilespmem:v31+s17+$0x0], $0xffff;
	[tilespmem:$0x1FED0] =	vst v53  }
0x27e: {  	[tilespmem:s0+$0x0] =	vst v21  }
0x27f: {  	v51 =	vadd.s32 $0x2900, v5;
	v57 =	vadd.s32 $0x2A80, v24;
	s21 =	sadd.s32 $0x17080, s3;
	v28 =	vld.idx.msk [tilespmem:v28+s17+$0x0], $0xffff;
	v55 =	vmul.f32 v47, v3;
	[tilespmem:s11+$0x80] =	vst v30  }
0x280: {  	s25 =	sor.u32 s29, s21;
	v30 =	vld.idx.msk [tilespmem:v48+s17+$0x0], $0xffff;
	[tilespmem:$0x1FEE0] =	vst v57  }
0x281: {  	v52 =	vor.u32 $0x100, v45;
	v16 =	vadd.s32 $0x2A80, v25;
	v29 =	vmul.f32 v29, v7;
	[tilespmem:s25+$0x0] =	vst v55  }
0x282: {  	v56 =	vor.u32 $0x100, v8;
	v54 =	vor.u32 $0x100, v43;
	v61 =	vadd.s32 $0x2B80, v25;
	v59 =	vld.idx.msk [tilespmem:v50+s17+$0x0], $0xffff;
	[tilespmem:$0x1FEF0] =	vst v16  }
0x283: {  	v32 =	vadd.s32 $0x2B80, v12;
	v17 =	vadd.s32 $0x2B00, v25;
	v58 =	vmul.f32 v14, v9;
	[tilespmem:s12+$0x80] =	vst v29  }
0x284: {  	v62 =	vadd.s32 $0x2B00, v24;
	v36 =	vadd.s32 $0x2980, v24;
	v33 =	vmul.f32 v49, v6;
	v29 =	vld.idx.msk [tilespmem:v51+s17+$0x0], $0xffff;
	[tilespmem:$0x1FF00] =	vst v17  }
0x285: {  	v63 =	vadd.s32 $0x2B80, v24;
	v27 =	vadd.s32 $0x2900, v24;
	v24 =	vmul.f32 v35, v18;
	[tilespmem:s7+$0x80] =	vst v58  }
0x286: {  	v37 =	vadd.s32 $0x2900, v25;
	s4 =	sor.u32 s14, s1;
	v44 =	vadd.s32 $0x2980, v25;
	v31 =	vmul.f32 v31, v1;
	v19 =	vld.idx.msk [tilespmem:v52+s17+$0x0], $0xffff;
	[tilespmem:s10+$0x80] =	vst v33  }
0x287: {  	s18 =	sor.u32 s30, s21;
	v21 =	vadd.s32 $0x2A00, v25;
	v28 =	vmul.f32 v28, v2;
	[tilespmem:s4+$0x0] =	vst v24;
	v25 =	vld.idx.msk [tilespmem:v54+s17+$0x0], $0xffff;
	v54 =	vadd.s32 $0x2900, v4  }
0x288: {  	s20 =	sor.u32 s31, s21;
	v30 =	vmul.f32 v30, v0;
	[tilespmem:s18+$0x0] =	vst v31;
	v24 =	vld.idx.msk [tilespmem:v56+s17+$0x0], $0xffff;
	v56 =	vor.u32 $0x180, v11  }
0x289: {  	s0 =	sor.u32 s19, s21;
	v31 =	vadd.s32 $0x2980, v5;
	[tilespmem:s20+$0x0] =	vst v28;
	v47 =	vld.idx.msk [tilespmem:v32+s17+$0x0], $0xffff;
	v58 =	vmul.f32 v59, v10  }
0x28a: {  	s21 =	sadd.s32 $0x17100, s3;
	v27 =	vld.idx.msk [tilespmem:v27+s17+$0x0], $0xffff;
	[tilespmem:s0+$0x0] =	vst v30;
	v28 =	vmul.f32 v29, v3  }
0x28b: {  	v55 =	vor.u32 $0x180, v45;
	s25 =	sor.u32 s29, s21;
	v30 =	vld.idx.msk [tilespmem:v37+s17+$0x0], $0xffff;
	[tilespmem:s11+$0x100] =	vst v58;
	v59 =	vmul.f32 v19, v7  }
0x28c: {  	v57 =	vor.u32 $0x180, v43;
	[tilespmem:s25+$0x0] =	vst v28;
	v60 =	vld.idx.msk [tilespmem:v54+s17+$0x0], $0xffff  }
0x28d: {  	v16 =	vadd.s32 $0x2880, v45;
	v25 =	vmul.f32 v25, v9;
	v50 =	vld.idx.msk [tilespmem:v56+s17+$0x0], $0xffff;
	[tilespmem:s12+$0x100] =	vst v59  }
0x28e: {  	v29 =	vor.u32 $0x180, v8;
	v24 =	vmul.f32 v24, v6;
	v46 =	vld.idx.msk [tilespmem:v31+s17+$0x0], $0xffff;
	[tilespmem:$0x1FF10] =	vst v16  }
0x28f: {  	[tilespmem:s7+$0x100] =	vst v25  }
0x290: {  	v23 =	vadd.s32 $0x2B80, v23;
	v26 =	vmul.f32 v26, v22;
	v35 =	vadd.s32 $0x2900, v45;
	v17 =	vld.idx.msk [tilespmem:v55+s17+$0x0], $0xffff;
	[tilespmem:s10+$0x100] =	vst v24  }
0x291: {  	s1 =	sor.u32 s23, s1;
	v19 =	vld.idx.msk [tilespmem:v57+s17+$0x0], $0xffff;
	[tilespmem:$0x1FF20] =	vst v35  }
0x292: {  	v39 =	vadd.s32 $0x2880, v43;
	v24 =	vmul.f32 v27, v1;
	[tilespmem:s1+$0x0] =	vst v26  }
0x293: {  	s2 =	sor.u32 s30, s21;
	v55 =	vld.idx.msk [tilespmem:v29+s17+$0x0], $0xffff;
	[tilespmem:$0x1FF30] =	vst v39  }
0x294: {  	v25 =	vmul.f32 v30, v2;
	v49 =	vmul.f32 v60, v0;
	v60 =	vadd.s32 $0x2900, v43;
	[tilespmem:s2+$0x0] =	vst v24  }
0x295: {  	s4 =	sor.u32 s31, s21;
	v57 =	vld.idx.msk [tilespmem:v23+s17+$0x0], $0xffff;
	[tilespmem:$0x1FF40] =	vst v60  }
0x296: {  	v34 =	vor.u32 $0x380, v43;
	v40 =	vor.u32 $0x280, v45;
	s0 =	sor.u32 s19, s21;
	v54 =	vadd.s32 $0x2980, v4;
	[tilespmem:s4+$0x0] =	vst v25  }
0x297: {  	v38 =	vor.u32 $0x300, v43;
	v41 =	vor.u32 $0x280, v43;
	v23 =	vmul.f32 v50, v10;
	[tilespmem:s0+$0x0] =	vst v49  }
0x298: {  	v53 =	vor.u32 $0x280, v11;
	s18 =	sadd.s32 $0x17180, s3;
	v56 =	vadd.s32 $0x2A00, v5;
	v15 =	vmul.f32 v46, v3;
	s1 =	rddreg [dreg:$0xd]  }
0x299: {  	v48 =	vor.u32 $0x200, v45;
	v51 =	vor.u32 $0x200, v43;
	s21 =	sor.u32 s29, s18;
	v26 =	vor.u32 $0x200, v11;
	v58 =	vld.idx.msk [tilespmem:v36+s17+$0x0], $0xffff;
	[tilespmem:s11+$0x180] =	vst v23;
	s1 =	sadd.s32 s15, s1  }
0x29a: {  	v33 =	vor.u32 $0x380, v45;
	v37 =	vor.u32 $0x300, v45;
	v59 =	vld.idx.msk [tilespmem:v44+s17+$0x0], $0xffff;
	v23 =	vmul.f32 v17, v7;
	[tilespmem:s21+$0x0] =	vst v15;
	s1 =	sadd.s32 $0x10, s1  }
0x29b: {  	v32 =	vadd.s32 $0x2800, v43;
	v46 =	vld.idx.msk [tilespmem:v54+s17+$0x0], $0xffff;
	v17 =	vmul.f32 v42, v20;
	v20 =	vmul.f32 v19, v9;
	[dreg:$0x17] =	wrdreg s1  }
0x29c: {  	v31 =	vadd.s32 $0x2800, v45;
	v16 =	vor.u32 $0x200, v8;
	v30 =	vadd.s32 $0x2980, v43;
	[tilespmem:s12+$0x180] =	vst v23  }
0x29d: {  	p1 =	por !p1, !p1;
	s23 =	sor.u32 s23, s5;
	v35 =	vadd.s32 $0x2A80, v45;
	v44 =	vmul.f32 v47, v18;
	v47 =	vld.idx.msk [tilespmem:v56+s17+$0x0], $0xffff;
	[tilespmem:s7+$0x180] =	vst v20;
	v56 =	vadd.s32 $0x2B80, v45  }
0x29e: {  	s14 =	sor.u32 s14, s5;
	s25 =	sor.u32 s24, s5;
	s5 =	simm.s32 $0x1;
	v29 =	vadd.s32 $0x2980, v45;
	v39 =	vadd.s32 $0x2A00, v45;
	v19 =	vmul.f32 v55, v6;
	v49 =	vld.idx.msk [tilespmem:v26+s17+$0x0], $0xffff;
	[tilespmem:$0x1FF50] =	vst v56  }
0x29f: {  	s20 =	sor.u32 s30, s18;
	s5 =	simm.s32 @!p1 $0x0;
	v36 =	vadd.s32 $0x2A80, v43;
	v25 =	vadd.s32 $0x2B80, v43;
	v42 =	vadd.s32 $0x2A00, v43;
	v50 =	vld.idx.msk [tilespmem:v48+s17+$0x0], $0xffff  }
0x2a0: {  	s24 =	simm.s32 $0xC0;
	s0 =	sshll.u32 s5, $0x6;
	s15 =	smov.u32 s19;
	v26 =	vadd.s32 $0x2B00, v45;
	v23 =	vadd.s32 $0x2B00, v43;
	v43 =	vmul.f32 v57, v22;
	[tilespmem:s10+$0x180] =	vst v19;
	v51 =	vld.idx.msk [tilespmem:v51+s17+$0x0], $0xffff  }
0x2a1: {  	s19 =	simm.s32 $0x8;
	s1 =	sor.u32 s15, s18;
	v22 =	vadd.s32 $0x2A00, v4;
	v45 =	vmul.f32 v59, v2;
	s10 =	sor.u32 s31, s18;
	v48 =	vmul.f32 v58, v1;
	[tilespmem:s25+$0x0] =	vst v17;
	v52 =	vld.idx.msk [tilespmem:v16+s17+$0x0], $0xffff  }
.LBB2_5:
0x2a2: {  	v12 =	vld [tilespmem:$0x1FED0]  }
0x2a3: {  	s5 =	sadd.s32 s0, s6;
	v46 =	vmul.f32 v46, v0  }
0x2a4: {  	v54 =	vld [tilespmem:s24+$0x0];
	v58 =	vadd.s32 $0x2A80, v5;
	s12 =	sadd.s32 $0x30, s5;
	[tilespmem:s10+$0x0] =	vst v45;
	v49 =	vmul.f32 v49, v10  }
0x2a5: {  	s18 =	sor.u32 $0x200, s12;
	v59 =	vld.idx.msk [tilespmem:v21+s17+$0x0], $0xffff;
	[tilespmem:s1+$0x0] =	vst v46  }
0x2a6: {  	[dreg:$0xc] =	wrdreg s22;
	s22 =	sadd.s32 $0x17200, s3;
	v60 =	vmul.f32 v47, v3;
	[tilespmem:s18+$0x13000] =	vst v49;
	v19 =	vld.idx.msk [tilespmem:v22+s17+$0x0], $0xffff  }
0x2a7: {  	[tilespmem:s20+$0x0] =	vst v48;
	s20 =	sor.u32 s29, s22;
	v49 =	vld.idx.msk [tilespmem:v53+s17+$0x0], $0xffff  }
0x2a8: {  	v13 =	vmov v39;
	s11 =	sadd.s32 $0x10, s5;
	v18 =	vmul.f32 v50, v7;
	[tilespmem:s20+$0x0] =	vst v60;
	v60 =	vld [tilespmem:$0x1FEE0]  }
0x2a9: {  	[dreg:$0xa] =	wrdreg s13;
	v17 =	vor.u32 $0x280, v8;
	[tilespmem:$0x1FED0] =	vst v13;
	s13 =	sor.u32 $0x200, s11;
	v53 =	vmul.f32 v52, v6;
	v56 =	vld.idx.msk [tilespmem:v58+s17+$0x0], $0xffff  }
0x2aa: {  	s21 =	sadd.s32 $0x20, s5;
	s25 =	sor.u32 $0x200, s5;
	v22 =	vmul.f32 v51, v9;
	v55 =	vld.idx.msk [tilespmem:v12+s17+$0x0], $0xffff;
	[tilespmem:s13+$0x13000] =	vst v18  }
0x2ab: {  	s4 =	sor.u32 $0x200, s21;
	[tilespmem:s25+$0x13000] =	vst v53;
	v53 =	vld [tilespmem:$0x1FEF0]  }
0x2ac: {  	v16 =	vmov v42;
	v45 =	vadd.s32 $0x2A80, v4;
	[tilespmem:s4+$0x13000] =	vst v22;
	v40 =	vld.idx.msk [tilespmem:v40+s17+$0x0], $0xffff  }
0x2ad: {  	[tilespmem:$0x1FEC0] =	vst v16;
	s0 =	sor.u32 $0x280, s5;
	v41 =	vld.idx.msk [tilespmem:v41+s17+$0x0], $0xffff  }
0x2ae: {  	s10 =	sor.u32 $0x380, s5;
	s2 =	sor.u32 $0x280, s21;
	s25 =	rddreg [dreg:$0x5];
	v42 =	vld.idx.msk [tilespmem:v17+s17+$0x0], $0xffff;
	[tilespmem:s14+$0x0] =	vst v44;
	v17 =	vmov v35;
	v58 =	vmul.f32 v19, v0  }
0x2af: {  	v50 =	vor.u32 $0x300, v11;
	s18 =	sor.u32 $0x300, s5;
	s4 =	sor.u32 s15, s22;
	s1 =	sadd.s32 $0x40, s25;
	[tilespmem:$0x1FEE0] =	vst v17;
	v57 =	vmul.f32 v55, v1  }
0x2b0: {  	s5 =	sor.u32 $0x380, s21;
	s20 =	sor.u32 $0x300, s21;
	s21 =	sor.u32 s30, s22;
	v39 =	vmul.f32 v59, v2;
	v22 =	vld [tilespmem:s1+$0x0];
	[tilespmem:s4+$0x0] =	vst v58  }
0x2b1: {  	v47 =	vadd.s32 $0x2B00, v5;
	s22 =	sor.u32 s31, s22;
	v18 =	vand.u32 $0x7F, v54;
	v59 =	vmul.f32 v49, v10;
	v45 =	vld.idx.msk [tilespmem:v45+s17+$0x0], $0xffff;
	[tilespmem:s21+$0x0] =	vst v57  }
0x2b2: {  	[tilespmem:s22+$0x0] =	vst v39;
	v19 =	vshll.u32 v54, $0x3;
	v46 =	vmul.f32 v56, v3;
	v40 =	vmul.f32 v40, v7;
	s21 =	sor.u32 $0x280, s12;
	v16 =	vld.idx.msk [tilespmem:v60+s17+$0x0], $0xffff  }
0x2b3: {  	s7 =	sor.u32 $0x280, s11;
	v56 =	vand.u32 $0xFFFFFC00, v19;
	v58 =	vmul.f32 v41, v9;
	v57 =	vor.u32 $0x300, v8;
	v54 =	vld.idx.msk [tilespmem:v53+s17+$0x0], $0xffff;
	[tilespmem:s21+$0x13000] =	vst v59  }
0x2b4: {  	s22 =	sadd.s32 $0x17280, s3;
	v44 =	vor.u32 v18, v56;
	[tilespmem:s7+$0x13000] =	vst v40;
	v59 =	vld.idx.msk [tilespmem:v50+s17+$0x0], $0xffff  }
0x2b5: {  	s25 =	sor.u32 s29, s22;
	v60 =	vmul.f32 v42, v6;
	[tilespmem:s2+$0x13000] =	vst v58;
	v37 =	vld.idx.msk [tilespmem:v37+s17+$0x0], $0xffff  }
0x2b6: {  	s28 =	sadd.s32 $0x40, s28;
	[dreg:$0x8] =	wrdreg s10;
	s10 =	sor.u32 s15, s22;
	[tilespmem:s25+$0x0] =	vst v46;
	v35 =	vld.idx.msk [tilespmem:v38+s17+$0x0], $0xffff  }
0x2b7: {  	s4 =	sor.u32 s31, s22;
	s21 =	sor.u32 s30, s22;
	s22 =	sand.u32 $0x40, s28;
	v12 =	vld.idx.msk [tilespmem:v47+s17+$0x0], $0xffff;
	[tilespmem:s0+$0x13000] =	vst v60;
	v13 =	vmul.f32 v16, v1  }
0x2b8: {  	v14 =	vor.u32 $0x380, v11;
	[dreg:$0x5] =	wrdreg s1;
	s1 =	sand.u32 $0x780, s28;
	s0 =	sor.u32 $0x10, s22;
	v45 =	vmul.f32 v45, v0;
	v39 =	vld.idx.msk [tilespmem:v57+s17+$0x0], $0xffff;
	[tilespmem:s23+$0x0] =	vst v43  }
0x2b9: {  	s25 =	sor.u32 $0x30, s22;
	s23 =	sor.u32 s1, s0;
	v15 =	vmul.f32 v54, v2;
	v43 =	vld.idx.msk [tilespmem:v44+s17+$0x0], $0xffff;
	[tilespmem:s21+$0x0] =	vst v13  }
0x2ba: {  	v55 =	vmov v36;
	s2 =	sor.u32 $0x20, s22;
	s14 =	sor.u32 s1, s25;
	[tilespmem:s10+$0x0] =	vst v45;
	v36 =	vmul.f32 v59, v10;
	v17 =	vld [tilespmem:s23+$0x0]  }
0x2bb: {  	v16 =	vadd.s32 $0x2B80, v5;
	v5 =	vmov v11;
	v11 =	vld [tilespmem:s14+$0x0];
	v37 =	vmul.f32 v37, v7;
	[tilespmem:s4+$0x0] =	vst v15;
	s4 =	sor.u32 s1, s2;
	s1 =	sor.u32 $0x300, s12  }
0x2bc: {  	s13 =	smov.u32 s26;
	s26 =	sor.u32 $0x300, s11;
	s10 =	sadd.s32 $0x17300, s3;
	v18 =	vld [tilespmem:s4+$0x0];
	[tilespmem:s1+$0x13000] =	vst v36  }
0x2bd: {  	s7 =	sor.u32 s30, s10;
	v40 =	vmul.f32 v12, v3;
	s21 =	sor.u32 s15, s10;
	s1 =	smov.u32 s8;
	[tilespmem:s26+$0x13000] =	vst v37;
	v36 =	vld.idx.msk [tilespmem:v14+s17+$0x0], $0xffff  }
0x2be: {  	v35 =	vmul.f32 v35, v9;
	s8 =	smov.u32 s30;
	s30 =	smov.u32 s15;
	s15 =	sor.u32 s29, s10;
	v49 =	vld [tilespmem:s23+$0x800]  }
0x2bf: {  	[tilespmem:s15+$0x0] =	vst v40;
	v13 =	vld.idx.msk [tilespmem:v33+s17+$0x0], $0xffff;
	v60 =	vshll.u32 v17, $0x3  }
0x2c0: {  	[tilespmem:s20+$0x13000] =	vst v35;
	v37 =	vld.idx.msk [tilespmem:v16+s17+$0x0], $0xffff;
	v59 =	vshll.u32 v11, $0x3;
	v14 =	vand.u32 $0x7F, v17;
	v35 =	vand.u32 $0xFFFFFC00, v60  }
0x2c1: {  	v46 =	vld [tilespmem:s4+$0x800];
	v11 =	vand.u32 $0x7F, v11;
	v38 =	vand.u32 $0xFFFFFC00, v59;
	v58 =	vor.u32 v14, v35  }
0x2c2: {  	v11 =	vor.u32 v11, v38;
	v12 =	vshll.u32 v18, $0x3;
	v14 =	vld [tilespmem:$0x1FF00]  }
0x2c3: {  	v39 =	vmul.f32 v39, v6;
	v16 =	vld.idx.msk [tilespmem:v34+s17+$0x0], $0xffff;
	v18 =	vand.u32 $0x7F, v18;
	v15 =	vand.u32 $0xFFFFFC00, v12  }
0x2c4: {  	v28 =	vmovc v25;
	v25 =	vmov v61;
	v61 =	vld.idx.msk [tilespmem:v62+s17+$0x0], $0xffff;
	v36 =	vmul.f32 v36, v10;
	v60 =	vor.u32 v18, v15  }
0x2c5: {  	[tilespmem:s18+$0x13000] =	vst v39;
	s18 =	sor.u32 $0x380, s12;
	v52 =	vmul.f32 v13, v7;
	v38 =	vmul.f32 v37, v3;
	v3 =	vmov v10;
	v10 =	vld [tilespmem:s14+$0x800]  }
0x2c6: {  	s11 =	sor.u32 $0x380, s11;
	[tilespmem:s18+$0x13000] =	vst v36;
	v42 =	vld.idx.msk [tilespmem:v58+s17+$0x0], $0xffff  }
0x2c7: {  	v27 =	vmov v26;
	v26 =	vld.idx.msk [tilespmem:v11+s17+$0x0], $0xffff;
	[tilespmem:s11+$0x13000] =	vst v52  }
0x2c8: {  	s6 =	sadd.s32 $0x200, s6;
	v19 =	vor.u32 $0x380, v8;
	s20 =	sadd.s32 $0x17380, s3;
	v39 =	vmul.f32 v16, v9;
	v20 =	vld.idx.msk [tilespmem:v31+s17+$0x0], $0xffff  }
0x2c9: {  	v24 =	vmov v0;
	v0 =	vmov v63;
	s3 =	smov.u32 s9;
	s9 =	rddreg [dreg:$0xc];
	s23 =	sor.u32 s30, s20;
	v59 =	vor.u32 $0x80, v58;
	v63 =	vld.idx.msk [tilespmem:v60+s17+$0x0], $0xffff  }
0x2ca: {  	s26 =	sor.u32 s29, s20;
	s30 =	smov.u32 s9;
	s9 =	sand.u32 $0x3C00, s6;
	v15 =	vmov v23;
	v23 =	vadd.s32 $0x2800, v60;
	v14 =	vld.idx.msk [tilespmem:v14+s17+$0x0], $0xffff;
	[tilespmem:s5+$0x13000] =	vst v39  }
0x2cb: {  	[tilespmem:s26+$0x0] =	vst v38;
	s26 =	smov.u32 s22;
	s22 =	smov.u32 s0;
	s11 =	sadd.s32 $0x13000, s9;
	v21 =	vld.idx.msk [tilespmem:v32+s17+$0x0], $0xffff;
	v32 =	vmov v23;
	v23 =	vmul.f32 v42, v49  }
0x2cc: {  	s10 =	sor.u32 s31, s10;
	v61 =	vmul.f32 v61, v1;
	s18 =	sor.u32 s22, s11  }
0x2cd: {  	v19 =	vld.idx.msk [tilespmem:v19+s17+$0x0], $0xffff;
	s14 =	sor.u32 s31, s20;
	s31 =	smov.u32 s1;
	s1 =	sadd.s32 $0x17000, s3;
	v20 =	vmul.f32 v20, v7;
	[tilespmem:s18+$0x0] =	vst v23  }
0x2ce: {  	v17 =	vadd.s32 $0x2800, v5;
	s4 =	sor.u32 s30, s1;
	v59 =	vld.idx.msk [tilespmem:v59+s17+$0x0], $0xffff;
	[tilespmem:s7+$0x0] =	vst v61  }
0x2cf: {  	v51 =	vadd.s32 $0x2B00, v4;
	[tilespmem:s4+$0x0] =	vst v20  }
0x2d0: {  	v56 =	vmul.f32 v43, v22;
	v54 =	vor.u32 $0x100, v58;
	v48 =	vor.u32 $0x180, v58;
	v61 =	vld.idx.msk [tilespmem:v0+s17+$0x0], $0xffff  }
0x2d1: {  	v43 =	vor.u32 $0x200, v58;
	v40 =	vor.u32 $0x280, v58;
	v37 =	vor.u32 $0x300, v58;
	v0 =	vld [tilespmem:$0x1FF50]  }
0x2d2: {  	s15 =	smov.u32 s13;
	s13 =	smov.u32 s25;
	s25 =	rddreg [dreg:$0x8];
	v33 =	vor.u32 $0x380, v58;
	v35 =	vmul.f32 v19, v6;
	v63 =	vmul.f32 v63, v46  }
0x2d3: {  	s12 =	sor.u32 s8, s20;
	s8 =	rddreg [dreg:$0xa];
	v12 =	vadd.s32 $0x2800, v58;
	v18 =	vadd.s32 $0x2900, v58;
	v36 =	vld.idx.msk [tilespmem:v17+s17+$0x0], $0xffff;
	[tilespmem:$0x1FF00] =	vst v15;
	v26 =	vmul.f32 v26, v10  }
0x2d4: {  	s29 =	smov.u32 s8;
	s8 =	smov.u32 s2;
	v15 =	vadd.s32 $0x2880, v58;
	v17 =	vld.idx.msk [tilespmem:v51+s17+$0x0], $0xffff;
	v51 =	vadd.s32 $0x2980, v58;
	[tilespmem:s25+$0x13000] =	vst v35;
	v35 =	vadd.s32 $0x2A80, v58;
	s20 =	sor.u32 s13, s11  }
0x2d5: {  	s5 =	sor.u32 s26, s11;
	v39 =	vadd.s32 $0x2A00, v58;
	s11 =	sor.u32 s8, s11;
	[tilespmem:s20+$0x0] =	vst v26;
	v26 =	vadd.s32 $0x2B00, v58;
	v58 =	vadd.s32 $0x2B80, v58  }
0x2d6: {  	[tilespmem:s11+$0x0] =	vst v63;
	v63 =	vmov v0;
	v0 =	vmov v58  }
0x2d7: {  	[tilespmem:$0x1FF50] =	vst v0;
	v0 =	vld [tilespmem:$0x1FF10];
	_ =	sdelay $0x6  }
0x2d8: {  	v57 =	vadd.s32 $0x2800, v8  }
0x2d9: {  	v13 =	vor.u32 $0x80, v11;
	v58 =	vld.idx.msk [tilespmem:v0+s17+$0x0], $0xffff;
	v0 =	vmov v15  }
0x2da: {  	[tilespmem:$0x1FF10] =	vst v0;
	v0 =	vld [tilespmem:$0x1FF30]  }
0x2db: {  	v16 =	vadd.s32 $0x2880, v5  }
0x2dc: {  	v62 =	vor.u32 $0x80, v60  }
0x2dd: {  	v57 =	vld.idx.msk [tilespmem:v57+s17+$0x0], $0xffff;
	v36 =	vmul.f32 v36, v3  }
0x2de: {  	[tilespmem:$0x1FEF0] =	vst v55;
	s2 =	sor.u32 s29, s1;
	v13 =	vld.idx.msk [tilespmem:v13+s17+$0x0], $0xffff  }
0x2df: {  	v55 =	vor.u32 $0x80, v44;
	[tilespmem:s2+$0x0] =	vst v36;
	v21 =	vmul.f32 v21, v9  }
0x2e0: {  	v50 =	vadd.s32 $0x2880, v8;
	s25 =	sor.u32 s15, s1;
	s1 =	sor.u32 s31, s1;
	[tilespmem:s5+$0x0] =	vst v56;
	v16 =	vld.idx.msk [tilespmem:v16+s17+$0x0], $0xffff  }
0x2e1: {  	v19 =	vadd.s32 $0x2880, v60;
	v56 =	vld.idx.msk [tilespmem:v62+s17+$0x0], $0xffff;
	v62 =	vor.u32 $0x100, v11;
	[tilespmem:s1+$0x0] =	vst v21  }
0x2e2: {  	v57 =	vmul.f32 v57, v6;
	v15 =	vld.idx.msk [tilespmem:v0+s17+$0x0], $0xffff;
	v0 =	vmov v19  }
0x2e3: {  	v20 =	vadd.s32 $0x2900, v5;
	v13 =	vmul.f32 v13, v10;
	[tilespmem:$0x1FF30] =	vst v0;
	v0 =	vld [tilespmem:$0x1FF20]  }
0x2e4: {  	v53 =	vor.u32 $0x100, v60;
	v55 =	vld.idx.msk [tilespmem:v55+s17+$0x0], $0xffff;
	[tilespmem:s25+$0x0] =	vst v57;
	v21 =	vmul.f32 v59, v49  }
0x2e5: {  	s4 =	sadd.s32 $0x17080, s3;
	v16 =	vmul.f32 v16, v3;
	[tilespmem:s20+$0x80] =	vst v13;
	v13 =	vld.idx.msk [tilespmem:v50+s17+$0x0], $0xffff  }
0x2e6: {  	s25 =	sor.u32 s29, s4;
	v50 =	vmul.f32 v56, v46;
	v56 =	vld.idx.msk [tilespmem:v62+s17+$0x0], $0xffff;
	[tilespmem:s18+$0x80] =	vst v21  }
0x2e7: {  	v14 =	vmul.f32 v14, v2;
	[tilespmem:s25+$0x0] =	vst v16;
	v21 =	vld.idx.msk [tilespmem:v54+s17+$0x0], $0xffff;
	v54 =	vmul.f32 v61, v1;
	v1 =	vmov v7  }
0x2e8: {  	v20 =	vld.idx.msk [tilespmem:v20+s17+$0x0], $0xffff;
	v57 =	vmul.f32 v58, v1;
	v19 =	vor.u32 $0x100, v44;
	[tilespmem:s11+$0x80] =	vst v50  }
0x2e9: {  	s7 =	sor.u32 s30, s4;
	v59 =	vmul.f32 v55, v22;
	v16 =	vld.idx.msk [tilespmem:v53+s17+$0x0], $0xffff;
	v53 =	vor.u32 $0x180, v11;
	[tilespmem:s10+$0x0] =	vst v14  }
0x2ea: {  	v47 =	vor.u32 $0x180, v60;
	v45 =	vor.u32 $0x200, v60;
	v41 =	vor.u32 $0x280, v60;
	[tilespmem:s7+$0x0] =	vst v57;
	v50 =	vld.idx.msk [tilespmem:v25+s17+$0x0], $0xffff  }
0x2eb: {  	v34 =	vor.u32 $0x380, v60;
	v38 =	vor.u32 $0x300, v60;
	[tilespmem:s5+$0x80] =	vst v59;
	v55 =	vmul.f32 v56, v10;
	v56 =	vld.idx.msk [tilespmem:v0+s17+$0x0], $0xffff;
	v0 =	vmovc v18  }
0x2ec: {  	v52 =	vadd.s32 $0x2980, v60;
	v31 =	vmovc v12;
	v12 =	vadd.s32 $0x2900, v60;
	v42 =	vadd.s32 $0x2A00, v60;
	[tilespmem:$0x1FF20] =	vst v0;
	v0 =	vld [tilespmem:$0x1FF40]  }
0x2ed: {  	v36 =	vadd.s32 $0x2A80, v60;
	v23 =	vadd.s32 $0x2B00, v60;
	v60 =	vadd.s32 $0x2B80, v60;
	[tilespmem:s20+$0x100] =	vst v55;
	v7 =	vmovc v49;
	v19 =	vld.idx.msk [tilespmem:v19+s17+$0x0], $0xffff  }
0x2ee: {  	v13 =	vmul.f32 v13, v6;
	v49 =	vadd.s32 $0x2900, v8;
	v25 =	vmovc v60;
	v60 =	vmul.f32 v21, v7;
	v21 =	vld.idx.msk [tilespmem:v53+s17+$0x0], $0xffff  }
0x2ef: {  	s1 =	sor.u32 s15, s4  }
0x2f0: {  	s0 =	sor.u32 s31, s4;
	s4 =	sadd.s32 $0x17100, s3;
	v58 =	vmul.f32 v20, v3;
	v14 =	vadd.s32 $0x2980, v5;
	[tilespmem:s1+$0x0] =	vst v13  }
0x2f1: {  	s10 =	sor.u32 s29, s4;
	v15 =	vmul.f32 v15, v9;
	[tilespmem:s18+$0x100] =	vst v60  }
0x2f2: {  	v59 =	vor.u32 $0x180, v44;
	[tilespmem:s10+$0x0] =	vst v58;
	v19 =	vmul.f32 v19, v22;
	v18 =	vld.idx.msk [tilespmem:v48+s17+$0x0], $0xffff  }
0x2f3: {  	v20 =	vld.idx.msk [tilespmem:v49+s17+$0x0], $0xffff;
	[tilespmem:s0+$0x0] =	vst v15;
	v21 =	vmul.f32 v21, v10  }
0x2f4: {  	[tilespmem:s5+$0x100] =	vst v19;
	v56 =	vmul.f32 v56, v1;
	v13 =	vld.idx.msk [tilespmem:v0+s17+$0x0], $0xffff  }
0x2f5: {  	s7 =	sor.u32 s30, s4;
	v57 =	vor.u32 $0x200, v11;
	v16 =	vmul.f32 v16, v46;
	v14 =	vld.idx.msk [tilespmem:v14+s17+$0x0], $0xffff;
	[tilespmem:s20+$0x180] =	vst v21  }
0x2f6: {  	v17 =	vmul.f32 v17, v24;
	v53 =	vadd.s32 $0x2B80, v4;
	v21 =	vld [tilespmem:$0x1FEC0];
	[tilespmem:s7+$0x0] =	vst v56  }
0x2f7: {  	v18 =	vmul.f32 v18, v7;
	v0 =	vmov v12;
	[tilespmem:s11+$0x100] =	vst v16;
	v12 =	vld.idx.msk [tilespmem:v59+s17+$0x0], $0xffff  }
0x2f8: {  	v4 =	vmovc v8;
	v8 =	vmov v44;
	v44 =	vmul.f32 v50, v2;
	v2 =	vmov v9;
	[tilespmem:s21+$0x0] =	vst v17;
	v59 =	vld.idx.msk [tilespmem:v29+s17+$0x0], $0xffff  }
0x2f9: {  	v55 =	vadd.s32 $0x2980, v4;
	[tilespmem:s18+$0x180] =	vst v18;
	v16 =	vld.idx.msk [tilespmem:v47+s17+$0x0], $0xffff;
	v13 =	vmul.f32 v13, v2  }
0x2fa: {  	s0 =	sor.u32 s31, s4;
	v58 =	vmul.f32 v20, v6;
	v20 =	vadd.s32 $0x2A00, v5;
	v49 =	vld.idx.msk [tilespmem:v57+s17+$0x0], $0xffff;
	[tilespmem:$0x1FF40] =	vst v0  }
0x2fb: {  	s19 =	sadd.s32 $0x4, s19;
	s25 =	sor.u32 s15, s4;
	v60 =	vor.u32 $0x200, v8;
	v15 =	vld.idx.msk [tilespmem:v53+s17+$0x0], $0xffff;
	[tilespmem:s0+$0x0] =	vst v13  }
0x2fc: {  	p2 =	slt.u32 s19, $0x7C;
	v14 =	vmul.f32 v14, v3;
	s21 =	sadd.s32 $0x17180, s3;
	[tilespmem:s25+$0x0] =	vst v58;
	v13 =	vld.idx.msk [tilespmem:v30+s17+$0x0], $0xffff  }
.Ltmp3:
0x2fd: {  	v9 =	vmov v46;
	s25 =	sor.u32 s29, s21;
	v50 =	vld.idx.msk [tilespmem:v43+s17+$0x0], $0xffff;
	[tilespmem:s12+$0x0] =	vst v54;
	v12 =	vmul.f32 v12, v22;
	(pc) =	sbr.rel @p2 .LBB2_5-.Ltmp3, $4  }
0x2fe: {  	v46 =	vld.idx.msk [tilespmem:v55+s17+$0x0], $0xffff;
	[tilespmem:s25+$0x0] =	vst v14;
	v16 =	vmul.f32 v16, v9  }
0x2ff: {  	p1 =	por !p1, !p1;
	v62 =	vmov v27;
	v61 =	vmov v28;
	v29 =	vmov v51;
	v47 =	vld.idx.msk [tilespmem:v20+s17+$0x0], $0xffff;
	s0 =	simm.s32 $0x1;
	[tilespmem:s5+$0x180] =	vst v12  }
0x300: {  	s24 =	sadd.s32 $0x40, s24;
	s1 =	sor.u32 s15, s21;
	v53 =	vor.u32 $0x280, v11;
	v0 =	vmovc v6;
	v48 =	vmul.f32 v59, v1;
	v30 =	vmov v52;
	[tilespmem:s11+$0x180] =	vst v16;
	s0 =	simm.s32 @!p1 $0x0;
	v52 =	vld.idx.msk [tilespmem:v60+s17+$0x0], $0xffff  }
0x301: {  	s20 =	sor.u32 s30, s21;
	s10 =	sor.u32 s31, s21;
	v6 =	vmovc v22;
	v22 =	vadd.s32 $0x2A00, v4;
	v43 =	vmul.f32 v15, v24;
	v51 =	vld.idx.msk [tilespmem:v45+s17+$0x0], $0xffff;
	s0 =	sshll.u32 s0, $0x6;
	v45 =	vmul.f32 v13, v2  }
0x302: {  	s0 =	sadd.s32 s0, s6  }
0x303: {  	v12 =	vmul.f32 v49, v10;
	v13 =	vor.u32 $0x280, v8;
	s2 =	sadd.s32 $0x30, s0  }
0x304: {  	v14 =	vmul.f32 v50, v7;
	s4 =	sadd.s32 $0x10, s0;
	s5 =	sor.u32 $0x200, s2  }
0x305: {  	s18 =	sor.u32 $0x200, s4;
	[tilespmem:s5+$0x13000] =	vst v12;
	v15 =	vmul.f32 v52, v6  }
0x306: {  	s21 =	sor.u32 $0x200, s0;
	s5 =	sadd.s32 $0x20, s0;
	[tilespmem:s18+$0x13000] =	vst v14;
	v50 =	vmul.f32 v51, v9;
	v51 =	vld.idx.msk [tilespmem:v53+s17+$0x0], $0xffff  }
0x307: {  	s19 =	sor.u32 $0x200, s5;
	v53 =	vld.idx.msk [tilespmem:v40+s17+$0x0], $0xffff;
	[tilespmem:s21+$0x13000] =	vst v15  }
0x308: {  	[tilespmem:s19+$0x13000] =	vst v50;
	v13 =	vld.idx.msk [tilespmem:v13+s17+$0x0], $0xffff  }
0x309: {  	v16 =	vor.u32 $0x300, v11;
	v54 =	vld.idx.msk [tilespmem:v41+s17+$0x0], $0xffff;
	_ =	sdelay $0x1  }
0x30a: {  	v17 =	vor.u32 $0x300, v8;
	v14 =	vmul.f32 v51, v10  }
0x30b: {  	s24 =	sor.u32 $0x280, s2;
	v12 =	vmul.f32 v53, v7  }
0x30c: {  	s25 =	sor.u32 $0x280, s4;
	[tilespmem:s24+$0x13000] =	vst v14;
	v13 =	vmul.f32 v13, v6  }
0x30d: {  	s7 =	sor.u32 $0x280, s0;
	[tilespmem:s25+$0x13000] =	vst v12;
	v55 =	vmul.f32 v54, v9;
	v56 =	vld.idx.msk [tilespmem:v16+s17+$0x0], $0xffff  }
0x30e: {  	s28 =	sor.u32 $0x280, s5;
	v57 =	vld.idx.msk [tilespmem:v37+s17+$0x0], $0xffff;
	[tilespmem:s7+$0x13000] =	vst v13  }
0x30f: {  	[tilespmem:s28+$0x13000] =	vst v55;
	v59 =	vld.idx.msk [tilespmem:v17+s17+$0x0], $0xffff  }
0x310: {  	v60 =	vor.u32 $0x380, v11;
	v58 =	vld.idx.msk [tilespmem:v38+s17+$0x0], $0xffff;
	_ =	sdelay $0x1  }
0x311: {  	v20 =	vor.u32 $0x380, v8;
	v12 =	vmul.f32 v56, v10  }
0x312: {  	s11 =	sor.u32 $0x300, s2;
	v14 =	vmul.f32 v57, v7  }
0x313: {  	s12 =	sor.u32 $0x300, s4;
	[tilespmem:s11+$0x13000] =	vst v12;
	v28 =	vmul.f32 v59, v6  }
0x314: {  	s19 =	sor.u32 $0x300, s0;
	[tilespmem:s12+$0x13000] =	vst v14;
	v24 =	vmul.f32 v58, v9;
	v27 =	vld.idx.msk [tilespmem:v60+s17+$0x0], $0xffff  }
0x315: {  	s18 =	sor.u32 $0x300, s5;
	v33 =	vld.idx.msk [tilespmem:v33+s17+$0x0], $0xffff;
	[tilespmem:s19+$0x13000] =	vst v28  }
0x316: {  	[tilespmem:s18+$0x13000] =	vst v24;
	v40 =	vld.idx.msk [tilespmem:v20+s17+$0x0], $0xffff  }
0x317: {  	v38 =	vadd.s32 $0x2800, v11;
	v37 =	vld.idx.msk [tilespmem:v34+s17+$0x0], $0xffff;
	_ =	sdelay $0x1  }
0x318: {  	v41 =	vadd.s32 $0x2800, v8;
	v13 =	vmul.f32 v27, v10  }
0x319: {  	s2 =	sor.u32 $0x380, s2;
	v12 =	vmul.f32 v33, v7  }
0x31a: {  	s21 =	sor.u32 $0x380, s4;
	[tilespmem:s2+$0x13000] =	vst v13;
	v51 =	vmul.f32 v40, v6  }
0x31b: {  	s0 =	sor.u32 $0x380, s0;
	[tilespmem:s21+$0x13000] =	vst v12;
	v49 =	vmul.f32 v37, v9;
	v50 =	vld.idx.msk [tilespmem:v38+s17+$0x0], $0xffff  }
0x31c: {  	s24 =	sor.u32 $0x380, s5;
	v52 =	vld.idx.msk [tilespmem:v31+s17+$0x0], $0xffff;
	[tilespmem:s0+$0x13000] =	vst v51  }
0x31d: {  	[tilespmem:s24+$0x13000] =	vst v49;
	v54 =	vld.idx.msk [tilespmem:v41+s17+$0x0], $0xffff  }
0x31e: {  	v13 =	vld.idx.msk [tilespmem:v32+s17+$0x0], $0xffff;
	_ =	sdelay $0x1  }
0x31f: {  	s25 =	sadd.s32 $0x17000, s9;
	v12 =	vmul.f32 v50, v10  }
0x320: {  	s28 =	sor.u32 s13, s25;
	v15 =	vmul.f32 v52, v7  }
0x321: {  	s4 =	sor.u32 s22, s25;
	[tilespmem:s28+$0x0] =	vst v12;
	v58 =	vmul.f32 v54, v6  }
0x322: {  	s0 =	sor.u32 s26, s25;
	[tilespmem:s4+$0x0] =	vst v15;
	v56 =	vmul.f32 v13, v9  }
0x323: {  	s5 =	sor.u32 s8, s25;
	v15 =	vld [tilespmem:$0x1FF10];
	[tilespmem:s0+$0x0] =	vst v58  }
0x324: {  	[tilespmem:s5+$0x0] =	vst v56  }
0x325: {  	v12 =	vld [tilespmem:$0x1FF30]  }
0x326: {  	v53 =	vadd.s32 $0x2880, v11;
	_ =	sdelay $0x2  }
0x327: {  	v55 =	vadd.s32 $0x2880, v8;
	_ =	sdelay $0x1  }
0x328: {  	v57 =	vld.idx.msk [tilespmem:v53+s17+$0x0], $0xffff  }
0x329: {  	v15 =	vld.idx.msk [tilespmem:v15+s17+$0x0], $0xffff  }
0x32a: {  	v12 =	vld.idx.msk [tilespmem:v12+s17+$0x0], $0xffff  }
0x32b: {  	v60 =	vld.idx.msk [tilespmem:v55+s17+$0x0], $0xffff;
	_ =	sdelay $0x1  }
0x32c: {  	s6 =	sadd.s32 $0x17080, s9;
	v13 =	vmul.f32 v57, v10  }
0x32d: {  	s7 =	sor.u32 s13, s6;
	v15 =	vmul.f32 v15, v7  }
0x32e: {  	s11 =	sor.u32 s22, s6;
	[tilespmem:s7+$0x0] =	vst v13;
	v12 =	vmul.f32 v12, v9  }
0x32f: {  	s12 =	sor.u32 s8, s6;
	v24 =	vmul.f32 v60, v6;
	[tilespmem:s11+$0x0] =	vst v15  }
0x330: {  	s0 =	sor.u32 s26, s6;
	[tilespmem:s12+$0x0] =	vst v12  }
0x331: {  	v59 =	vadd.s32 $0x2900, v11;
	v12 =	vld [tilespmem:$0x1FF20];
	[tilespmem:s0+$0x0] =	vst v24  }
0x332: {  	v14 =	vld [tilespmem:$0x1FF40]  }
0x333: {  	v20 =	vadd.s32 $0x2900, v8;
	_ =	sdelay $0x2  }
0x334: {  	v13 =	vld.idx.msk [tilespmem:v59+s17+$0x0], $0xffff;
	_ =	sdelay $0x1  }
0x335: {  	v28 =	vld.idx.msk [tilespmem:v20+s17+$0x0], $0xffff  }
0x336: {  	v12 =	vld.idx.msk [tilespmem:v12+s17+$0x0], $0xffff  }
0x337: {  	v14 =	vld.idx.msk [tilespmem:v14+s17+$0x0], $0xffff  }
0x338: {  	s18 =	sadd.s32 $0x17100, s9;
	v13 =	vmul.f32 v13, v10  }
0x339: {  	s19 =	sor.u32 s13, s18;
	[tilespmem:s20+$0x0] =	vst v48  }
0x33a: {  	[tilespmem:s19+$0x0] =	vst v13;
	v34 =	vmul.f32 v28, v6  }
0x33b: {  	s0 =	sor.u32 s26, s18;
	[tilespmem:s10+$0x0] =	vst v45;
	v12 =	vmul.f32 v12, v7  }
0x33c: {  	s20 =	sor.u32 s22, s18;
	[tilespmem:s0+$0x0] =	vst v34;
	v32 =	vmul.f32 v14, v9  }
0x33d: {  	v27 =	vadd.s32 $0x2980, v11;
	s21 =	sor.u32 s8, s18;
	[tilespmem:s20+$0x0] =	vst v12  }
0x33e: {  	[tilespmem:s21+$0x0] =	vst v32  }
0x33f: {  	v31 =	vadd.s32 $0x2980, v8;
	v20 =	vld [tilespmem:$0x1FED0];
	_ =	sdelay $0x2  }
0x340: {  	v33 =	vld.idx.msk [tilespmem:v27+s17+$0x0], $0xffff  }
0x341: {  	v38 =	vmul.f32 v46, v0;
	v46 =	vld.idx.msk [tilespmem:v21+s17+$0x0], $0xffff  }
0x342: {  	v17 =	vld.idx.msk [tilespmem:v31+s17+$0x0], $0xffff  }
0x343: {  	v18 =	vmul.f32 v47, v3;
	s24 =	sadd.s32 $0x17200, s3;
	v37 =	vld.idx.msk [tilespmem:v29+s17+$0x0], $0xffff  }
0x344: {  	s25 =	sor.u32 s29, s24;
	v41 =	vld.idx.msk [tilespmem:v30+s17+$0x0], $0xffff;
	[tilespmem:s1+$0x0] =	vst v38  }
0x345: {  	s28 =	sadd.s32 $0x17180, s9;
	v12 =	vmul.f32 v33, v10;
	[tilespmem:s25+$0x0] =	vst v18;
	v20 =	vld.idx.msk [tilespmem:v20+s17+$0x0], $0xffff  }
0x346: {  	s4 =	sor.u32 s13, s28;
	v14 =	vmul.f32 v46, v2;
	[tilespmem:s14+$0x0] =	vst v44;
	v47 =	vld.idx.msk [tilespmem:v22+s17+$0x0], $0xffff  }
0x347: {  	v40 =	vadd.s32 $0x2A80, v5;
	s10 =	sor.u32 s31, s24;
	v51 =	vmul.f32 v17, v6;
	[tilespmem:s4+$0x0] =	vst v12  }
0x348: {  	s1 =	sor.u32 s26, s28;
	[tilespmem:s10+$0x0] =	vst v14;
	v13 =	vmul.f32 v37, v7  }
0x349: {  	s5 =	sor.u32 s22, s28;
	[tilespmem:s1+$0x0] =	vst v51;
	v49 =	vmul.f32 v41, v9  }
0x34a: {  	v19 =	vadd.s32 $0x2A00, v11;
	s6 =	sor.u32 s8, s28;
	[tilespmem:s5+$0x0] =	vst v13;
	v52 =	vmul.f32 v20, v1  }
0x34b: {  	s7 =	sor.u32 s30, s24;
	v18 =	vmul.f32 v47, v0;
	[tilespmem:s6+$0x0] =	vst v49  }
0x34c: {  	s0 =	sor.u32 s15, s24;
	v15 =	vld.idx.msk [tilespmem:v40+s17+$0x0], $0xffff;
	[tilespmem:s7+$0x0] =	vst v52  }
0x34d: {  	v48 =	vadd.s32 $0x2A00, v8;
	v59 =	vld [tilespmem:$0x1FEE0];
	[tilespmem:s0+$0x0] =	vst v18  }
0x34e: {  	v18 =	vld [tilespmem:$0x1FEF0]  }
0x34f: {  	v54 =	vadd.s32 $0x2A80, v4;
	v50 =	vld.idx.msk [tilespmem:v19+s17+$0x0], $0xffff  }
0x350: {  	v53 =	vld.idx.msk [tilespmem:v39+s17+$0x0], $0xffff  }
0x351: {  	v55 =	vld.idx.msk [tilespmem:v42+s17+$0x0], $0xffff  }
0x352: {  	v57 =	vld.idx.msk [tilespmem:v48+s17+$0x0], $0xffff  }
0x353: {  	s11 =	sadd.s32 $0x17280, s3;
	v58 =	vmul.f32 v15, v3  }
0x354: {  	s12 =	sor.u32 s29, s11;
	s14 =	sadd.s32 $0x17200, s9;
	v13 =	vmul.f32 v50, v10;
	v12 =	vld.idx.msk [tilespmem:v54+s17+$0x0], $0xffff  }
0x355: {  	s18 =	sor.u32 s13, s14;
	v19 =	vmul.f32 v53, v7;
	[tilespmem:s12+$0x0] =	vst v58;
	v15 =	vld.idx.msk [tilespmem:v59+s17+$0x0], $0xffff  }
0x356: {  	v56 =	vadd.s32 $0x2A80, v11;
	s19 =	sor.u32 s22, s14;
	v27 =	vmul.f32 v55, v9;
	[tilespmem:s18+$0x0] =	vst v13;
	v18 =	vld.idx.msk [tilespmem:v18+s17+$0x0], $0xffff  }
0x357: {  	s20 =	sor.u32 s8, s14;
	v29 =	vmul.f32 v57, v6;
	[tilespmem:s19+$0x0] =	vst v19  }
0x358: {  	s21 =	sor.u32 s26, s14;
	[tilespmem:s20+$0x0] =	vst v27  }
0x359: {  	[tilespmem:s21+$0x0] =	vst v29;
	v12 =	vmul.f32 v12, v0  }
0x35a: {  	v60 =	vadd.s32 $0x2A80, v8;
	s1 =	sor.u32 s15, s11;
	[tilespmem:s23+$0x0] =	vst v43;
	v15 =	vmul.f32 v15, v1  }
0x35b: {  	v24 =	vadd.s32 $0x2B00, v5;
	s23 =	sor.u32 s30, s11;
	v28 =	vld.idx.msk [tilespmem:v56+s17+$0x0], $0xffff;
	[tilespmem:s1+$0x0] =	vst v12;
	v18 =	vmul.f32 v18, v2  }
0x35c: {  	s24 =	sor.u32 s31, s11;
	v31 =	vadd.s32 $0x2B00, v4;
	v30 =	vld.idx.msk [tilespmem:v35+s17+$0x0], $0xffff;
	[tilespmem:s23+$0x0] =	vst v15  }
0x35d: {  	v32 =	vld.idx.msk [tilespmem:v36+s17+$0x0], $0xffff;
	[tilespmem:s24+$0x0] =	vst v18  }
0x35e: {  	v33 =	vadd.s32 $0x2B00, v11;
	v12 =	vld [tilespmem:$0x1FF00]  }
0x35f: {  	v14 =	vld.idx.msk [tilespmem:v60+s17+$0x0], $0xffff  }
0x360: {  	s25 =	sadd.s32 $0x17280, s9;
	v34 =	vld.idx.msk [tilespmem:v24+s17+$0x0], $0xffff;
	v16 =	vmul.f32 v28, v10  }
0x361: {  	s28 =	sor.u32 s13, s25;
	v13 =	vmul.f32 v30, v7;
	v17 =	vld.idx.msk [tilespmem:v31+s17+$0x0], $0xffff  }
0x362: {  	s2 =	sor.u32 s22, s25;
	v38 =	vmul.f32 v32, v9;
	v35 =	vld.idx.msk [tilespmem:v62+s17+$0x0], $0xffff;
	[tilespmem:s28+$0x0] =	vst v16  }
0x363: {  	s4 =	sor.u32 s8, s25;
	[tilespmem:s2+$0x0] =	vst v13;
	v39 =	vld.idx.msk [tilespmem:v33+s17+$0x0], $0xffff  }
0x364: {  	v14 =	vmul.f32 v14, v6;
	[tilespmem:s4+$0x0] =	vst v38;
	v40 =	vld.idx.msk [tilespmem:v26+s17+$0x0], $0xffff  }
0x365: {  	s5 =	sadd.s32 $0x17300, s3;
	s0 =	sor.u32 s26, s25;
	v15 =	vmul.f32 v34, v3;
	v43 =	vld.idx.msk [tilespmem:v23+s17+$0x0], $0xffff  }
0x366: {  	s6 =	sor.u32 s29, s5;
	v46 =	vmul.f32 v17, v0;
	[tilespmem:s0+$0x0] =	vst v14;
	v12 =	vld.idx.msk [tilespmem:v12+s17+$0x0], $0xffff  }
0x367: {  	s1 =	sor.u32 s15, s5;
	[tilespmem:s6+$0x0] =	vst v15;
	v41 =	vmul.f32 v35, v1  }
0x368: {  	s7 =	sor.u32 s30, s5;
	s11 =	sadd.s32 $0x17300, s9;
	[tilespmem:s1+$0x0] =	vst v46;
	v48 =	vmul.f32 v39, v10  }
0x369: {  	s12 =	sor.u32 s13, s11;
	[tilespmem:s7+$0x0] =	vst v41;
	v50 =	vmul.f32 v40, v7  }
0x36a: {  	v36 =	vadd.s32 $0x2B00, v8;
	s14 =	sor.u32 s22, s11;
	v52 =	vmul.f32 v43, v9;
	[tilespmem:s12+$0x0] =	vst v48  }
0x36b: {  	v37 =	vadd.s32 $0x2B80, v5;
	s18 =	sor.u32 s8, s11;
	[tilespmem:s14+$0x0] =	vst v50;
	v12 =	vmul.f32 v12, v2  }
0x36c: {  	s10 =	sor.u32 s31, s5;
	[tilespmem:s18+$0x0] =	vst v52  }
0x36d: {  	v42 =	vadd.s32 $0x2B80, v4;
	[tilespmem:s10+$0x0] =	vst v12  }
0x36e: {  	v44 =	vadd.s32 $0x2B80, v11;
	v55 =	vld [tilespmem:$0x1FF50]  }
0x36f: {  	v45 =	vld.idx.msk [tilespmem:v36+s17+$0x0], $0xffff  }
0x370: {  	v5 =	vld.idx.msk [tilespmem:v37+s17+$0x0], $0xffff  }
0x371: {  	v47 =	vld.idx.msk [tilespmem:v63+s17+$0x0], $0xffff  }
0x372: {  	v4 =	vld.idx.msk [tilespmem:v42+s17+$0x0], $0xffff  }
0x373: {  	v11 =	vld.idx.msk [tilespmem:v44+s17+$0x0], $0xffff  }
0x374: {  	v51 =	vadd.s32 $0x2B80, v8;
	v53 =	vmul.f32 v45, v6;
	v12 =	vld.idx.msk [tilespmem:v25+s17+$0x0], $0xffff  }
0x375: {  	s19 =	sadd.s32 $0x17380, s3;
	s0 =	sor.u32 s26, s11;
	v54 =	vmul.f32 v5, v3;
	v49 =	vld.idx.msk [tilespmem:v61+s17+$0x0], $0xffff  }
0x376: {  	s20 =	sor.u32 s29, s19;
	v56 =	vmul.f32 v47, v1;
	[tilespmem:s0+$0x0] =	vst v53;
	v5 =	vld.idx.msk [tilespmem:v55+s17+$0x0], $0xffff  }
0x377: {  	s21 =	sor.u32 s30, s19;
	v59 =	vmul.f32 v4, v0;
	[tilespmem:s20+$0x0] =	vst v54  }
0x378: {  	s24 =	sadd.s32 $0x17380, s9;
	s1 =	sor.u32 s15, s19;
	v60 =	vmul.f32 v11, v10;
	[tilespmem:s21+$0x0] =	vst v56  }
0x379: {  	s25 =	sor.u32 s13, s24;
	[tilespmem:s1+$0x0] =	vst v59;
	v58 =	vld.idx.msk [tilespmem:v51+s17+$0x0], $0xffff;
	v62 =	vmul.f32 v12, v9  }
0x37a: {  	s29 =	sor.u32 s8, s24;
	[tilespmem:s25+$0x0] =	vst v60;
	v57 =	vmul.f32 v49, v2  }
0x37b: {  	s23 =	sor.u32 s31, s19;
	[tilespmem:s29+$0x0] =	vst v62;
	v61 =	vmul.f32 v5, v7  }
0x37c: {  	s28 =	sor.u32 s22, s24;
	[tilespmem:s23+$0x0] =	vst v57  }
.Ltmp4:
0x37d: {  	[tilespmem:s28+$0x0] =	vst v61;
	(pc) =	sbr.rel @p0 .LBB2_8-.Ltmp4, $4  }
0x37e: {  	v63 =	vmul.f32 v58, v6;
	s1 =	rddreg [dreg:$0x17]  }
0x37f: {  	s30 =	rddreg [dreg:$0x3];
	s0 =	sor.u32 s26, s24;
	s1 =	sshll.u32 s1, $0x8  }
0x380: {  	s31 =	simm.s32 $0x13000;
	s6 =	simm.s32 $0x0;
	[tilespmem:s0+$0x0] =	vst v63;
	s0 =	sadd.s32 s30, s1  }
0x381: {  	[hbm4b:s0+s6] =	stream.linear.scatter [tilespmem:s31], [sflag:$0x4], $0x8000, $0x38;
	[tilespmem:$0x1B000] =	vst v63  }
0x382: {  	s0 =	rddreg [dreg:$0x12]  }
0x383: {  	s1 =	rddreg [dreg:$0x16]  }
0x384: {  	s0 =	sadd.s32 s1, s0  }
.Ltmp5:
0x385: {  	s0 =	sshrl.u32 s0, $0x3;
	(pc) =	sbr.rel .LBB2_2-.Ltmp5, $4  }
0x386: {  	s31 =	rddreg [dreg:$0x0];
	s0 =	smul.u32 $0x500, s0  }
0x387: {  	s15 =	rddreg [dreg:$0x15]  }
0x388: {  	s15 =	sadd.s32 $0x1, s15;
	s0 =	sadd.s32 s31, s0  }
0x389: {  	[tilespmem:s17], [sflag:$0x2] =	stream.linear.gather [hbm4b:s0+s6], $0x5000, $0x38;
	[tilespmem:$0x1B000] =	vst v63  }
.LBB2_9:
0x38a: {  	_ =	sfence.sel $0x180000  }
0x38b: {  	[bflag:$0x0] =	sbarrier.arrive $0xFFFF  }
0x38c: {  	_ =	strace $0x90000047  }
0x38d: {  	s0 =	stileid.u32;
	[bflag:$0x2] =	sbarrier.arrive $0xFFFF  }
0x38e: {  	p0 =	sne.s32 s0, $0x0;
	s0 =	rddreg [dreg:$0x4]  }
0x38f: {  	s0 =	sadd.s32 @!p0 $0x100000, s0  }
0x390: {  	[sflag:s0] =	ssyncadd.tile.s32 @!p0 $0x1;
	_ =	shalt  }
.Lfunc_end2:
_tile_overlayer_lowered:
.L_overlay_start_2:
0x391: {  	(tag) =	ssettag $0x2  }
0x392: {  	s0 =	rddreg [dreg:$0x0];
	s2 =	stileid.u32  }
0x393: {  	s1 =	rddreg [dreg:$0x1];
	p0 =	sne.s32 s2, $0x0  }
0x394: {  	s3 =	rddreg [dreg:$0x2];
	[bflag:$0x3] =	sbarrier.arrive $0xFFFF;
	s2 =	simm.s32 @!p0 $0x1C05  }
0x395: {  	[timem:s3], [sflag:s2] =	dma.local @!p0 [hbm:s0], s1  }
0x396: {  	s0 =	simm.s32 @!p0 $0x5  }
0x397: {  	_ =	swait.ge @!p0 [sflag:s0], s1  }
0x398: {  	s1 =	ssub.s32 @!p0 $0x0, s1;
	[sflag:s0] =	ssyncset.done @!p0 $0x0  }
0x399: {  	[sflag:s0] =	ssyncadd.s32 @!p0 s1  }
0x39a: {  	[bflag:$0x3] =	sbarrier.arrive $0xFFFF  }
0x39b: {  	_ =	shalt  }

</sc_bundles>
